<compile_context>
chip_gen: v7x
topology: tpu7x:2x2x1
jax: 0.10.2.dev20260603
libtpu: 0.0.44.dev20260713+nightly
codegen_flags: <defaults>
</compile_context>

<pallas_src>
import functools

import jax
import jax.numpy as jnp
from jax import lax
from jax.experimental import pallas as pl
from jax.experimental.pallas import tpu as pltpu
from jax.experimental.pallas import tpu_sc as plsc

N = 10000
E = 320000
F = 128
R = 16
NBASES = 4

NC = 2
NS = 16
NTILES = NC * NS
EPT = E // NTILES
K = 80
NBT = EPT // K
C = 25
NCHUNK = NBT // C
NFL = 10
FRPT = N // NFL
ZROWS = 40


def _zr_body(coeff_ref, w_ref, feat_ref, lw_ref, bias_ref, zr_ref, sl_ref,
             wr_all):
    i = pl.program_id(0)

    @pl.when(i == 0)
    def _build_wr_table():
        for rr in range(R):
            wr_all[:, rr * F:(rr + 1) * F] = (
                coeff_ref[rr, 0] * w_ref[0] + coeff_ref[rr, 1] * w_ref[1]
                + coeff_ref[rr, 2] * w_ref[2] + coeff_ref[rr, 3] * w_ref[3])

    wide = jnp.dot(feat_ref[...], wr_all[...],
                   preferred_element_type=jnp.float32)
    for rr in range(R):
        zr_ref[rr] = wide[:, rr * F:(rr + 1) * F]
    sl_ref[...] = bias_ref[...] + jnp.dot(feat_ref[...], lw_ref[...],
                                          preferred_element_type=jnp.float32)


def _build_zr(coeff, W, feat, lw, bias2d):
    bn = 1000
    nb = N // bn
    return pl.pallas_call(
        _zr_body,
        grid=(nb,),
        in_specs=[
            pl.BlockSpec(memory_space=pltpu.SMEM),
            pl.BlockSpec((NBASES, F, F), lambda i: (0, 0, 0)),
            pl.BlockSpec((bn, F), lambda i: (i, 0)),
            pl.BlockSpec((F, F), lambda i: (0, 0)),
            pl.BlockSpec((1, F), lambda i: (0, 0)),
        ],
        out_specs=[
            pl.BlockSpec((R, bn, F), lambda i: (0, i, 0)),
            pl.BlockSpec((bn, F), lambda i: (i, 0)),
        ],
        out_shape=[
            jax.ShapeDtypeStruct((R, N, F), jnp.float32),
            jax.ShapeDtypeStruct((N, F), jnp.float32),
        ],
        scratch_shapes=[pltpu.VMEM((F, R * F), jnp.float32)],
    )(coeff, W, feat, lw, bias2d)


def _sc_agg_body(zr, ei, et, out, ridx_v, et_v, dst_v, rows_v,
                 zbuf, acc, sem, isem):
    c = lax.axis_index("c")
    s = lax.axis_index("s")
    wid = c * NS + s
    base = s * FRPT

    def _stage(ch, pc):
        pltpu.async_copy(ei.at[0].at[wid].at[ch], ridx_v.at[pc], isem)
        pltpu.async_copy(et.at[wid].at[ch], et_v.at[pc], isem)
        pltpu.async_copy(ei.at[1].at[wid].at[ch], dst_v.at[pc], isem)

    def _stage_wait(ch, pc):
        pltpu.make_async_copy(ei.at[0].at[wid].at[ch], ridx_v.at[pc],
                              isem).wait()
        pltpu.make_async_copy(et.at[wid].at[ch], et_v.at[pc], isem).wait()
        pltpu.make_async_copy(ei.at[1].at[wid].at[ch], dst_v.at[pc],
                              isem).wait()
        def _cvt(i, cy):
            for j in range(K // 16):
                sl = pl.ds(j * 16, 16)
                ridx_v[pc, i, sl] = ridx_v[pc, i, sl] + et_v[pc, i, sl] * N
            return cy
        lax.fori_loop(0, C, _cvt, 0)

    _stage(0, 0)

    @pl.when(s < NFL)
    def _zero():
        zero16 = jnp.zeros((16,), jnp.float32)
        def _zrow(i, carry):
            for j in range(F // 16):
                zbuf[i, pl.ds(j * 16, 16)] = zero16
            return carry
        lax.fori_loop(0, ZROWS, _zrow, 0)
        for j in range(FRPT // ZROWS):
            pltpu.sync_copy(zbuf, acc.at[pl.ds(base + j * ZROWS, ZROWS)])

    _stage_wait(0, 0)
    plsc.subcore_barrier()

    def _chunk(ch, carry):
        pc = lax.rem(ch, 2)
        qc = lax.rem(ch + 1, 2)

        @pl.when(ch + 1 < NCHUNK)
        def _prefetch_idx():
            _stage(ch + 1, qc)

        pltpu.async_copy(zr.at[ridx_v.at[pc].at[0]], rows_v.at[0], sem.at[0])

        def _edge(i, cy):
            p = lax.rem(i, 2)
            q = lax.rem(i + 1, 2)

            @pl.when(i + 1 < C)
            def _prefetch():
                pltpu.async_copy(zr.at[ridx_v.at[pc].at[i + 1]], rows_v.at[q],
                                 sem.at[q])
            pltpu.make_async_copy(zr.at[ridx_v.at[pc].at[i]], rows_v.at[p],
                                  sem.at[p]).wait()
            pltpu.sync_copy(rows_v.at[p], acc.at[dst_v.at[pc].at[i]], add=True)
            return cy
        lax.fori_loop(0, C, _edge, 0)

        @pl.when(ch + 1 < NCHUNK)
        def _wait_idx():
            _stage_wait(ch + 1, qc)
        return carry
    lax.fori_loop(0, NCHUNK, _chunk, 0)
    plsc.subcore_barrier()

    @pl.when(s < NFL)
    def _flush():
        pltpu.sync_copy(acc.at[pl.ds(base, FRPT)],
                        out.at[c].at[pl.ds(base, FRPT)])


def _sc_agg(zr2, ei, et):
    mesh = plsc.VectorSubcoreMesh(core_axis_name="c", subcore_axis_name="s")
    fn = functools.partial(
        pl.kernel,
        mesh=mesh,
        out_type=jax.ShapeDtypeStruct((NC, N, F), jnp.float32),
        scratch_types=[
            pltpu.VMEM((2, C, K), jnp.int32),
            pltpu.VMEM((2, C, K), jnp.int32),
            pltpu.VMEM((2, C, K), jnp.int32),
            pltpu.VMEM((2, K, F), jnp.float32),
            pltpu.VMEM((ZROWS, F), jnp.float32),
            pltpu.VMEM_SHARED((N, F), jnp.float32),
            pltpu.SemaphoreType.DMA((2,)),
            pltpu.SemaphoreType.DMA,
        ],
    )(_sc_agg_body)
    return fn(zr2, ei, et)


def _combine_body(p0_ref, p1_ref, sl_ref, out_ref):
    out_ref[...] = p0_ref[0] + p1_ref[0] + sl_ref[...]


def _combine(parts, sl):
    bn = 2000
    return pl.pallas_call(
        _combine_body,
        grid=(N // bn,),
        in_specs=[
            pl.BlockSpec((1, bn, F), lambda i: (0, i, 0)),
            pl.BlockSpec((1, bn, F), lambda i: (1, i, 0)),
            pl.BlockSpec((bn, F), lambda i: (i, 0)),
        ],
        out_specs=pl.BlockSpec((bn, F), lambda i: (i, 0)),
        out_shape=jax.ShapeDtypeStruct((N, F), jnp.float32),
    )(parts, parts, sl)


def kernel(feat, edge_index, etypes, W, coeff, h_bias, loop_weight):
    zr3, sl = _build_zr(coeff, W, feat, loop_weight,
                        h_bias.reshape(1, F))
    zr2 = zr3.reshape(R * N, F)
    eiR = edge_index.reshape(2, NTILES, NCHUNK, C, K)
    etR = etypes.reshape(NTILES, NCHUNK, C, K)
    parts = _sc_agg(zr2, eiR, etR)
    return _combine(parts, sl)

# --- scband reference (transcript-rebuilt; emitter-appended) ---
"""Pipeline reference for scband-rel-graph-conv-ops-10900626997971 (READ-ONLY COPY).

The authoritative reference and input builder live on the scoring server;
editing this copy changes nothing except your own understanding.
"""

import jax, jax.numpy as jnp
import numpy as np

N = 10000
E = 320000
IN_FEAT = 128
OUT_FEAT = 128
NUM_RELS = 16
NUM_BASES = 4


def setup_inputs(seed: int = 0) -> dict:
    key = jax.random.key(seed)
    k1, k2, k3, k4, k5, k6 = jax.random.split(key, 6)
    feat = jax.random.normal(k1, (N, IN_FEAT), dtype=jnp.float32)
    edge_index = jax.random.randint(k2, (2, E), 0, N, dtype=jnp.int32)
    etypes = jax.random.randint(k3, (E,), 0, NUM_RELS, dtype=jnp.int32)
    # Parameters sized per init_kwargs (regularizer='basis')
    bound = 1.0 / np.sqrt(IN_FEAT)
    W = jax.random.uniform(k4, (NUM_BASES, IN_FEAT, OUT_FEAT), dtype=jnp.float32, minval=-bound, maxval=bound)
    coeff = jax.random.normal(k5, (NUM_RELS, NUM_BASES), dtype=jnp.float32) * 0.5
    h_bias = jnp.zeros((OUT_FEAT,), dtype=jnp.float32)
    loop_weight = jax.random.normal(k6, (IN_FEAT, OUT_FEAT), dtype=jnp.float32) * (1.0 / np.sqrt(IN_FEAT))
    return {"feat": feat, "edge_index": edge_index, "etypes": etypes,
            "W": W, "coeff": coeff, "h_bias": h_bias, "loop_weight": loop_weight}


def reference(feat, edge_index, etypes, W, coeff, h_bias, loop_weight):
    # R-GCN with basis decomposition.
    # agg_out[dst] = sum_{e: src->dst} outer(coeff[etype[e]], feat[src]) flattened as [basis, in_feat]
    src = edge_index[0]
    dst = edge_index[1]
    gathered = feat[src]                      # (E, IN_FEAT) gather
    ew = coeff[etypes]                        # (E, NUM_BASES) gather
    parts = []
    for b in range(NUM_BASES):
        contrib = gathered * ew[:, b:b + 1]   # (E, IN_FEAT)
        parts.append(jax.ops.segment_sum(contrib, dst, num_segments=N))  # scatter-add
    agg_out = jnp.concatenate(parts, axis=1)  # (N, NUM_BASES*IN_FEAT), basis-major layout
    h = agg_out @ W.reshape(NUM_BASES * IN_FEAT, OUT_FEAT)
    # bias=True
    h = h + h_bias
    # self_loop=True: num_dst_nodes == N here
    h = h + feat @ loop_weight
    # activation=None, dropout=0.0, layer_norm=False -> identity
    return h

if __name__ == "__main__":
    import jax
    _d = setup_inputs()
    print(jax.jit(kernel)(*tuple(_d.values())))

</pallas_src>

<mosaic_0001>
#map = affine_map<(d0, d1) -> (0, 0)>
#map1 = affine_map<(d0, d1) -> (0, 0, 0, 0, 0)>
#map2 = affine_map<(d0, d1) -> (0, 0, 0, 0)>
#map3 = affine_map<(d0, d1) -> (0, 0, 0)>
module attributes {stable_mosaic.version = 14 : i64} {
  func.func @_sc_agg_body(%arg0: i32, %arg1: i32, %arg2: memref<160000x128xf32, #tpu.memory_space<hbm>>, %arg3: memref<2x32x5x25x80xi32, #tpu.memory_space<hbm>>, %arg4: memref<32x5x25x80xi32, #tpu.memory_space<hbm>>, %arg5: memref<2x10000x128xf32, #tpu.memory_space<hbm>>, %arg6: memref<2x25x80xi32, #tpu.memory_space<vmem>>, %arg7: memref<2x25x80xi32, #tpu.memory_space<vmem>>, %arg8: memref<2x25x80xi32, #tpu.memory_space<vmem>>, %arg9: memref<2x80x128xf32, #tpu.memory_space<vmem>>, %arg10: memref<40x128xf32, #tpu.memory_space<vmem>>, %arg11: memref<10000x128xf32, #tpu.memory_space<vmem_shared>>, %arg12: memref<2x!tpu.dma_semaphore, #tpu.memory_space<semaphore_mem>>, %arg13: memref<!tpu.dma_semaphore, #tpu.memory_space<semaphore_mem>>) attributes {dimension_semantics = [#tpu.dimension_semantics<core_parallel>, #tpu.dimension_semantics<subcore_parallel>], iteration_bounds = array<i64: 2, 16>, scalar_prefetch = 0 : i64, scratch_operands = 8 : i64, tpu.core_type = #tpu.core_type<sc_vector_subcore>, window_params = [{transform_indices = #map}, {transform_indices = #map1}, {transform_indices = #map2}, {transform_indices = #map3}]} {
    %mul3A = arith.constant 16 : i32
    %mul3A_0 = arith.muli %arg0, %mul3A : i32
    %add3A = arith.addi %mul3A_0, %arg1 : i32
    %mul3A_1 = arith.constant 1000 : i32
    %mul3A_2 = arith.muli %arg1, %mul3A_1 : i32
    %dma_start3A = arith.constant 0 : i32
    %dma_start3A_3 = arith.constant 0 : i32
    %dma_start3A_4 = arith.constant 0 : i32
    %dma_start3A_5 = arith.constant 0 : i32
    %dma_start3A_6 = arith.constant 0 : i32
    %dma_start3A_7 = tpu.memref_slice %arg6[%dma_start3A_4, %dma_start3A_5, %dma_start3A_6] : memref<2x25x80xi32, #tpu.memory_space<vmem>> -> memref<1x25x80xi32, #tpu.memory_space<vmem>>
    %dma_start3A_8 = tpu.memref_squeeze %dma_start3A_7 : memref<1x25x80xi32, #tpu.memory_space<vmem>> -> memref<25x80xi32, #tpu.memory_space<vmem>>
    %dma_start3A_9 = arith.constant 0 : i32
    %dma_start3A_10 = arith.constant 0 : i32
    %dma_start3A_11 = arith.constant 0 : i32
    %dma_start3A_12 = arith.constant 0 : i32
    %dma_start3A_13 = tpu.memref_slice %arg3[%dma_start3A, %dma_start3A_9, %dma_start3A_10, %dma_start3A_11, %dma_start3A_12] : memref<2x32x5x25x80xi32, #tpu.memory_space<hbm>> -> memref<1x32x5x25x80xi32, #tpu.memory_space<hbm>>
    %dma_start3A_14 = tpu.memref_squeeze %dma_start3A_13 : memref<1x32x5x25x80xi32, #tpu.memory_space<hbm>> -> memref<32x5x25x80xi32, #tpu.memory_space<hbm>>
    %dma_start3A_15 = arith.constant 0 : i32
    %dma_start3A_16 = arith.constant 0 : i32
    %dma_start3A_17 = arith.constant 0 : i32
    %dma_start3A_18 = tpu.memref_slice %dma_start3A_14[%add3A, %dma_start3A_15, %dma_start3A_16, %dma_start3A_17] : memref<32x5x25x80xi32, #tpu.memory_space<hbm>> -> memref<1x5x25x80xi32, #tpu.memory_space<hbm>>
    %dma_start3A_19 = tpu.memref_squeeze %dma_start3A_18 : memref<1x5x25x80xi32, #tpu.memory_space<hbm>> -> memref<5x25x80xi32, #tpu.memory_space<hbm>>
    %dma_start3A_20 = arith.constant 0 : i32
    %dma_start3A_21 = arith.constant 0 : i32
    %dma_start3A_22 = tpu.memref_slice %dma_start3A_19[%dma_start3A_3, %dma_start3A_20, %dma_start3A_21] : memref<5x25x80xi32, #tpu.memory_space<hbm>> -> memref<1x25x80xi32, #tpu.memory_space<hbm>>
    %dma_start3A_23 = tpu.memref_squeeze %dma_start3A_22 : memref<1x25x80xi32, #tpu.memory_space<hbm>> -> memref<25x80xi32, #tpu.memory_space<hbm>>
    %dma_start3A_24 = arith.constant 0 : i32
    %dma_start3A_25 = arith.constant 0 : i32
    %dma_start3A_26 = tpu.memref_slice %arg6[%dma_start3A_4, %dma_start3A_24, %dma_start3A_25] : memref<2x25x80xi32, #tpu.memory_space<vmem>> -> memref<1x25x80xi32, #tpu.memory_space<vmem>>
    %dma_start3A_27 = tpu.memref_squeeze %dma_start3A_26 : memref<1x25x80xi32, #tpu.memory_space<vmem>> -> memref<25x80xi32, #tpu.memory_space<vmem>>
    %dma_start3A_28 = arith.constant 0 : i32
    %dma_start3A_29 = arith.constant 0 : i32
    %dma_start3A_30 = arith.constant 0 : i32
    %dma_start3A_31 = arith.constant 0 : i32
    %dma_start3A_32 = tpu.memref_slice %arg3[%dma_start3A, %dma_start3A_28, %dma_start3A_29, %dma_start3A_30, %dma_start3A_31] : memref<2x32x5x25x80xi32, #tpu.memory_space<hbm>> -> memref<1x32x5x25x80xi32, #tpu.memory_space<hbm>>
    %dma_start3A_33 = tpu.memref_squeeze %dma_start3A_32 : memref<1x32x5x25x80xi32, #tpu.memory_space<hbm>> -> memref<32x5x25x80xi32, #tpu.memory_space<hbm>>
    %dma_start3A_34 = arith.constant 0 : i32
    %dma_start3A_35 = arith.constant 0 : i32
    %dma_start3A_36 = arith.constant 0 : i32
    %dma_start3A_37 = tpu.memref_slice %dma_start3A_33[%add3A, %dma_start3A_34, %dma_start3A_35, %dma_start3A_36] : memref<32x5x25x80xi32, #tpu.memory_space<hbm>> -> memref<1x5x25x80xi32, #tpu.memory_space<hbm>>
    %dma_start3A_38 = tpu.memref_squeeze %dma_start3A_37 : memref<1x5x25x80xi32, #tpu.memory_space<hbm>> -> memref<5x25x80xi32, #tpu.memory_space<hbm>>
    %dma_start3A_39 = arith.constant 0 : i32
    %dma_start3A_40 = arith.constant 0 : i32
    %dma_start3A_41 = tpu.memref_slice %dma_start3A_38[%dma_start3A_3, %dma_start3A_39, %dma_start3A_40] : memref<5x25x80xi32, #tpu.memory_space<hbm>> -> memref<1x25x80xi32, #tpu.memory_space<hbm>>
    %dma_start3A_42 = tpu.memref_squeeze %dma_start3A_41 : memref<1x25x80xi32, #tpu.memory_space<hbm>> -> memref<25x80xi32, #tpu.memory_space<hbm>>
    tpu.enqueue_dma source(%dma_start3A_42 : memref<25x80xi32, #tpu.memory_space<hbm>>) target(%dma_start3A_27 : memref<25x80xi32, #tpu.memory_space<vmem>>) target_semaphore(%arg13 : memref<!tpu.dma_semaphore, #tpu.memory_space<semaphore_mem>>)
    %dma_start3A_43 = arith.constant 0 : i32
    %dma_start3A_44 = arith.constant 0 : i32
    %dma_start3A_45 = arith.constant 0 : i32
    %dma_start3A_46 = arith.constant 0 : i32
    %dma_start3A_47 = tpu.memref_slice %arg7[%dma_start3A_44, %dma_start3A_45, %dma_start3A_46] : memref<2x25x80xi32, #tpu.memory_space<vmem>> -> memref<1x25x80xi32, #tpu.memory_space<vmem>>
    %dma_start3A_48 = tpu.memref_squeeze %dma_start3A_47 : memref<1x25x80xi32, #tpu.memory_space<vmem>> -> memref<25x80xi32, #tpu.memory_space<vmem>>
    %dma_start3A_49 = arith.constant 0 : i32
    %dma_start3A_50 = arith.constant 0 : i32
    %dma_start3A_51 = arith.constant 0 : i32
    %dma_start3A_52 = tpu.memref_slice %arg4[%add3A, %dma_start3A_49, %dma_start3A_50, %dma_start3A_51] : memref<32x5x25x80xi32, #tpu.memory_space<hbm>> -> memref<1x5x25x80xi32, #tpu.memory_space<hbm>>
    %dma_start3A_53 = tpu.memref_squeeze %dma_start3A_52 : memref<1x5x25x80xi32, #tpu.memory_space<hbm>> -> memref<5x25x80xi32, #tpu.memory_space<hbm>>
    %dma_start3A_54 = arith.constant 0 : i32
    %dma_start3A_55 = arith.constant 0 : i32
    %dma_start3A_56 = tpu.memref_slice %dma_start3A_53[%dma_start3A_43, %dma_start3A_54, %dma_start3A_55] : memref<5x25x80xi32, #tpu.memory_space<hbm>> -> memref<1x25x80xi32, #tpu.memory_space<hbm>>
    %dma_start3A_57 = tpu.memref_squeeze %dma_start3A_56 : memref<1x25x80xi32, #tpu.memory_space<hbm>> -> memref<25x80xi32, #tpu.memory_space<hbm>>
    %dma_start3A_58 = arith.constant 0 : i32
    %dma_start3A_59 = arith.constant 0 : i32
    %dma_start3A_60 = tpu.memref_slice %arg7[%dma_start3A_44, %dma_start3A_58, %dma_start3A_59] : memref<2x25x80xi32, #tpu.memory_space<vmem>> -> memref<1x25x80xi32, #tpu.memory_space<vmem>>
    %dma_start3A_61 = tpu.memref_squeeze %dma_start3A_60 : memref<1x25x80xi32, #tpu.memory_space<vmem>> -> memref<25x80xi32, #tpu.memory_space<vmem>>
    %dma_start3A_62 = arith.constant 0 : i32
    %dma_start3A_63 = arith.constant 0 : i32
    %dma_start3A_64 = arith.constant 0 : i32
    %dma_start3A_65 = tpu.memref_slice %arg4[%add3A, %dma_start3A_62, %dma_start3A_63, %dma_start3A_64] : memref<32x5x25x80xi32, #tpu.memory_space<hbm>> -> memref<1x5x25x80xi32, #tpu.memory_space<hbm>>
    %dma_start3A_66 = tpu.memref_squeeze %dma_start3A_65 : memref<1x5x25x80xi32, #tpu.memory_space<hbm>> -> memref<5x25x80xi32, #tpu.memory_space<hbm>>
    %dma_start3A_67 = arith.constant 0 : i32
    %dma_start3A_68 = arith.constant 0 : i32
    %dma_start3A_69 = tpu.memref_slice %dma_start3A_66[%dma_start3A_43, %dma_start3A_67, %dma_start3A_68] : memref<5x25x80xi32, #tpu.memory_space<hbm>> -> memref<1x25x80xi32, #tpu.memory_space<hbm>>
    %dma_start3A_70 = tpu.memref_squeeze %dma_start3A_69 : memref<1x25x80xi32, #tpu.memory_space<hbm>> -> memref<25x80xi32, #tpu.memory_space<hbm>>
    tpu.enqueue_dma source(%dma_start3A_70 : memref<25x80xi32, #tpu.memory_space<hbm>>) target(%dma_start3A_61 : memref<25x80xi32, #tpu.memory_space<vmem>>) target_semaphore(%arg13 : memref<!tpu.dma_semaphore, #tpu.memory_space<semaphore_mem>>)
    %dma_start3A_71 = arith.constant 1 : i32
    %dma_start3A_72 = arith.constant 0 : i32
    %dma_start3A_73 = arith.constant 0 : i32
    %dma_start3A_74 = arith.constant 0 : i32
    %dma_start3A_75 = arith.constant 0 : i32
    %dma_start3A_76 = tpu.memref_slice %arg8[%dma_start3A_73, %dma_start3A_74, %dma_start3A_75] : memref<2x25x80xi32, #tpu.memory_space<vmem>> -> memref<1x25x80xi32, #tpu.memory_space<vmem>>
    %dma_start3A_77 = tpu.memref_squeeze %dma_start3A_76 : memref<1x25x80xi32, #tpu.memory_space<vmem>> -> memref<25x80xi32, #tpu.memory_space<vmem>>
    %dma_start3A_78 = arith.constant 0 : i32
    %dma_start3A_79 = arith.constant 0 : i32
    %dma_start3A_80 = arith.constant 0 : i32
    %dma_start3A_81 = arith.constant 0 : i32
    %dma_start3A_82 = tpu.memref_slice %arg3[%dma_start3A_71, %dma_start3A_78, %dma_start3A_79, %dma_start3A_80, %dma_start3A_81] : memref<2x32x5x25x80xi32, #tpu.memory_space<hbm>> -> memref<1x32x5x25x80xi32, #tpu.memory_space<hbm>>
    %dma_start3A_83 = tpu.memref_squeeze %dma_start3A_82 : memref<1x32x5x25x80xi32, #tpu.memory_space<hbm>> -> memref<32x5x25x80xi32, #tpu.memory_space<hbm>>
    %dma_start3A_84 = arith.constant 0 : i32
    %dma_start3A_85 = arith.constant 0 : i32
    %dma_start3A_86 = arith.constant 0 : i32
    %dma_start3A_87 = tpu.memref_slice %dma_start3A_83[%add3A, %dma_start3A_84, %dma_start3A_85, %dma_start3A_86] : memref<32x5x25x80xi32, #tpu.memory_space<hbm>> -> memref<1x5x25x80xi32, #tpu.memory_space<hbm>>
    %dma_start3A_88 = tpu.memref_squeeze %dma_start3A_87 : memref<1x5x25x80xi32, #tpu.memory_space<hbm>> -> memref<5x25x80xi32, #tpu.memory_space<hbm>>
    %dma_start3A_89 = arith.constant 0 : i32
    %dma_start3A_90 = arith.constant 0 : i32
    %dma_start3A_91 = tpu.memref_slice %dma_start3A_88[%dma_start3A_72, %dma_start3A_89, %dma_start3A_90] : memref<5x25x80xi32, #tpu.memory_space<hbm>> -> memref<1x25x80xi32, #tpu.memory_space<hbm>>
    %dma_start3A_92 = tpu.memref_squeeze %dma_start3A_91 : memref<1x25x80xi32, #tpu.memory_space<hbm>> -> memref<25x80xi32, #tpu.memory_space<hbm>>
    %dma_start3A_93 = arith.constant 0 : i32
    %dma_start3A_94 = arith.constant 0 : i32
    %dma_start3A_95 = tpu.memref_slice %arg8[%dma_start3A_73, %dma_start3A_93, %dma_start3A_94] : memref<2x25x80xi32, #tpu.memory_space<vmem>> -> memref<1x25x80xi32, #tpu.memory_space<vmem>>
    %dma_start3A_96 = tpu.memref_squeeze %dma_start3A_95 : memref<1x25x80xi32, #tpu.memory_space<vmem>> -> memref<25x80xi32, #tpu.memory_space<vmem>>
    %dma_start3A_97 = arith.constant 0 : i32
    %dma_start3A_98 = arith.constant 0 : i32
    %dma_start3A_99 = arith.constant 0 : i32
    %dma_start3A_100 = arith.constant 0 : i32
    %dma_start3A_101 = tpu.memref_slice %arg3[%dma_start3A_71, %dma_start3A_97, %dma_start3A_98, %dma_start3A_99, %dma_start3A_100] : memref<2x32x5x25x80xi32, #tpu.memory_space<hbm>> -> memref<1x32x5x25x80xi32, #tpu.memory_space<hbm>>
    %dma_start3A_102 = tpu.memref_squeeze %dma_start3A_101 : memref<1x32x5x25x80xi32, #tpu.memory_space<hbm>> -> memref<32x5x25x80xi32, #tpu.memory_space<hbm>>
    %dma_start3A_103 = arith.constant 0 : i32
    %dma_start3A_104 = arith.constant 0 : i32
    %dma_start3A_105 = arith.constant 0 : i32
    %dma_start3A_106 = tpu.memref_slice %dma_start3A_102[%add3A, %dma_start3A_103, %dma_start3A_104, %dma_start3A_105] : memref<32x5x25x80xi32, #tpu.memory_space<hbm>> -> memref<1x5x25x80xi32, #tpu.memory_space<hbm>>
    %dma_start3A_107 = tpu.memref_squeeze %dma_start3A_106 : memref<1x5x25x80xi32, #tpu.memory_space<hbm>> -> memref<5x25x80xi32, #tpu.memory_space<hbm>>
    %dma_start3A_108 = arith.constant 0 : i32
    %dma_start3A_109 = arith.constant 0 : i32
    %dma_start3A_110 = tpu.memref_slice %dma_start3A_107[%dma_start3A_72, %dma_start3A_108, %dma_start3A_109] : memref<5x25x80xi32, #tpu.memory_space<hbm>> -> memref<1x25x80xi32, #tpu.memory_space<hbm>>
    %dma_start3A_111 = tpu.memref_squeeze %dma_start3A_110 : memref<1x25x80xi32, #tpu.memory_space<hbm>> -> memref<25x80xi32, #tpu.memory_space<hbm>>
    tpu.enqueue_dma source(%dma_start3A_111 : memref<25x80xi32, #tpu.memory_space<hbm>>) target(%dma_start3A_96 : memref<25x80xi32, #tpu.memory_space<vmem>>) target_semaphore(%arg13 : memref<!tpu.dma_semaphore, #tpu.memory_space<semaphore_mem>>)
    %lt3A = arith.constant 10 : i32
    %lt3A_112 = arith.cmpi slt, %arg1, %lt3A : i32
    %convert_element_type3A = arith.extui %lt3A_112 : i1 to i32
    %cond3A = arith.constant 0 : i32
    %cond3A_113 = arith.cmpi ne, %convert_element_type3A, %cond3A : i32
    scf.if %cond3A_113 {
      %broadcast_in_dim3A = arith.constant 0.000000e+00 : f32
      %broadcast_in_dim3A_240 = vector.broadcast %broadcast_in_dim3A : f32 to vector<16xf32>
      %scan3A_241 = arith.constant 0 : i32
      %scan3A_242 = arith.constant 0 : i32
      %scan3A_243 = arith.constant 40 : i32
      %scan3A_244 = arith.addi %scan3A_242, %scan3A_243 : i32
      %scan3A_245 = arith.constant 1 : i32
      scf.for %scan3A_297 = %scan3A_242 to %scan3A_244 step %scan3A_245  : i32 {
        %swap3A = arith.index_cast %scan3A_297 : i32 to index
        %swap3A_298 = arith.constant 0 : index
        %swap3A_299 = tpu.vector_load %arg10[%swap3A, %swap3A_298] {strides = array<i32>} : memref<40x128xf32, #tpu.memory_space<vmem>>, vector<1x16xf32>,
        %swap3A_300 = vector.shape_cast %swap3A_299 : vector<1x16xf32> to vector<16xf32>
        %swap3A_301 = vector.shape_cast %broadcast_in_dim3A_240 : vector<16xf32> to vector<1x16xf32>
        tpu.vector_store %arg10[%swap3A, %swap3A_298], %swap3A_301 {strides = array<i32>} : memref<40x128xf32, #tpu.memory_space<vmem>>, vector<1x16xf32>,
        %swap3A_302 = arith.index_cast %scan3A_297 : i32 to index
        %swap3A_303 = arith.constant 16 : index
        %swap3A_304 = tpu.vector_load %arg10[%swap3A_302, %swap3A_303] {strides = array<i32>} : memref<40x128xf32, #tpu.memory_space<vmem>>, vector<1x16xf32>,
        %swap3A_305 = vector.shape_cast %swap3A_304 : vector<1x16xf32> to vector<16xf32>
        %swap3A_306 = vector.shape_cast %broadcast_in_dim3A_240 : vector<16xf32> to vector<1x16xf32>
        tpu.vector_store %arg10[%swap3A_302, %swap3A_303], %swap3A_306 {strides = array<i32>} : memref<40x128xf32, #tpu.memory_space<vmem>>, vector<1x16xf32>,
        %swap3A_307 = arith.index_cast %scan3A_297 : i32 to index
        %swap3A_308 = arith.constant 32 : index
        %swap3A_309 = tpu.vector_load %arg10[%swap3A_307, %swap3A_308] {strides = array<i32>} : memref<40x128xf32, #tpu.memory_space<vmem>>, vector<1x16xf32>,
        %swap3A_310 = vector.shape_cast %swap3A_309 : vector<1x16xf32> to vector<16xf32>
        %swap3A_311 = vector.shape_cast %broadcast_in_dim3A_240 : vector<16xf32> to vector<1x16xf32>
        tpu.vector_store %arg10[%swap3A_307, %swap3A_308], %swap3A_311 {strides = array<i32>} : memref<40x128xf32, #tpu.memory_space<vmem>>, vector<1x16xf32>,
        %swap3A_312 = arith.index_cast %scan3A_297 : i32 to index
        %swap3A_313 = arith.constant 48 : index
        %swap3A_314 = tpu.vector_load %arg10[%swap3A_312, %swap3A_313] {strides = array<i32>} : memref<40x128xf32, #tpu.memory_space<vmem>>, vector<1x16xf32>,
        %swap3A_315 = vector.shape_cast %swap3A_314 : vector<1x16xf32> to vector<16xf32>
        %swap3A_316 = vector.shape_cast %broadcast_in_dim3A_240 : vector<16xf32> to vector<1x16xf32>
        tpu.vector_store %arg10[%swap3A_312, %swap3A_313], %swap3A_316 {strides = array<i32>} : memref<40x128xf32, #tpu.memory_space<vmem>>, vector<1x16xf32>,
        %swap3A_317 = arith.index_cast %scan3A_297 : i32 to index
        %swap3A_318 = arith.constant 64 : index
        %swap3A_319 = tpu.vector_load %arg10[%swap3A_317, %swap3A_318] {strides = array<i32>} : memref<40x128xf32, #tpu.memory_space<vmem>>, vector<1x16xf32>,
        %swap3A_320 = vector.shape_cast %swap3A_319 : vector<1x16xf32> to vector<16xf32>
        %swap3A_321 = vector.shape_cast %broadcast_in_dim3A_240 : vector<16xf32> to vector<1x16xf32>
        tpu.vector_store %arg10[%swap3A_317, %swap3A_318], %swap3A_321 {strides = array<i32>} : memref<40x128xf32, #tpu.memory_space<vmem>>, vector<1x16xf32>,
        %swap3A_322 = arith.index_cast %scan3A_297 : i32 to index
        %swap3A_323 = arith.constant 80 : index
        %swap3A_324 = tpu.vector_load %arg10[%swap3A_322, %swap3A_323] {strides = array<i32>} : memref<40x128xf32, #tpu.memory_space<vmem>>, vector<1x16xf32>,
        %swap3A_325 = vector.shape_cast %swap3A_324 : vector<1x16xf32> to vector<16xf32>
        %swap3A_326 = vector.shape_cast %broadcast_in_dim3A_240 : vector<16xf32> to vector<1x16xf32>
        tpu.vector_store %arg10[%swap3A_322, %swap3A_323], %swap3A_326 {strides = array<i32>} : memref<40x128xf32, #tpu.memory_space<vmem>>, vector<1x16xf32>,
        %swap3A_327 = arith.index_cast %scan3A_297 : i32 to index
        %swap3A_328 = arith.constant 96 : index
        %swap3A_329 = tpu.vector_load %arg10[%swap3A_327, %swap3A_328] {strides = array<i32>} : memref<40x128xf32, #tpu.memory_space<vmem>>, vector<1x16xf32>,
        %swap3A_330 = vector.shape_cast %swap3A_329 : vector<1x16xf32> to vector<16xf32>
        %swap3A_331 = vector.shape_cast %broadcast_in_dim3A_240 : vector<16xf32> to vector<1x16xf32>
        tpu.vector_store %arg10[%swap3A_327, %swap3A_328], %swap3A_331 {strides = array<i32>} : memref<40x128xf32, #tpu.memory_space<vmem>>, vector<1x16xf32>,
        %swap3A_332 = arith.index_cast %scan3A_297 : i32 to index
        %swap3A_333 = arith.constant 112 : index
        %swap3A_334 = tpu.vector_load %arg10[%swap3A_332, %swap3A_333] {strides = array<i32>} : memref<40x128xf32, #tpu.memory_space<vmem>>, vector<1x16xf32>,
        %swap3A_335 = vector.shape_cast %swap3A_334 : vector<1x16xf32> to vector<16xf32>
        %swap3A_336 = vector.shape_cast %broadcast_in_dim3A_240 : vector<16xf32> to vector<1x16xf32>
        tpu.vector_store %arg10[%swap3A_332, %swap3A_333], %swap3A_336 {strides = array<i32>} : memref<40x128xf32, #tpu.memory_space<vmem>>, vector<1x16xf32>,
      }
      %scan3A_246 = arith.constant 40 : i32
      %add3A_247 = arith.constant 0 : i32
      %add3A_248 = arith.addi %mul3A_2, %add3A_247 : i32
      "tpu.region"() ({
        %run_scoped3A = tpu.sem_alloc : memref<!tpu.dma_semaphore, #tpu.memory_space<semaphore_mem>>
        %dma_start3A_297 = arith.constant 0 : i32
        %dma_start3A_298 = tpu.memref_slice %arg11[%add3A_248, %dma_start3A_297] : memref<10000x128xf32, #tpu.memory_space<vmem_shared>> -> memref<40x128xf32, #tpu.memory_space<vmem_shared>>
        %dma_start3A_299 = arith.constant 0 : i32
        %dma_start3A_300 = tpu.memref_slice %arg11[%add3A_248, %dma_start3A_299] : memref<10000x128xf32, #tpu.memory_space<vmem_shared>> -> memref<40x128xf32, #tpu.memory_space<vmem_shared>>
        tpu.enqueue_dma source(%arg10 : memref<40x128xf32, #tpu.memory_space<vmem>>) target(%dma_start3A_300 : memref<40x128xf32, #tpu.memory_space<vmem_shared>>) target_semaphore(%run_scoped3A : memref<!tpu.dma_semaphore, #tpu.memory_space<semaphore_mem>>)
        %dma_wait3A_301 = arith.constant 0 : i32
        %dma_wait3A_302 = tpu.memref_slice %arg11[%add3A_248, %dma_wait3A_301] : memref<10000x128xf32, #tpu.memory_space<vmem_shared>> -> memref<40x128xf32, #tpu.memory_space<vmem_shared>>
        %dma_wait3A_303 = arith.constant 0 : i32
        %dma_wait3A_304 = tpu.memref_slice %arg11[%add3A_248, %dma_wait3A_303] : memref<10000x128xf32, #tpu.memory_space<vmem_shared>> -> memref<40x128xf32, #tpu.memory_space<vmem_shared>>
        tpu.wait_dma2 semaphore(%run_scoped3A : memref<!tpu.dma_semaphore, #tpu.memory_space<semaphore_mem>>) src(%arg10 : memref<40x128xf32, #tpu.memory_space<vmem>>) dst(%dma_wait3A_304 : memref<40x128xf32, #tpu.memory_space<vmem_shared>>)
        tpu.yield
      }) : () -> ()
      %add3A_249 = arith.constant 40 : i32
      %add3A_250 = arith.addi %mul3A_2, %add3A_249 : i32
      "tpu.region"() ({
        %run_scoped3A = tpu.sem_alloc : memref<!tpu.dma_semaphore, #tpu.memory_space<semaphore_mem>>
        %dma_start3A_297 = arith.constant 0 : i32
        %dma_start3A_298 = tpu.memref_slice %arg11[%add3A_250, %dma_start3A_297] : memref<10000x128xf32, #tpu.memory_space<vmem_shared>> -> memref<40x128xf32, #tpu.memory_space<vmem_shared>>
        %dma_start3A_299 = arith.constant 0 : i32
        %dma_start3A_300 = tpu.memref_slice %arg11[%add3A_250, %dma_start3A_299] : memref<10000x128xf32, #tpu.memory_space<vmem_shared>> -> memref<40x128xf32, #tpu.memory_space<vmem_shared>>
        tpu.enqueue_dma source(%arg10 : memref<40x128xf32, #tpu.memory_space<vmem>>) target(%dma_start3A_300 : memref<40x128xf32, #tpu.memory_space<vmem_shared>>) target_semaphore(%run_scoped3A : memref<!tpu.dma_semaphore, #tpu.memory_space<semaphore_mem>>)
        %dma_wait3A_301 = arith.constant 0 : i32
        %dma_wait3A_302 = tpu.memref_slice %arg11[%add3A_250, %dma_wait3A_301] : memref<10000x128xf32, #tpu.memory_space<vmem_shared>> -> memref<40x128xf32, #tpu.memory_space<vmem_shared>>
        %dma_wait3A_303 = arith.constant 0 : i32
        %dma_wait3A_304 = tpu.memref_slice %arg11[%add3A_250, %dma_wait3A_303] : memref<10000x128xf32, #tpu.memory_space<vmem_shared>> -> memref<40x128xf32, #tpu.memory_space<vmem_shared>>
        tpu.wait_dma2 semaphore(%run_scoped3A : memref<!tpu.dma_semaphore, #tpu.memory_space<semaphore_mem>>) src(%arg10 : memref<40x128xf32, #tpu.memory_space<vmem>>) dst(%dma_wait3A_304 : memref<40x128xf32, #tpu.memory_space<vmem_shared>>)
        tpu.yield
      }) : () -> ()
      %add3A_251 = arith.constant 80 : i32
      %add3A_252 = arith.addi %mul3A_2, %add3A_251 : i32
      "tpu.region"() ({
        %run_scoped3A = tpu.sem_alloc : memref<!tpu.dma_semaphore, #tpu.memory_space<semaphore_mem>>
        %dma_start3A_297 = arith.constant 0 : i32
        %dma_start3A_298 = tpu.memref_slice %arg11[%add3A_252, %dma_start3A_297] : memref<10000x128xf32, #tpu.memory_space<vmem_shared>> -> memref<40x128xf32, #tpu.memory_space<vmem_shared>>
        %dma_start3A_299 = arith.constant 0 : i32
        %dma_start3A_300 = tpu.memref_slice %arg11[%add3A_252, %dma_start3A_299] : memref<10000x128xf32, #tpu.memory_space<vmem_shared>> -> memref<40x128xf32, #tpu.memory_space<vmem_shared>>
        tpu.enqueue_dma source(%arg10 : memref<40x128xf32, #tpu.memory_space<vmem>>) target(%dma_start3A_300 : memref<40x128xf32, #tpu.memory_space<vmem_shared>>) target_semaphore(%run_scoped3A : memref<!tpu.dma_semaphore, #tpu.memory_space<semaphore_mem>>)
        %dma_wait3A_301 = arith.constant 0 : i32
        %dma_wait3A_302 = tpu.memref_slice %arg11[%add3A_252, %dma_wait3A_301] : memref<10000x128xf32, #tpu.memory_space<vmem_shared>> -> memref<40x128xf32, #tpu.memory_space<vmem_shared>>
        %dma_wait3A_303 = arith.constant 0 : i32
        %dma_wait3A_304 = tpu.memref_slice %arg11[%add3A_252, %dma_wait3A_303] : memref<10000x128xf32, #tpu.memory_space<vmem_shared>> -> memref<40x128xf32, #tpu.memory_space<vmem_shared>>
        tpu.wait_dma2 semaphore(%run_scoped3A : memref<!tpu.dma_semaphore, #tpu.memory_space<semaphore_mem>>) src(%arg10 : memref<40x128xf32, #tpu.memory_space<vmem>>) dst(%dma_wait3A_304 : memref<40x128xf32, #tpu.memory_space<vmem_shared>>)
        tpu.yield
      }) : () -> ()
      %add3A_253 = arith.constant 120 : i32
      %add3A_254 = arith.addi %mul3A_2, %add3A_253 : i32
      "tpu.region"() ({
        %run_scoped3A = tpu.sem_alloc : memref<!tpu.dma_semaphore, #tpu.memory_space<semaphore_mem>>
        %dma_start3A_297 = arith.constant 0 : i32
        %dma_start3A_298 = tpu.memref_slice %arg11[%add3A_254, %dma_start3A_297] : memref<10000x128xf32, #tpu.memory_space<vmem_shared>> -> memref<40x128xf32, #tpu.memory_space<vmem_shared>>
        %dma_start3A_299 = arith.constant 0 : i32
        %dma_start3A_300 = tpu.memref_slice %arg11[%add3A_254, %dma_start3A_299] : memref<10000x128xf32, #tpu.memory_space<vmem_shared>> -> memref<40x128xf32, #tpu.memory_space<vmem_shared>>
        tpu.enqueue_dma source(%arg10 : memref<40x128xf32, #tpu.memory_space<vmem>>) target(%dma_start3A_300 : memref<40x128xf32, #tpu.memory_space<vmem_shared>>) target_semaphore(%run_scoped3A : memref<!tpu.dma_semaphore, #tpu.memory_space<semaphore_mem>>)
        %dma_wait3A_301 = arith.constant 0 : i32
        %dma_wait3A_302 = tpu.memref_slice %arg11[%add3A_254, %dma_wait3A_301] : memref<10000x128xf32, #tpu.memory_space<vmem_shared>> -> memref<40x128xf32, #tpu.memory_space<vmem_shared>>
        %dma_wait3A_303 = arith.constant 0 : i32
        %dma_wait3A_304 = tpu.memref_slice %arg11[%add3A_254, %dma_wait3A_303] : memref<10000x128xf32, #tpu.memory_space<vmem_shared>> -> memref<40x128xf32, #tpu.memory_space<vmem_shared>>
        tpu.wait_dma2 semaphore(%run_scoped3A : memref<!tpu.dma_semaphore, #tpu.memory_space<semaphore_mem>>) src(%arg10 : memref<40x128xf32, #tpu.memory_space<vmem>>) dst(%dma_wait3A_304 : memref<40x128xf32, #tpu.memory_space<vmem_shared>>)
        tpu.yield
      }) : () -> ()
      %add3A_255 = arith.constant 160 : i32
      %add3A_256 = arith.addi %mul3A_2, %add3A_255 : i32
      "tpu.region"() ({
        %run_scoped3A = tpu.sem_alloc : memref<!tpu.dma_semaphore, #tpu.memory_space<semaphore_mem>>
        %dma_start3A_297 = arith.constant 0 : i32
        %dma_start3A_298 = tpu.memref_slice %arg11[%add3A_256, %dma_start3A_297] : memref<10000x128xf32, #tpu.memory_space<vmem_shared>> -> memref<40x128xf32, #tpu.memory_space<vmem_shared>>
        %dma_start3A_299 = arith.constant 0 : i32
        %dma_start3A_300 = tpu.memref_slice %arg11[%add3A_256, %dma_start3A_299] : memref<10000x128xf32, #tpu.memory_space<vmem_shared>> -> memref<40x128xf32, #tpu.memory_space<vmem_shared>>
        tpu.enqueue_dma source(%arg10 : memref<40x128xf32, #tpu.memory_space<vmem>>) target(%dma_start3A_300 : memref<40x128xf32, #tpu.memory_space<vmem_shared>>) target_semaphore(%run_scoped3A : memref<!tpu.dma_semaphore, #tpu.memory_space<semaphore_mem>>)
        %dma_wait3A_301 = arith.constant 0 : i32
        %dma_wait3A_302 = tpu.memref_slice %arg11[%add3A_256, %dma_wait3A_301] : memref<10000x128xf32, #tpu.memory_space<vmem_shared>> -> memref<40x128xf32, #tpu.memory_space<vmem_shared>>
        %dma_wait3A_303 = arith.constant 0 : i32
        %dma_wait3A_304 = tpu.memref_slice %arg11[%add3A_256, %dma_wait3A_303] : memref<10000x128xf32, #tpu.memory_space<vmem_shared>> -> memref<40x128xf32, #tpu.memory_space<vmem_shared>>
        tpu.wait_dma2 semaphore(%run_scoped3A : memref<!tpu.dma_semaphore, #tpu.memory_space<semaphore_mem>>) src(%arg10 : memref<40x128xf32, #tpu.memory_space<vmem>>) dst(%dma_wait3A_304 : memref<40x128xf32, #tpu.memory_space<vmem_shared>>)
        tpu.yield
      }) : () -> ()
      %add3A_257 = arith.constant 200 : i32
      %add3A_258 = arith.addi %mul3A_2, %add3A_257 : i32
      "tpu.region"() ({
        %run_scoped3A = tpu.sem_alloc : memref<!tpu.dma_semaphore, #tpu.memory_space<semaphore_mem>>
        %dma_start3A_297 = arith.constant 0 : i32
        %dma_start3A_298 = tpu.memref_slice %arg11[%add3A_258, %dma_start3A_297] : memref<10000x128xf32, #tpu.memory_space<vmem_shared>> -> memref<40x128xf32, #tpu.memory_space<vmem_shared>>
        %dma_start3A_299 = arith.constant 0 : i32
        %dma_start3A_300 = tpu.memref_slice %arg11[%add3A_258, %dma_start3A_299] : memref<10000x128xf32, #tpu.memory_space<vmem_shared>> -> memref<40x128xf32, #tpu.memory_space<vmem_shared>>
        tpu.enqueue_dma source(%arg10 : memref<40x128xf32, #tpu.memory_space<vmem>>) target(%dma_start3A_300 : memref<40x128xf32, #tpu.memory_space<vmem_shared>>) target_semaphore(%run_scoped3A : memref<!tpu.dma_semaphore, #tpu.memory_space<semaphore_mem>>)
        %dma_wait3A_301 = arith.constant 0 : i32
        %dma_wait3A_302 = tpu.memref_slice %arg11[%add3A_258, %dma_wait3A_301] : memref<10000x128xf32, #tpu.memory_space<vmem_shared>> -> memref<40x128xf32, #tpu.memory_space<vmem_shared>>
        %dma_wait3A_303 = arith.constant 0 : i32
        %dma_wait3A_304 = tpu.memref_slice %arg11[%add3A_258, %dma_wait3A_303] : memref<10000x128xf32, #tpu.memory_space<vmem_shared>> -> memref<40x128xf32, #tpu.memory_space<vmem_shared>>
        tpu.wait_dma2 semaphore(%run_scoped3A : memref<!tpu.dma_semaphore, #tpu.memory_space<semaphore_mem>>) src(%arg10 : memref<40x128xf32, #tpu.memory_space<vmem>>) dst(%dma_wait3A_304 : memref<40x128xf32, #tpu.memory_space<vmem_shared>>)
        tpu.yield
      }) : () -> ()
      %add3A_259 = arith.constant 240 : i32
      %add3A_260 = arith.addi %mul3A_2, %add3A_259 : i32
      "tpu.region"() ({
        %run_scoped3A = tpu.sem_alloc : memref<!tpu.dma_semaphore, #tpu.memory_space<semaphore_mem>>
        %dma_start3A_297 = arith.constant 0 : i32
        %dma_start3A_298 = tpu.memref_slice %arg11[%add3A_260, %dma_start3A_297] : memref<10000x128xf32, #tpu.memory_space<vmem_shared>> -> memref<40x128xf32, #tpu.memory_space<vmem_shared>>
        %dma_start3A_299 = arith.constant 0 : i32
        %dma_start3A_300 = tpu.memref_slice %arg11[%add3A_260, %dma_start3A_299] : memref<10000x128xf32, #tpu.memory_space<vmem_shared>> -> memref<40x128xf32, #tpu.memory_space<vmem_shared>>
        tpu.enqueue_dma source(%arg10 : memref<40x128xf32, #tpu.memory_space<vmem>>) target(%dma_start3A_300 : memref<40x128xf32, #tpu.memory_space<vmem_shared>>) target_semaphore(%run_scoped3A : memref<!tpu.dma_semaphore, #tpu.memory_space<semaphore_mem>>)
        %dma_wait3A_301 = arith.constant 0 : i32
        %dma_wait3A_302 = tpu.memref_slice %arg11[%add3A_260, %dma_wait3A_301] : memref<10000x128xf32, #tpu.memory_space<vmem_shared>> -> memref<40x128xf32, #tpu.memory_space<vmem_shared>>
        %dma_wait3A_303 = arith.constant 0 : i32
        %dma_wait3A_304 = tpu.memref_slice %arg11[%add3A_260, %dma_wait3A_303] : memref<10000x128xf32, #tpu.memory_space<vmem_shared>> -> memref<40x128xf32, #tpu.memory_space<vmem_shared>>
        tpu.wait_dma2 semaphore(%run_scoped3A : memref<!tpu.dma_semaphore, #tpu.memory_space<semaphore_mem>>) src(%arg10 : memref<40x128xf32, #tpu.memory_space<vmem>>) dst(%dma_wait3A_304 : memref<40x128xf32, #tpu.memory_space<vmem_shared>>)
        tpu.yield
      }) : () -> ()
      %add3A_261 = arith.constant 280 : i32
      %add3A_262 = arith.addi %mul3A_2, %add3A_261 : i32
      "tpu.region"() ({
        %run_scoped3A = tpu.sem_alloc : memref<!tpu.dma_semaphore, #tpu.memory_space<semaphore_mem>>
        %dma_start3A_297 = arith.constant 0 : i32
        %dma_start3A_298 = tpu.memref_slice %arg11[%add3A_262, %dma_start3A_297] : memref<10000x128xf32, #tpu.memory_space<vmem_shared>> -> memref<40x128xf32, #tpu.memory_space<vmem_shared>>
        %dma_start3A_299 = arith.constant 0 : i32
        %dma_start3A_300 = tpu.memref_slice %arg11[%add3A_262, %dma_start3A_299] : memref<10000x128xf32, #tpu.memory_space<vmem_shared>> -> memref<40x128xf32, #tpu.memory_space<vmem_shared>>
        tpu.enqueue_dma source(%arg10 : memref<40x128xf32, #tpu.memory_space<vmem>>) target(%dma_start3A_300 : memref<40x128xf32, #tpu.memory_space<vmem_shared>>) target_semaphore(%run_scoped3A : memref<!tpu.dma_semaphore, #tpu.memory_space<semaphore_mem>>)
        %dma_wait3A_301 = arith.constant 0 : i32
        %dma_wait3A_302 = tpu.memref_slice %arg11[%add3A_262, %dma_wait3A_301] : memref<10000x128xf32, #tpu.memory_space<vmem_shared>> -> memref<40x128xf32, #tpu.memory_space<vmem_shared>>
        %dma_wait3A_303 = arith.constant 0 : i32
        %dma_wait3A_304 = tpu.memref_slice %arg11[%add3A_262, %dma_wait3A_303] : memref<10000x128xf32, #tpu.memory_space<vmem_shared>> -> memref<40x128xf32, #tpu.memory_space<vmem_shared>>
        tpu.wait_dma2 semaphore(%run_scoped3A : memref<!tpu.dma_semaphore, #tpu.memory_space<semaphore_mem>>) src(%arg10 : memref<40x128xf32, #tpu.memory_space<vmem>>) dst(%dma_wait3A_304 : memref<40x128xf32, #tpu.memory_space<vmem_shared>>)
        tpu.yield
      }) : () -> ()
      %add3A_263 = arith.constant 320 : i32
      %add3A_264 = arith.addi %mul3A_2, %add3A_263 : i32
      "tpu.region"() ({
        %run_scoped3A = tpu.sem_alloc : memref<!tpu.dma_semaphore, #tpu.memory_space<semaphore_mem>>
        %dma_start3A_297 = arith.constant 0 : i32
        %dma_start3A_298 = tpu.memref_slice %arg11[%add3A_264, %dma_start3A_297] : memref<10000x128xf32, #tpu.memory_space<vmem_shared>> -> memref<40x128xf32, #tpu.memory_space<vmem_shared>>
        %dma_start3A_299 = arith.constant 0 : i32
        %dma_start3A_300 = tpu.memref_slice %arg11[%add3A_264, %dma_start3A_299] : memref<10000x128xf32, #tpu.memory_space<vmem_shared>> -> memref<40x128xf32, #tpu.memory_space<vmem_shared>>
        tpu.enqueue_dma source(%arg10 : memref<40x128xf32, #tpu.memory_space<vmem>>) target(%dma_start3A_300 : memref<40x128xf32, #tpu.memory_space<vmem_shared>>) target_semaphore(%run_scoped3A : memref<!tpu.dma_semaphore, #tpu.memory_space<semaphore_mem>>)
        %dma_wait3A_301 = arith.constant 0 : i32
        %dma_wait3A_302 = tpu.memref_slice %arg11[%add3A_264, %dma_wait3A_301] : memref<10000x128xf32, #tpu.memory_space<vmem_shared>> -> memref<40x128xf32, #tpu.memory_space<vmem_shared>>
        %dma_wait3A_303 = arith.constant 0 : i32
        %dma_wait3A_304 = tpu.memref_slice %arg11[%add3A_264, %dma_wait3A_303] : memref<10000x128xf32, #tpu.memory_space<vmem_shared>> -> memref<40x128xf32, #tpu.memory_space<vmem_shared>>
        tpu.wait_dma2 semaphore(%run_scoped3A : memref<!tpu.dma_semaphore, #tpu.memory_space<semaphore_mem>>) src(%arg10 : memref<40x128xf32, #tpu.memory_space<vmem>>) dst(%dma_wait3A_304 : memref<40x128xf32, #tpu.memory_space<vmem_shared>>)
        tpu.yield
      }) : () -> ()
      %add3A_265 = arith.constant 360 : i32
      %add3A_266 = arith.addi %mul3A_2, %add3A_265 : i32
      "tpu.region"() ({
        %run_scoped3A = tpu.sem_alloc : memref<!tpu.dma_semaphore, #tpu.memory_space<semaphore_mem>>
        %dma_start3A_297 = arith.constant 0 : i32
        %dma_start3A_298 = tpu.memref_slice %arg11[%add3A_266, %dma_start3A_297] : memref<10000x128xf32, #tpu.memory_space<vmem_shared>> -> memref<40x128xf32, #tpu.memory_space<vmem_shared>>
        %dma_start3A_299 = arith.constant 0 : i32
        %dma_start3A_300 = tpu.memref_slice %arg11[%add3A_266, %dma_start3A_299] : memref<10000x128xf32, #tpu.memory_space<vmem_shared>> -> memref<40x128xf32, #tpu.memory_space<vmem_shared>>
        tpu.enqueue_dma source(%arg10 : memref<40x128xf32, #tpu.memory_space<vmem>>) target(%dma_start3A_300 : memref<40x128xf32, #tpu.memory_space<vmem_shared>>) target_semaphore(%run_scoped3A : memref<!tpu.dma_semaphore, #tpu.memory_space<semaphore_mem>>)
        %dma_wait3A_301 = arith.constant 0 : i32
        %dma_wait3A_302 = tpu.memref_slice %arg11[%add3A_266, %dma_wait3A_301] : memref<10000x128xf32, #tpu.memory_space<vmem_shared>> -> memref<40x128xf32, #tpu.memory_space<vmem_shared>>
        %dma_wait3A_303 = arith.constant 0 : i32
        %dma_wait3A_304 = tpu.memref_slice %arg11[%add3A_266, %dma_wait3A_303] : memref<10000x128xf32, #tpu.memory_space<vmem_shared>> -> memref<40x128xf32, #tpu.memory_space<vmem_shared>>
        tpu.wait_dma2 semaphore(%run_scoped3A : memref<!tpu.dma_semaphore, #tpu.memory_space<semaphore_mem>>) src(%arg10 : memref<40x128xf32, #tpu.memory_space<vmem>>) dst(%dma_wait3A_304 : memref<40x128xf32, #tpu.memory_space<vmem_shared>>)
        tpu.yield
      }) : () -> ()
      %add3A_267 = arith.constant 400 : i32
      %add3A_268 = arith.addi %mul3A_2, %add3A_267 : i32
      "tpu.region"() ({
        %run_scoped3A = tpu.sem_alloc : memref<!tpu.dma_semaphore, #tpu.memory_space<semaphore_mem>>
        %dma_start3A_297 = arith.constant 0 : i32
        %dma_start3A_298 = tpu.memref_slice %arg11[%add3A_268, %dma_start3A_297] : memref<10000x128xf32, #tpu.memory_space<vmem_shared>> -> memref<40x128xf32, #tpu.memory_space<vmem_shared>>
        %dma_start3A_299 = arith.constant 0 : i32
        %dma_start3A_300 = tpu.memref_slice %arg11[%add3A_268, %dma_start3A_299] : memref<10000x128xf32, #tpu.memory_space<vmem_shared>> -> memref<40x128xf32, #tpu.memory_space<vmem_shared>>
        tpu.enqueue_dma source(%arg10 : memref<40x128xf32, #tpu.memory_space<vmem>>) target(%dma_start3A_300 : memref<40x128xf32, #tpu.memory_space<vmem_shared>>) target_semaphore(%run_scoped3A : memref<!tpu.dma_semaphore, #tpu.memory_space<semaphore_mem>>)
        %dma_wait3A_301 = arith.constant 0 : i32
        %dma_wait3A_302 = tpu.memref_slice %arg11[%add3A_268, %dma_wait3A_301] : memref<10000x128xf32, #tpu.memory_space<vmem_shared>> -> memref<40x128xf32, #tpu.memory_space<vmem_shared>>
        %dma_wait3A_303 = arith.constant 0 : i32
        %dma_wait3A_304 = tpu.memref_slice %arg11[%add3A_268, %dma_wait3A_303] : memref<10000x128xf32, #tpu.memory_space<vmem_shared>> -> memref<40x128xf32, #tpu.memory_space<vmem_shared>>
        tpu.wait_dma2 semaphore(%run_scoped3A : memref<!tpu.dma_semaphore, #tpu.memory_space<semaphore_mem>>) src(%arg10 : memref<40x128xf32, #tpu.memory_space<vmem>>) dst(%dma_wait3A_304 : memref<40x128xf32, #tpu.memory_space<vmem_shared>>)
        tpu.yield
      }) : () -> ()
      %add3A_269 = arith.constant 440 : i32
      %add3A_270 = arith.addi %mul3A_2, %add3A_269 : i32
      "tpu.region"() ({
        %run_scoped3A = tpu.sem_alloc : memref<!tpu.dma_semaphore, #tpu.memory_space<semaphore_mem>>
        %dma_start3A_297 = arith.constant 0 : i32
        %dma_start3A_298 = tpu.memref_slice %arg11[%add3A_270, %dma_start3A_297] : memref<10000x128xf32, #tpu.memory_space<vmem_shared>> -> memref<40x128xf32, #tpu.memory_space<vmem_shared>>
        %dma_start3A_299 = arith.constant 0 : i32
        %dma_start3A_300 = tpu.memref_slice %arg11[%add3A_270, %dma_start3A_299] : memref<10000x128xf32, #tpu.memory_space<vmem_shared>> -> memref<40x128xf32, #tpu.memory_space<vmem_shared>>
        tpu.enqueue_dma source(%arg10 : memref<40x128xf32, #tpu.memory_space<vmem>>) target(%dma_start3A_300 : memref<40x128xf32, #tpu.memory_space<vmem_shared>>) target_semaphore(%run_scoped3A : memref<!tpu.dma_semaphore, #tpu.memory_space<semaphore_mem>>)
        %dma_wait3A_301 = arith.constant 0 : i32
        %dma_wait3A_302 = tpu.memref_slice %arg11[%add3A_270, %dma_wait3A_301] : memref<10000x128xf32, #tpu.memory_space<vmem_shared>> -> memref<40x128xf32, #tpu.memory_space<vmem_shared>>
        %dma_wait3A_303 = arith.constant 0 : i32
        %dma_wait3A_304 = tpu.memref_slice %arg11[%add3A_270, %dma_wait3A_303] : memref<10000x128xf32, #tpu.memory_space<vmem_shared>> -> memref<40x128xf32, #tpu.memory_space<vmem_shared>>
        tpu.wait_dma2 semaphore(%run_scoped3A : memref<!tpu.dma_semaphore, #tpu.memory_space<semaphore_mem>>) src(%arg10 : memref<40x128xf32, #tpu.memory_space<vmem>>) dst(%dma_wait3A_304 : memref<40x128xf32, #tpu.memory_space<vmem_shared>>)
        tpu.yield
      }) : () -> ()
      %add3A_271 = arith.constant 480 : i32
      %add3A_272 = arith.addi %mul3A_2, %add3A_271 : i32
      "tpu.region"() ({
        %run_scoped3A = tpu.sem_alloc : memref<!tpu.dma_semaphore, #tpu.memory_space<semaphore_mem>>
        %dma_start3A_297 = arith.constant 0 : i32
        %dma_start3A_298 = tpu.memref_slice %arg11[%add3A_272, %dma_start3A_297] : memref<10000x128xf32, #tpu.memory_space<vmem_shared>> -> memref<40x128xf32, #tpu.memory_space<vmem_shared>>
        %dma_start3A_299 = arith.constant 0 : i32
        %dma_start3A_300 = tpu.memref_slice %arg11[%add3A_272, %dma_start3A_299] : memref<10000x128xf32, #tpu.memory_space<vmem_shared>> -> memref<40x128xf32, #tpu.memory_space<vmem_shared>>
        tpu.enqueue_dma source(%arg10 : memref<40x128xf32, #tpu.memory_space<vmem>>) target(%dma_start3A_300 : memref<40x128xf32, #tpu.memory_space<vmem_shared>>) target_semaphore(%run_scoped3A : memref<!tpu.dma_semaphore, #tpu.memory_space<semaphore_mem>>)
        %dma_wait3A_301 = arith.constant 0 : i32
        %dma_wait3A_302 = tpu.memref_slice %arg11[%add3A_272, %dma_wait3A_301] : memref<10000x128xf32, #tpu.memory_space<vmem_shared>> -> memref<40x128xf32, #tpu.memory_space<vmem_shared>>
        %dma_wait3A_303 = arith.constant 0 : i32
        %dma_wait3A_304 = tpu.memref_slice %arg11[%add3A_272, %dma_wait3A_303] : memref<10000x128xf32, #tpu.memory_space<vmem_shared>> -> memref<40x128xf32, #tpu.memory_space<vmem_shared>>
        tpu.wait_dma2 semaphore(%run_scoped3A : memref<!tpu.dma_semaphore, #tpu.memory_space<semaphore_mem>>) src(%arg10 : memref<40x128xf32, #tpu.memory_space<vmem>>) dst(%dma_wait3A_304 : memref<40x128xf32, #tpu.memory_space<vmem_shared>>)
        tpu.yield
      }) : () -> ()
      %add3A_273 = arith.constant 520 : i32
      %add3A_274 = arith.addi %mul3A_2, %add3A_273 : i32
      "tpu.region"() ({
        %run_scoped3A = tpu.sem_alloc : memref<!tpu.dma_semaphore, #tpu.memory_space<semaphore_mem>>
        %dma_start3A_297 = arith.constant 0 : i32
        %dma_start3A_298 = tpu.memref_slice %arg11[%add3A_274, %dma_start3A_297] : memref<10000x128xf32, #tpu.memory_space<vmem_shared>> -> memref<40x128xf32, #tpu.memory_space<vmem_shared>>
        %dma_start3A_299 = arith.constant 0 : i32
        %dma_start3A_300 = tpu.memref_slice %arg11[%add3A_274, %dma_start3A_299] : memref<10000x128xf32, #tpu.memory_space<vmem_shared>> -> memref<40x128xf32, #tpu.memory_space<vmem_shared>>
        tpu.enqueue_dma source(%arg10 : memref<40x128xf32, #tpu.memory_space<vmem>>) target(%dma_start3A_300 : memref<40x128xf32, #tpu.memory_space<vmem_shared>>) target_semaphore(%run_scoped3A : memref<!tpu.dma_semaphore, #tpu.memory_space<semaphore_mem>>)
        %dma_wait3A_301 = arith.constant 0 : i32
        %dma_wait3A_302 = tpu.memref_slice %arg11[%add3A_274, %dma_wait3A_301] : memref<10000x128xf32, #tpu.memory_space<vmem_shared>> -> memref<40x128xf32, #tpu.memory_space<vmem_shared>>
        %dma_wait3A_303 = arith.constant 0 : i32
        %dma_wait3A_304 = tpu.memref_slice %arg11[%add3A_274, %dma_wait3A_303] : memref<10000x128xf32, #tpu.memory_space<vmem_shared>> -> memref<40x128xf32, #tpu.memory_space<vmem_shared>>
        tpu.wait_dma2 semaphore(%run_scoped3A : memref<!tpu.dma_semaphore, #tpu.memory_space<semaphore_mem>>) src(%arg10 : memref<40x128xf32, #tpu.memory_space<vmem>>) dst(%dma_wait3A_304 : memref<40x128xf32, #tpu.memory_space<vmem_shared>>)
        tpu.yield
      }) : () -> ()
      %add3A_275 = arith.constant 560 : i32
      %add3A_276 = arith.addi %mul3A_2, %add3A_275 : i32
      "tpu.region"() ({
        %run_scoped3A = tpu.sem_alloc : memref<!tpu.dma_semaphore, #tpu.memory_space<semaphore_mem>>
        %dma_start3A_297 = arith.constant 0 : i32
        %dma_start3A_298 = tpu.memref_slice %arg11[%add3A_276, %dma_start3A_297] : memref<10000x128xf32, #tpu.memory_space<vmem_shared>> -> memref<40x128xf32, #tpu.memory_space<vmem_shared>>
        %dma_start3A_299 = arith.constant 0 : i32
        %dma_start3A_300 = tpu.memref_slice %arg11[%add3A_276, %dma_start3A_299] : memref<10000x128xf32, #tpu.memory_space<vmem_shared>> -> memref<40x128xf32, #tpu.memory_space<vmem_shared>>
        tpu.enqueue_dma source(%arg10 : memref<40x128xf32, #tpu.memory_space<vmem>>) target(%dma_start3A_300 : memref<40x128xf32, #tpu.memory_space<vmem_shared>>) target_semaphore(%run_scoped3A : memref<!tpu.dma_semaphore, #tpu.memory_space<semaphore_mem>>)
        %dma_wait3A_301 = arith.constant 0 : i32
        %dma_wait3A_302 = tpu.memref_slice %arg11[%add3A_276, %dma_wait3A_301] : memref<10000x128xf32, #tpu.memory_space<vmem_shared>> -> memref<40x128xf32, #tpu.memory_space<vmem_shared>>
        %dma_wait3A_303 = arith.constant 0 : i32
        %dma_wait3A_304 = tpu.memref_slice %arg11[%add3A_276, %dma_wait3A_303] : memref<10000x128xf32, #tpu.memory_space<vmem_shared>> -> memref<40x128xf32, #tpu.memory_space<vmem_shared>>
        tpu.wait_dma2 semaphore(%run_scoped3A : memref<!tpu.dma_semaphore, #tpu.memory_space<semaphore_mem>>) src(%arg10 : memref<40x128xf32, #tpu.memory_space<vmem>>) dst(%dma_wait3A_304 : memref<40x128xf32, #tpu.memory_space<vmem_shared>>)
        tpu.yield
      }) : () -> ()
      %add3A_277 = arith.constant 600 : i32
      %add3A_278 = arith.addi %mul3A_2, %add3A_277 : i32
      "tpu.region"() ({
        %run_scoped3A = tpu.sem_alloc : memref<!tpu.dma_semaphore, #tpu.memory_space<semaphore_mem>>
        %dma_start3A_297 = arith.constant 0 : i32
        %dma_start3A_298 = tpu.memref_slice %arg11[%add3A_278, %dma_start3A_297] : memref<10000x128xf32, #tpu.memory_space<vmem_shared>> -> memref<40x128xf32, #tpu.memory_space<vmem_shared>>
        %dma_start3A_299 = arith.constant 0 : i32
        %dma_start3A_300 = tpu.memref_slice %arg11[%add3A_278, %dma_start3A_299] : memref<10000x128xf32, #tpu.memory_space<vmem_shared>> -> memref<40x128xf32, #tpu.memory_space<vmem_shared>>
        tpu.enqueue_dma source(%arg10 : memref<40x128xf32, #tpu.memory_space<vmem>>) target(%dma_start3A_300 : memref<40x128xf32, #tpu.memory_space<vmem_shared>>) target_semaphore(%run_scoped3A : memref<!tpu.dma_semaphore, #tpu.memory_space<semaphore_mem>>)
        %dma_wait3A_301 = arith.constant 0 : i32
        %dma_wait3A_302 = tpu.memref_slice %arg11[%add3A_278, %dma_wait3A_301] : memref<10000x128xf32, #tpu.memory_space<vmem_shared>> -> memref<40x128xf32, #tpu.memory_space<vmem_shared>>
        %dma_wait3A_303 = arith.constant 0 : i32
        %dma_wait3A_304 = tpu.memref_slice %arg11[%add3A_278, %dma_wait3A_303] : memref<10000x128xf32, #tpu.memory_space<vmem_shared>> -> memref<40x128xf32, #tpu.memory_space<vmem_shared>>
        tpu.wait_dma2 semaphore(%run_scoped3A : memref<!tpu.dma_semaphore, #tpu.memory_space<semaphore_mem>>) src(%arg10 : memref<40x128xf32, #tpu.memory_space<vmem>>) dst(%dma_wait3A_304 : memref<40x128xf32, #tpu.memory_space<vmem_shared>>)
        tpu.yield
      }) : () -> ()
      %add3A_279 = arith.constant 640 : i32
      %add3A_280 = arith.addi %mul3A_2, %add3A_279 : i32
      "tpu.region"() ({
        %run_scoped3A = tpu.sem_alloc : memref<!tpu.dma_semaphore, #tpu.memory_space<semaphore_mem>>
        %dma_start3A_297 = arith.constant 0 : i32
        %dma_start3A_298 = tpu.memref_slice %arg11[%add3A_280, %dma_start3A_297] : memref<10000x128xf32, #tpu.memory_space<vmem_shared>> -> memref<40x128xf32, #tpu.memory_space<vmem_shared>>
        %dma_start3A_299 = arith.constant 0 : i32
        %dma_start3A_300 = tpu.memref_slice %arg11[%add3A_280, %dma_start3A_299] : memref<10000x128xf32, #tpu.memory_space<vmem_shared>> -> memref<40x128xf32, #tpu.memory_space<vmem_shared>>
        tpu.enqueue_dma source(%arg10 : memref<40x128xf32, #tpu.memory_space<vmem>>) target(%dma_start3A_300 : memref<40x128xf32, #tpu.memory_space<vmem_shared>>) target_semaphore(%run_scoped3A : memref<!tpu.dma_semaphore, #tpu.memory_space<semaphore_mem>>)
        %dma_wait3A_301 = arith.constant 0 : i32
        %dma_wait3A_302 = tpu.memref_slice %arg11[%add3A_280, %dma_wait3A_301] : memref<10000x128xf32, #tpu.memory_space<vmem_shared>> -> memref<40x128xf32, #tpu.memory_space<vmem_shared>>
        %dma_wait3A_303 = arith.constant 0 : i32
        %dma_wait3A_304 = tpu.memref_slice %arg11[%add3A_280, %dma_wait3A_303] : memref<10000x128xf32, #tpu.memory_space<vmem_shared>> -> memref<40x128xf32, #tpu.memory_space<vmem_shared>>
        tpu.wait_dma2 semaphore(%run_scoped3A : memref<!tpu.dma_semaphore, #tpu.memory_space<semaphore_mem>>) src(%arg10 : memref<40x128xf32, #tpu.memory_space<vmem>>) dst(%dma_wait3A_304 : memref<40x128xf32, #tpu.memory_space<vmem_shared>>)
        tpu.yield
      }) : () -> ()
      %add3A_281 = arith.constant 680 : i32
      %add3A_282 = arith.addi %mul3A_2, %add3A_281 : i32
      "tpu.region"() ({
        %run_scoped3A = tpu.sem_alloc : memref<!tpu.dma_semaphore, #tpu.memory_space<semaphore_mem>>
        %dma_start3A_297 = arith.constant 0 : i32
        %dma_start3A_298 = tpu.memref_slice %arg11[%add3A_282, %dma_start3A_297] : memref<10000x128xf32, #tpu.memory_space<vmem_shared>> -> memref<40x128xf32, #tpu.memory_space<vmem_shared>>
        %dma_start3A_299 = arith.constant 0 : i32
        %dma_start3A_300 = tpu.memref_slice %arg11[%add3A_282, %dma_start3A_299] : memref<10000x128xf32, #tpu.memory_space<vmem_shared>> -> memref<40x128xf32, #tpu.memory_space<vmem_shared>>
        tpu.enqueue_dma source(%arg10 : memref<40x128xf32, #tpu.memory_space<vmem>>) target(%dma_start3A_300 : memref<40x128xf32, #tpu.memory_space<vmem_shared>>) target_semaphore(%run_scoped3A : memref<!tpu.dma_semaphore, #tpu.memory_space<semaphore_mem>>)
        %dma_wait3A_301 = arith.constant 0 : i32
        %dma_wait3A_302 = tpu.memref_slice %arg11[%add3A_282, %dma_wait3A_301] : memref<10000x128xf32, #tpu.memory_space<vmem_shared>> -> memref<40x128xf32, #tpu.memory_space<vmem_shared>>
        %dma_wait3A_303 = arith.constant 0 : i32
        %dma_wait3A_304 = tpu.memref_slice %arg11[%add3A_282, %dma_wait3A_303] : memref<10000x128xf32, #tpu.memory_space<vmem_shared>> -> memref<40x128xf32, #tpu.memory_space<vmem_shared>>
        tpu.wait_dma2 semaphore(%run_scoped3A : memref<!tpu.dma_semaphore, #tpu.memory_space<semaphore_mem>>) src(%arg10 : memref<40x128xf32, #tpu.memory_space<vmem>>) dst(%dma_wait3A_304 : memref<40x128xf32, #tpu.memory_space<vmem_shared>>)
        tpu.yield
      }) : () -> ()
      %add3A_283 = arith.constant 720 : i32
      %add3A_284 = arith.addi %mul3A_2, %add3A_283 : i32
      "tpu.region"() ({
        %run_scoped3A = tpu.sem_alloc : memref<!tpu.dma_semaphore, #tpu.memory_space<semaphore_mem>>
        %dma_start3A_297 = arith.constant 0 : i32
        %dma_start3A_298 = tpu.memref_slice %arg11[%add3A_284, %dma_start3A_297] : memref<10000x128xf32, #tpu.memory_space<vmem_shared>> -> memref<40x128xf32, #tpu.memory_space<vmem_shared>>
        %dma_start3A_299 = arith.constant 0 : i32
        %dma_start3A_300 = tpu.memref_slice %arg11[%add3A_284, %dma_start3A_299] : memref<10000x128xf32, #tpu.memory_space<vmem_shared>> -> memref<40x128xf32, #tpu.memory_space<vmem_shared>>
        tpu.enqueue_dma source(%arg10 : memref<40x128xf32, #tpu.memory_space<vmem>>) target(%dma_start3A_300 : memref<40x128xf32, #tpu.memory_space<vmem_shared>>) target_semaphore(%run_scoped3A : memref<!tpu.dma_semaphore, #tpu.memory_space<semaphore_mem>>)
        %dma_wait3A_301 = arith.constant 0 : i32
        %dma_wait3A_302 = tpu.memref_slice %arg11[%add3A_284, %dma_wait3A_301] : memref<10000x128xf32, #tpu.memory_space<vmem_shared>> -> memref<40x128xf32, #tpu.memory_space<vmem_shared>>
        %dma_wait3A_303 = arith.constant 0 : i32
        %dma_wait3A_304 = tpu.memref_slice %arg11[%add3A_284, %dma_wait3A_303] : memref<10000x128xf32, #tpu.memory_space<vmem_shared>> -> memref<40x128xf32, #tpu.memory_space<vmem_shared>>
        tpu.wait_dma2 semaphore(%run_scoped3A : memref<!tpu.dma_semaphore, #tpu.memory_space<semaphore_mem>>) src(%arg10 : memref<40x128xf32, #tpu.memory_space<vmem>>) dst(%dma_wait3A_304 : memref<40x128xf32, #tpu.memory_space<vmem_shared>>)
        tpu.yield
      }) : () -> ()
      %add3A_285 = arith.constant 760 : i32
      %add3A_286 = arith.addi %mul3A_2, %add3A_285 : i32
      "tpu.region"() ({
        %run_scoped3A = tpu.sem_alloc : memref<!tpu.dma_semaphore, #tpu.memory_space<semaphore_mem>>
        %dma_start3A_297 = arith.constant 0 : i32
        %dma_start3A_298 = tpu.memref_slice %arg11[%add3A_286, %dma_start3A_297] : memref<10000x128xf32, #tpu.memory_space<vmem_shared>> -> memref<40x128xf32, #tpu.memory_space<vmem_shared>>
        %dma_start3A_299 = arith.constant 0 : i32
        %dma_start3A_300 = tpu.memref_slice %arg11[%add3A_286, %dma_start3A_299] : memref<10000x128xf32, #tpu.memory_space<vmem_shared>> -> memref<40x128xf32, #tpu.memory_space<vmem_shared>>
        tpu.enqueue_dma source(%arg10 : memref<40x128xf32, #tpu.memory_space<vmem>>) target(%dma_start3A_300 : memref<40x128xf32, #tpu.memory_space<vmem_shared>>) target_semaphore(%run_scoped3A : memref<!tpu.dma_semaphore, #tpu.memory_space<semaphore_mem>>)
        %dma_wait3A_301 = arith.constant 0 : i32
        %dma_wait3A_302 = tpu.memref_slice %arg11[%add3A_286, %dma_wait3A_301] : memref<10000x128xf32, #tpu.memory_space<vmem_shared>> -> memref<40x128xf32, #tpu.memory_space<vmem_shared>>
        %dma_wait3A_303 = arith.constant 0 : i32
        %dma_wait3A_304 = tpu.memref_slice %arg11[%add3A_286, %dma_wait3A_303] : memref<10000x128xf32, #tpu.memory_space<vmem_shared>> -> memref<40x128xf32, #tpu.memory_space<vmem_shared>>
        tpu.wait_dma2 semaphore(%run_scoped3A : memref<!tpu.dma_semaphore, #tpu.memory_space<semaphore_mem>>) src(%arg10 : memref<40x128xf32, #tpu.memory_space<vmem>>) dst(%dma_wait3A_304 : memref<40x128xf32, #tpu.memory_space<vmem_shared>>)
        tpu.yield
      }) : () -> ()
      %add3A_287 = arith.constant 800 : i32
      %add3A_288 = arith.addi %mul3A_2, %add3A_287 : i32
      "tpu.region"() ({
        %run_scoped3A = tpu.sem_alloc : memref<!tpu.dma_semaphore, #tpu.memory_space<semaphore_mem>>
        %dma_start3A_297 = arith.constant 0 : i32
        %dma_start3A_298 = tpu.memref_slice %arg11[%add3A_288, %dma_start3A_297] : memref<10000x128xf32, #tpu.memory_space<vmem_shared>> -> memref<40x128xf32, #tpu.memory_space<vmem_shared>>
        %dma_start3A_299 = arith.constant 0 : i32
        %dma_start3A_300 = tpu.memref_slice %arg11[%add3A_288, %dma_start3A_299] : memref<10000x128xf32, #tpu.memory_space<vmem_shared>> -> memref<40x128xf32, #tpu.memory_space<vmem_shared>>
        tpu.enqueue_dma source(%arg10 : memref<40x128xf32, #tpu.memory_space<vmem>>) target(%dma_start3A_300 : memref<40x128xf32, #tpu.memory_space<vmem_shared>>) target_semaphore(%run_scoped3A : memref<!tpu.dma_semaphore, #tpu.memory_space<semaphore_mem>>)
        %dma_wait3A_301 = arith.constant 0 : i32
        %dma_wait3A_302 = tpu.memref_slice %arg11[%add3A_288, %dma_wait3A_301] : memref<10000x128xf32, #tpu.memory_space<vmem_shared>> -> memref<40x128xf32, #tpu.memory_space<vmem_shared>>
        %dma_wait3A_303 = arith.constant 0 : i32
        %dma_wait3A_304 = tpu.memref_slice %arg11[%add3A_288, %dma_wait3A_303] : memref<10000x128xf32, #tpu.memory_space<vmem_shared>> -> memref<40x128xf32, #tpu.memory_space<vmem_shared>>
        tpu.wait_dma2 semaphore(%run_scoped3A : memref<!tpu.dma_semaphore, #tpu.memory_space<semaphore_mem>>) src(%arg10 : memref<40x128xf32, #tpu.memory_space<vmem>>) dst(%dma_wait3A_304 : memref<40x128xf32, #tpu.memory_space<vmem_shared>>)
        tpu.yield
      }) : () -> ()
      %add3A_289 = arith.constant 840 : i32
      %add3A_290 = arith.addi %mul3A_2, %add3A_289 : i32
      "tpu.region"() ({
        %run_scoped3A = tpu.sem_alloc : memref<!tpu.dma_semaphore, #tpu.memory_space<semaphore_mem>>
        %dma_start3A_297 = arith.constant 0 : i32
        %dma_start3A_298 = tpu.memref_slice %arg11[%add3A_290, %dma_start3A_297] : memref<10000x128xf32, #tpu.memory_space<vmem_shared>> -> memref<40x128xf32, #tpu.memory_space<vmem_shared>>
        %dma_start3A_299 = arith.constant 0 : i32
        %dma_start3A_300 = tpu.memref_slice %arg11[%add3A_290, %dma_start3A_299] : memref<10000x128xf32, #tpu.memory_space<vmem_shared>> -> memref<40x128xf32, #tpu.memory_space<vmem_shared>>
        tpu.enqueue_dma source(%arg10 : memref<40x128xf32, #tpu.memory_space<vmem>>) target(%dma_start3A_300 : memref<40x128xf32, #tpu.memory_space<vmem_shared>>) target_semaphore(%run_scoped3A : memref<!tpu.dma_semaphore, #tpu.memory_space<semaphore_mem>>)
        %dma_wait3A_301 = arith.constant 0 : i32
        %dma_wait3A_302 = tpu.memref_slice %arg11[%add3A_290, %dma_wait3A_301] : memref<10000x128xf32, #tpu.memory_space<vmem_shared>> -> memref<40x128xf32, #tpu.memory_space<vmem_shared>>
        %dma_wait3A_303 = arith.constant 0 : i32
        %dma_wait3A_304 = tpu.memref_slice %arg11[%add3A_290, %dma_wait3A_303] : memref<10000x128xf32, #tpu.memory_space<vmem_shared>> -> memref<40x128xf32, #tpu.memory_space<vmem_shared>>
        tpu.wait_dma2 semaphore(%run_scoped3A : memref<!tpu.dma_semaphore, #tpu.memory_space<semaphore_mem>>) src(%arg10 : memref<40x128xf32, #tpu.memory_space<vmem>>) dst(%dma_wait3A_304 : memref<40x128xf32, #tpu.memory_space<vmem_shared>>)
        tpu.yield
      }) : () -> ()
      %add3A_291 = arith.constant 880 : i32
      %add3A_292 = arith.addi %mul3A_2, %add3A_291 : i32
      "tpu.region"() ({
        %run_scoped3A = tpu.sem_alloc : memref<!tpu.dma_semaphore, #tpu.memory_space<semaphore_mem>>
        %dma_start3A_297 = arith.constant 0 : i32
        %dma_start3A_298 = tpu.memref_slice %arg11[%add3A_292, %dma_start3A_297] : memref<10000x128xf32, #tpu.memory_space<vmem_shared>> -> memref<40x128xf32, #tpu.memory_space<vmem_shared>>
        %dma_start3A_299 = arith.constant 0 : i32
        %dma_start3A_300 = tpu.memref_slice %arg11[%add3A_292, %dma_start3A_299] : memref<10000x128xf32, #tpu.memory_space<vmem_shared>> -> memref<40x128xf32, #tpu.memory_space<vmem_shared>>
        tpu.enqueue_dma source(%arg10 : memref<40x128xf32, #tpu.memory_space<vmem>>) target(%dma_start3A_300 : memref<40x128xf32, #tpu.memory_space<vmem_shared>>) target_semaphore(%run_scoped3A : memref<!tpu.dma_semaphore, #tpu.memory_space<semaphore_mem>>)
        %dma_wait3A_301 = arith.constant 0 : i32
        %dma_wait3A_302 = tpu.memref_slice %arg11[%add3A_292, %dma_wait3A_301] : memref<10000x128xf32, #tpu.memory_space<vmem_shared>> -> memref<40x128xf32, #tpu.memory_space<vmem_shared>>
        %dma_wait3A_303 = arith.constant 0 : i32
        %dma_wait3A_304 = tpu.memref_slice %arg11[%add3A_292, %dma_wait3A_303] : memref<10000x128xf32, #tpu.memory_space<vmem_shared>> -> memref<40x128xf32, #tpu.memory_space<vmem_shared>>
        tpu.wait_dma2 semaphore(%run_scoped3A : memref<!tpu.dma_semaphore, #tpu.memory_space<semaphore_mem>>) src(%arg10 : memref<40x128xf32, #tpu.memory_space<vmem>>) dst(%dma_wait3A_304 : memref<40x128xf32, #tpu.memory_space<vmem_shared>>)
        tpu.yield
      }) : () -> ()
      %add3A_293 = arith.constant 920 : i32
      %add3A_294 = arith.addi %mul3A_2, %add3A_293 : i32
      "tpu.region"() ({
        %run_scoped3A = tpu.sem_alloc : memref<!tpu.dma_semaphore, #tpu.memory_space<semaphore_mem>>
        %dma_start3A_297 = arith.constant 0 : i32
        %dma_start3A_298 = tpu.memref_slice %arg11[%add3A_294, %dma_start3A_297] : memref<10000x128xf32, #tpu.memory_space<vmem_shared>> -> memref<40x128xf32, #tpu.memory_space<vmem_shared>>
        %dma_start3A_299 = arith.constant 0 : i32
        %dma_start3A_300 = tpu.memref_slice %arg11[%add3A_294, %dma_start3A_299] : memref<10000x128xf32, #tpu.memory_space<vmem_shared>> -> memref<40x128xf32, #tpu.memory_space<vmem_shared>>
        tpu.enqueue_dma source(%arg10 : memref<40x128xf32, #tpu.memory_space<vmem>>) target(%dma_start3A_300 : memref<40x128xf32, #tpu.memory_space<vmem_shared>>) target_semaphore(%run_scoped3A : memref<!tpu.dma_semaphore, #tpu.memory_space<semaphore_mem>>)
        %dma_wait3A_301 = arith.constant 0 : i32
        %dma_wait3A_302 = tpu.memref_slice %arg11[%add3A_294, %dma_wait3A_301] : memref<10000x128xf32, #tpu.memory_space<vmem_shared>> -> memref<40x128xf32, #tpu.memory_space<vmem_shared>>
        %dma_wait3A_303 = arith.constant 0 : i32
        %dma_wait3A_304 = tpu.memref_slice %arg11[%add3A_294, %dma_wait3A_303] : memref<10000x128xf32, #tpu.memory_space<vmem_shared>> -> memref<40x128xf32, #tpu.memory_space<vmem_shared>>
        tpu.wait_dma2 semaphore(%run_scoped3A : memref<!tpu.dma_semaphore, #tpu.memory_space<semaphore_mem>>) src(%arg10 : memref<40x128xf32, #tpu.memory_space<vmem>>) dst(%dma_wait3A_304 : memref<40x128xf32, #tpu.memory_space<vmem_shared>>)
        tpu.yield
      }) : () -> ()
      %add3A_295 = arith.constant 960 : i32
      %add3A_296 = arith.addi %mul3A_2, %add3A_295 : i32
      "tpu.region"() ({
        %run_scoped3A = tpu.sem_alloc : memref<!tpu.dma_semaphore, #tpu.memory_space<semaphore_mem>>
        %dma_start3A_297 = arith.constant 0 : i32
        %dma_start3A_298 = tpu.memref_slice %arg11[%add3A_296, %dma_start3A_297] : memref<10000x128xf32, #tpu.memory_space<vmem_shared>> -> memref<40x128xf32, #tpu.memory_space<vmem_shared>>
        %dma_start3A_299 = arith.constant 0 : i32
        %dma_start3A_300 = tpu.memref_slice %arg11[%add3A_296, %dma_start3A_299] : memref<10000x128xf32, #tpu.memory_space<vmem_shared>> -> memref<40x128xf32, #tpu.memory_space<vmem_shared>>
        tpu.enqueue_dma source(%arg10 : memref<40x128xf32, #tpu.memory_space<vmem>>) target(%dma_start3A_300 : memref<40x128xf32, #tpu.memory_space<vmem_shared>>) target_semaphore(%run_scoped3A : memref<!tpu.dma_semaphore, #tpu.memory_space<semaphore_mem>>)
        %dma_wait3A_301 = arith.constant 0 : i32
        %dma_wait3A_302 = tpu.memref_slice %arg11[%add3A_296, %dma_wait3A_301] : memref<10000x128xf32, #tpu.memory_space<vmem_shared>> -> memref<40x128xf32, #tpu.memory_space<vmem_shared>>
        %dma_wait3A_303 = arith.constant 0 : i32
        %dma_wait3A_304 = tpu.memref_slice %arg11[%add3A_296, %dma_wait3A_303] : memref<10000x128xf32, #tpu.memory_space<vmem_shared>> -> memref<40x128xf32, #tpu.memory_space<vmem_shared>>
        tpu.wait_dma2 semaphore(%run_scoped3A : memref<!tpu.dma_semaphore, #tpu.memory_space<semaphore_mem>>) src(%arg10 : memref<40x128xf32, #tpu.memory_space<vmem>>) dst(%dma_wait3A_304 : memref<40x128xf32, #tpu.memory_space<vmem_shared>>)
        tpu.yield
      }) : () -> ()
    } else {
    }
    %dma_wait3A = arith.constant 0 : i32
    %dma_wait3A_114 = arith.constant 0 : i32
    %dma_wait3A_115 = arith.constant 0 : i32
    %dma_wait3A_116 = arith.constant 0 : i32
    %dma_wait3A_117 = arith.constant 0 : i32
    %dma_wait3A_118 = tpu.memref_slice %arg6[%dma_wait3A_115, %dma_wait3A_116, %dma_wait3A_117] : memref<2x25x80xi32, #tpu.memory_space<vmem>> -> memref<1x25x80xi32, #tpu.memory_space<vmem>>
    %dma_wait3A_119 = tpu.memref_squeeze %dma_wait3A_118 : memref<1x25x80xi32, #tpu.memory_space<vmem>> -> memref<25x80xi32, #tpu.memory_space<vmem>>
    %dma_wait3A_120 = arith.constant 0 : i32
    %dma_wait3A_121 = arith.constant 0 : i32
    %dma_wait3A_122 = arith.constant 0 : i32
    %dma_wait3A_123 = arith.constant 0 : i32
    %dma_wait3A_124 = tpu.memref_slice %arg3[%dma_wait3A, %dma_wait3A_120, %dma_wait3A_121, %dma_wait3A_122, %dma_wait3A_123] : memref<2x32x5x25x80xi32, #tpu.memory_space<hbm>> -> memref<1x32x5x25x80xi32, #tpu.memory_space<hbm>>
    %dma_wait3A_125 = tpu.memref_squeeze %dma_wait3A_124 : memref<1x32x5x25x80xi32, #tpu.memory_space<hbm>> -> memref<32x5x25x80xi32, #tpu.memory_space<hbm>>
    %dma_wait3A_126 = arith.constant 0 : i32
    %dma_wait3A_127 = arith.constant 0 : i32
    %dma_wait3A_128 = arith.constant 0 : i32
    %dma_wait3A_129 = tpu.memref_slice %dma_wait3A_125[%add3A, %dma_wait3A_126, %dma_wait3A_127, %dma_wait3A_128] : memref<32x5x25x80xi32, #tpu.memory_space<hbm>> -> memref<1x5x25x80xi32, #tpu.memory_space<hbm>>
    %dma_wait3A_130 = tpu.memref_squeeze %dma_wait3A_129 : memref<1x5x25x80xi32, #tpu.memory_space<hbm>> -> memref<5x25x80xi32, #tpu.memory_space<hbm>>
    %dma_wait3A_131 = arith.constant 0 : i32
    %dma_wait3A_132 = arith.constant 0 : i32
    %dma_wait3A_133 = tpu.memref_slice %dma_wait3A_130[%dma_wait3A_114, %dma_wait3A_131, %dma_wait3A_132] : memref<5x25x80xi32, #tpu.memory_space<hbm>> -> memref<1x25x80xi32, #tpu.memory_space<hbm>>
    %dma_wait3A_134 = tpu.memref_squeeze %dma_wait3A_133 : memref<1x25x80xi32, #tpu.memory_space<hbm>> -> memref<25x80xi32, #tpu.memory_space<hbm>>
    %dma_wait3A_135 = arith.constant 0 : i32
    %dma_wait3A_136 = arith.constant 0 : i32
    %dma_wait3A_137 = tpu.memref_slice %arg6[%dma_wait3A_115, %dma_wait3A_135, %dma_wait3A_136] : memref<2x25x80xi32, #tpu.memory_space<vmem>> -> memref<1x25x80xi32, #tpu.memory_space<vmem>>
    %dma_wait3A_138 = tpu.memref_squeeze %dma_wait3A_137 : memref<1x25x80xi32, #tpu.memory_space<vmem>> -> memref<25x80xi32, #tpu.memory_space<vmem>>
    %dma_wait3A_139 = arith.constant 0 : i32
    %dma_wait3A_140 = arith.constant 0 : i32
    %dma_wait3A_141 = arith.constant 0 : i32
    %dma_wait3A_142 = arith.constant 0 : i32
    %dma_wait3A_143 = tpu.memref_slice %arg3[%dma_wait3A, %dma_wait3A_139, %dma_wait3A_140, %dma_wait3A_141, %dma_wait3A_142] : memref<2x32x5x25x80xi32, #tpu.memory_space<hbm>> -> memref<1x32x5x25x80xi32, #tpu.memory_space<hbm>>
    %dma_wait3A_144 = tpu.memref_squeeze %dma_wait3A_143 : memref<1x32x5x25x80xi32, #tpu.memory_space<hbm>> -> memref<32x5x25x80xi32, #tpu.memory_space<hbm>>
    %dma_wait3A_145 = arith.constant 0 : i32
    %dma_wait3A_146 = arith.constant 0 : i32
    %dma_wait3A_147 = arith.constant 0 : i32
    %dma_wait3A_148 = tpu.memref_slice %dma_wait3A_144[%add3A, %dma_wait3A_145, %dma_wait3A_146, %dma_wait3A_147] : memref<32x5x25x80xi32, #tpu.memory_space<hbm>> -> memref<1x5x25x80xi32, #tpu.memory_space<hbm>>
    %dma_wait3A_149 = tpu.memref_squeeze %dma_wait3A_148 : memref<1x5x25x80xi32, #tpu.memory_space<hbm>> -> memref<5x25x80xi32, #tpu.memory_space<hbm>>
    %dma_wait3A_150 = arith.constant 0 : i32
    %dma_wait3A_151 = arith.constant 0 : i32
    %dma_wait3A_152 = tpu.memref_slice %dma_wait3A_149[%dma_wait3A_114, %dma_wait3A_150, %dma_wait3A_151] : memref<5x25x80xi32, #tpu.memory_space<hbm>> -> memref<1x25x80xi32, #tpu.memory_space<hbm>>
    %dma_wait3A_153 = tpu.memref_squeeze %dma_wait3A_152 : memref<1x25x80xi32, #tpu.memory_space<hbm>> -> memref<25x80xi32, #tpu.memory_space<hbm>>
    tpu.wait_dma2 semaphore(%arg13 : memref<!tpu.dma_semaphore, #tpu.memory_space<semaphore_mem>>) src(%dma_wait3A_153 : memref<25x80xi32, #tpu.memory_space<hbm>>) dst(%dma_wait3A_138 : memref<25x80xi32, #tpu.memory_space<vmem>>)
    %dma_wait3A_154 = arith.constant 0 : i32
    %dma_wait3A_155 = arith.constant 0 : i32
    %dma_wait3A_156 = arith.constant 0 : i32
    %dma_wait3A_157 = arith.constant 0 : i32
    %dma_wait3A_158 = tpu.memref_slice %arg7[%dma_wait3A_155, %dma_wait3A_156, %dma_wait3A_157] : memref<2x25x80xi32, #tpu.memory_space<vmem>> -> memref<1x25x80xi32, #tpu.memory_space<vmem>>
    %dma_wait3A_159 = tpu.memref_squeeze %dma_wait3A_158 : memref<1x25x80xi32, #tpu.memory_space<vmem>> -> memref<25x80xi32, #tpu.memory_space<vmem>>
    %dma_wait3A_160 = arith.constant 0 : i32
    %dma_wait3A_161 = arith.constant 0 : i32
    %dma_wait3A_162 = arith.constant 0 : i32
    %dma_wait3A_163 = tpu.memref_slice %arg4[%add3A, %dma_wait3A_160, %dma_wait3A_161, %dma_wait3A_162] : memref<32x5x25x80xi32, #tpu.memory_space<hbm>> -> memref<1x5x25x80xi32, #tpu.memory_space<hbm>>
    %dma_wait3A_164 = tpu.memref_squeeze %dma_wait3A_163 : memref<1x5x25x80xi32, #tpu.memory_space<hbm>> -> memref<5x25x80xi32, #tpu.memory_space<hbm>>
    %dma_wait3A_165 = arith.constant 0 : i32
    %dma_wait3A_166 = arith.constant 0 : i32
    %dma_wait3A_167 = tpu.memref_slice %dma_wait3A_164[%dma_wait3A_154, %dma_wait3A_165, %dma_wait3A_166] : memref<5x25x80xi32, #tpu.memory_space<hbm>> -> memref<1x25x80xi32, #tpu.memory_space<hbm>>
    %dma_wait3A_168 = tpu.memref_squeeze %dma_wait3A_167 : memref<1x25x80xi32, #tpu.memory_space<hbm>> -> memref<25x80xi32, #tpu.memory_space<hbm>>
    %dma_wait3A_169 = arith.constant 0 : i32
    %dma_wait3A_170 = arith.constant 0 : i32
    %dma_wait3A_171 = tpu.memref_slice %arg7[%dma_wait3A_155, %dma_wait3A_169, %dma_wait3A_170] : memref<2x25x80xi32, #tpu.memory_space<vmem>> -> memref<1x25x80xi32, #tpu.memory_space<vmem>>
    %dma_wait3A_172 = tpu.memref_squeeze %dma_wait3A_171 : memref<1x25x80xi32, #tpu.memory_space<vmem>> -> memref<25x80xi32, #tpu.memory_space<vmem>>
    %dma_wait3A_173 = arith.constant 0 : i32
    %dma_wait3A_174 = arith.constant 0 : i32
    %dma_wait3A_175 = arith.constant 0 : i32
    %dma_wait3A_176 = tpu.memref_slice %arg4[%add3A, %dma_wait3A_173, %dma_wait3A_174, %dma_wait3A_175] : memref<32x5x25x80xi32, #tpu.memory_space<hbm>> -> memref<1x5x25x80xi32, #tpu.memory_space<hbm>>
    %dma_wait3A_177 = tpu.memref_squeeze %dma_wait3A_176 : memref<1x5x25x80xi32, #tpu.memory_space<hbm>> -> memref<5x25x80xi32, #tpu.memory_space<hbm>>
    %dma_wait3A_178 = arith.constant 0 : i32
    %dma_wait3A_179 = arith.constant 0 : i32
    %dma_wait3A_180 = tpu.memref_slice %dma_wait3A_177[%dma_wait3A_154, %dma_wait3A_178, %dma_wait3A_179] : memref<5x25x80xi32, #tpu.memory_space<hbm>> -> memref<1x25x80xi32, #tpu.memory_space<hbm>>
    %dma_wait3A_181 = tpu.memref_squeeze %dma_wait3A_180 : memref<1x25x80xi32, #tpu.memory_space<hbm>> -> memref<25x80xi32, #tpu.memory_space<hbm>>
    tpu.wait_dma2 semaphore(%arg13 : memref<!tpu.dma_semaphore, #tpu.memory_space<semaphore_mem>>) src(%dma_wait3A_181 : memref<25x80xi32, #tpu.memory_space<hbm>>) dst(%dma_wait3A_172 : memref<25x80xi32, #tpu.memory_space<vmem>>)
    %dma_wait3A_182 = arith.constant 1 : i32
    %dma_wait3A_183 = arith.constant 0 : i32
    %dma_wait3A_184 = arith.constant 0 : i32
    %dma_wait3A_185 = arith.constant 0 : i32
    %dma_wait3A_186 = arith.constant 0 : i32
    %dma_wait3A_187 = tpu.memref_slice %arg8[%dma_wait3A_184, %dma_wait3A_185, %dma_wait3A_186] : memref<2x25x80xi32, #tpu.memory_space<vmem>> -> memref<1x25x80xi32, #tpu.memory_space<vmem>>
    %dma_wait3A_188 = tpu.memref_squeeze %dma_wait3A_187 : memref<1x25x80xi32, #tpu.memory_space<vmem>> -> memref<25x80xi32, #tpu.memory_space<vmem>>
    %dma_wait3A_189 = arith.constant 0 : i32
    %dma_wait3A_190 = arith.constant 0 : i32
    %dma_wait3A_191 = arith.constant 0 : i32
    %dma_wait3A_192 = arith.constant 0 : i32
    %dma_wait3A_193 = tpu.memref_slice %arg3[%dma_wait3A_182, %dma_wait3A_189, %dma_wait3A_190, %dma_wait3A_191, %dma_wait3A_192] : memref<2x32x5x25x80xi32, #tpu.memory_space<hbm>> -> memref<1x32x5x25x80xi32, #tpu.memory_space<hbm>>
    %dma_wait3A_194 = tpu.memref_squeeze %dma_wait3A_193 : memref<1x32x5x25x80xi32, #tpu.memory_space<hbm>> -> memref<32x5x25x80xi32, #tpu.memory_space<hbm>>
    %dma_wait3A_195 = arith.constant 0 : i32
    %dma_wait3A_196 = arith.constant 0 : i32
    %dma_wait3A_197 = arith.constant 0 : i32
    %dma_wait3A_198 = tpu.memref_slice %dma_wait3A_194[%add3A, %dma_wait3A_195, %dma_wait3A_196, %dma_wait3A_197] : memref<32x5x25x80xi32, #tpu.memory_space<hbm>> -> memref<1x5x25x80xi32, #tpu.memory_space<hbm>>
    %dma_wait3A_199 = tpu.memref_squeeze %dma_wait3A_198 : memref<1x5x25x80xi32, #tpu.memory_space<hbm>> -> memref<5x25x80xi32, #tpu.memory_space<hbm>>
    %dma_wait3A_200 = arith.constant 0 : i32
    %dma_wait3A_201 = arith.constant 0 : i32
    %dma_wait3A_202 = tpu.memref_slice %dma_wait3A_199[%dma_wait3A_183, %dma_wait3A_200, %dma_wait3A_201] : memref<5x25x80xi32, #tpu.memory_space<hbm>> -> memref<1x25x80xi32, #tpu.memory_space<hbm>>
    %dma_wait3A_203 = tpu.memref_squeeze %dma_wait3A_202 : memref<1x25x80xi32, #tpu.memory_space<hbm>> -> memref<25x80xi32, #tpu.memory_space<hbm>>
    %dma_wait3A_204 = arith.constant 0 : i32
    %dma_wait3A_205 = arith.constant 0 : i32
    %dma_wait3A_206 = tpu.memref_slice %arg8[%dma_wait3A_184, %dma_wait3A_204, %dma_wait3A_205] : memref<2x25x80xi32, #tpu.memory_space<vmem>> -> memref<1x25x80xi32, #tpu.memory_space<vmem>>
    %dma_wait3A_207 = tpu.memref_squeeze %dma_wait3A_206 : memref<1x25x80xi32, #tpu.memory_space<vmem>> -> memref<25x80xi32, #tpu.memory_space<vmem>>
    %dma_wait3A_208 = arith.constant 0 : i32
    %dma_wait3A_209 = arith.constant 0 : i32
    %dma_wait3A_210 = arith.constant 0 : i32
    %dma_wait3A_211 = arith.constant 0 : i32
    %dma_wait3A_212 = tpu.memref_slice %arg3[%dma_wait3A_182, %dma_wait3A_208, %dma_wait3A_209, %dma_wait3A_210, %dma_wait3A_211] : memref<2x32x5x25x80xi32, #tpu.memory_space<hbm>> -> memref<1x32x5x25x80xi32, #tpu.memory_space<hbm>>
    %dma_wait3A_213 = tpu.memref_squeeze %dma_wait3A_212 : memref<1x32x5x25x80xi32, #tpu.memory_space<hbm>> -> memref<32x5x25x80xi32, #tpu.memory_space<hbm>>
    %dma_wait3A_214 = arith.constant 0 : i32
    %dma_wait3A_215 = arith.constant 0 : i32
    %dma_wait3A_216 = arith.constant 0 : i32
    %dma_wait3A_217 = tpu.memref_slice %dma_wait3A_213[%add3A, %dma_wait3A_214, %dma_wait3A_215, %dma_wait3A_216] : memref<32x5x25x80xi32, #tpu.memory_space<hbm>> -> memref<1x5x25x80xi32, #tpu.memory_space<hbm>>
    %dma_wait3A_218 = tpu.memref_squeeze %dma_wait3A_217 : memref<1x5x25x80xi32, #tpu.memory_space<hbm>> -> memref<5x25x80xi32, #tpu.memory_space<hbm>>
    %dma_wait3A_219 = arith.constant 0 : i32
    %dma_wait3A_220 = arith.constant 0 : i32
    %dma_wait3A_221 = tpu.memref_slice %dma_wait3A_218[%dma_wait3A_183, %dma_wait3A_219, %dma_wait3A_220] : memref<5x25x80xi32, #tpu.memory_space<hbm>> -> memref<1x25x80xi32, #tpu.memory_space<hbm>>
    %dma_wait3A_222 = tpu.memref_squeeze %dma_wait3A_221 : memref<1x25x80xi32, #tpu.memory_space<hbm>> -> memref<25x80xi32, #tpu.memory_space<hbm>>
    tpu.wait_dma2 semaphore(%arg13 : memref<!tpu.dma_semaphore, #tpu.memory_space<semaphore_mem>>) src(%dma_wait3A_222 : memref<25x80xi32, #tpu.memory_space<hbm>>) dst(%dma_wait3A_207 : memref<25x80xi32, #tpu.memory_space<vmem>>)
    %scan3A = arith.constant 0 : i32
    %scan3A_223 = arith.constant 0 : i32
    %scan3A_224 = arith.constant 25 : i32
    %scan3A_225 = arith.addi %scan3A_223, %scan3A_224 : i32
    %scan3A_226 = arith.constant 1 : i32
    scf.for %scan3A_240 = %scan3A_223 to %scan3A_225 step %scan3A_226  : i32 {
      %get3A = arith.constant 0 : i32
      %get3A_241 = arith.index_cast %get3A : i32 to index
      %get3A_242 = arith.index_cast %scan3A_240 : i32 to index
      %get3A_243 = arith.constant 0 : index
      %get3A_244 = tpu.vector_load %arg6[%get3A_241, %get3A_242, %get3A_243] {strides = array<i32>} : memref<2x25x80xi32, #tpu.memory_space<vmem>>, vector<1x1x16xi32>,
      %get3A_245 = vector.shape_cast %get3A_244 : vector<1x1x16xi32> to vector<16xi32>
      %get3A_246 = arith.constant 0 : i32
      %get3A_247 = arith.index_cast %get3A_246 : i32 to index
      %get3A_248 = arith.index_cast %scan3A_240 : i32 to index
      %get3A_249 = arith.constant 0 : index
      %get3A_250 = tpu.vector_load %arg7[%get3A_247, %get3A_248, %get3A_249] {strides = array<i32>} : memref<2x25x80xi32, #tpu.memory_space<vmem>>, vector<1x1x16xi32>,
      %get3A_251 = vector.shape_cast %get3A_250 : vector<1x1x16xi32> to vector<16xi32>
      %mul3A_252 = arith.constant 10000 : i32
      %mul3A_253 = vector.broadcast %mul3A_252 : i32 to vector<16xi32>
      %mul3A_254 = arith.muli %get3A_251, %mul3A_253 : vector<16xi32>
      %add3A_255 = arith.addi %get3A_245, %mul3A_254 : vector<16xi32>
      %swap3A = arith.constant 0 : i32
      %swap3A_256 = arith.index_cast %swap3A : i32 to index
      %swap3A_257 = arith.index_cast %scan3A_240 : i32 to index
      %swap3A_258 = arith.constant 0 : index
      %swap3A_259 = tpu.vector_load %arg6[%swap3A_256, %swap3A_257, %swap3A_258] {strides = array<i32>} : memref<2x25x80xi32, #tpu.memory_space<vmem>>, vector<1x1x16xi32>,
      %swap3A_260 = vector.shape_cast %swap3A_259 : vector<1x1x16xi32> to vector<16xi32>
      %swap3A_261 = vector.shape_cast %add3A_255 : vector<16xi32> to vector<1x1x16xi32>
      tpu.vector_store %arg6[%swap3A_256, %swap3A_257, %swap3A_258], %swap3A_261 {strides = array<i32>} : memref<2x25x80xi32, #tpu.memory_space<vmem>>, vector<1x1x16xi32>,
      %get3A_262 = arith.constant 0 : i32
      %get3A_263 = arith.index_cast %get3A_262 : i32 to index
      %get3A_264 = arith.index_cast %scan3A_240 : i32 to index
      %get3A_265 = arith.constant 16 : index
      %get3A_266 = tpu.vector_load %arg6[%get3A_263, %get3A_264, %get3A_265] {strides = array<i32>} : memref<2x25x80xi32, #tpu.memory_space<vmem>>, vector<1x1x16xi32>,
      %get3A_267 = vector.shape_cast %get3A_266 : vector<1x1x16xi32> to vector<16xi32>
      %get3A_268 = arith.constant 0 : i32
      %get3A_269 = arith.index_cast %get3A_268 : i32 to index
      %get3A_270 = arith.index_cast %scan3A_240 : i32 to index
      %get3A_271 = arith.constant 16 : index
      %get3A_272 = tpu.vector_load %arg7[%get3A_269, %get3A_270, %get3A_271] {strides = array<i32>} : memref<2x25x80xi32, #tpu.memory_space<vmem>>, vector<1x1x16xi32>,
      %get3A_273 = vector.shape_cast %get3A_272 : vector<1x1x16xi32> to vector<16xi32>
      %mul3A_274 = arith.constant 10000 : i32
      %mul3A_275 = vector.broadcast %mul3A_274 : i32 to vector<16xi32>
      %mul3A_276 = arith.muli %get3A_273, %mul3A_275 : vector<16xi32>
      %add3A_277 = arith.addi %get3A_267, %mul3A_276 : vector<16xi32>
      %swap3A_278 = arith.constant 0 : i32
      %swap3A_279 = arith.index_cast %swap3A_278 : i32 to index
      %swap3A_280 = arith.index_cast %scan3A_240 : i32 to index
      %swap3A_281 = arith.constant 16 : index
      %swap3A_282 = tpu.vector_load %arg6[%swap3A_279, %swap3A_280, %swap3A_281] {strides = array<i32>} : memref<2x25x80xi32, #tpu.memory_space<vmem>>, vector<1x1x16xi32>,
      %swap3A_283 = vector.shape_cast %swap3A_282 : vector<1x1x16xi32> to vector<16xi32>
      %swap3A_284 = vector.shape_cast %add3A_277 : vector<16xi32> to vector<1x1x16xi32>
      tpu.vector_store %arg6[%swap3A_279, %swap3A_280, %swap3A_281], %swap3A_284 {strides = array<i32>} : memref<2x25x80xi32, #tpu.memory_space<vmem>>, vector<1x1x16xi32>,
      %get3A_285 = arith.constant 0 : i32
      %get3A_286 = arith.index_cast %get3A_285 : i32 to index
      %get3A_287 = arith.index_cast %scan3A_240 : i32 to index
      %get3A_288 = arith.constant 32 : index
      %get3A_289 = tpu.vector_load %arg6[%get3A_286, %get3A_287, %get3A_288] {strides = array<i32>} : memref<2x25x80xi32, #tpu.memory_space<vmem>>, vector<1x1x16xi32>,
      %get3A_290 = vector.shape_cast %get3A_289 : vector<1x1x16xi32> to vector<16xi32>
      %get3A_291 = arith.constant 0 : i32
      %get3A_292 = arith.index_cast %get3A_291 : i32 to index
      %get3A_293 = arith.index_cast %scan3A_240 : i32 to index
      %get3A_294 = arith.constant 32 : index
      %get3A_295 = tpu.vector_load %arg7[%get3A_292, %get3A_293, %get3A_294] {strides = array<i32>} : memref<2x25x80xi32, #tpu.memory_space<vmem>>, vector<1x1x16xi32>,
      %get3A_296 = vector.shape_cast %get3A_295 : vector<1x1x16xi32> to vector<16xi32>
      %mul3A_297 = arith.constant 10000 : i32
      %mul3A_298 = vector.broadcast %mul3A_297 : i32 to vector<16xi32>
      %mul3A_299 = arith.muli %get3A_296, %mul3A_298 : vector<16xi32>
      %add3A_300 = arith.addi %get3A_290, %mul3A_299 : vector<16xi32>
      %swap3A_301 = arith.constant 0 : i32
      %swap3A_302 = arith.index_cast %swap3A_301 : i32 to index
      %swap3A_303 = arith.index_cast %scan3A_240 : i32 to index
      %swap3A_304 = arith.constant 32 : index
      %swap3A_305 = tpu.vector_load %arg6[%swap3A_302, %swap3A_303, %swap3A_304] {strides = array<i32>} : memref<2x25x80xi32, #tpu.memory_space<vmem>>, vector<1x1x16xi32>,
      %swap3A_306 = vector.shape_cast %swap3A_305 : vector<1x1x16xi32> to vector<16xi32>
      %swap3A_307 = vector.shape_cast %add3A_300 : vector<16xi32> to vector<1x1x16xi32>
      tpu.vector_store %arg6[%swap3A_302, %swap3A_303, %swap3A_304], %swap3A_307 {strides = array<i32>} : memref<2x25x80xi32, #tpu.memory_space<vmem>>, vector<1x1x16xi32>,
      %get3A_308 = arith.constant 0 : i32
      %get3A_309 = arith.index_cast %get3A_308 : i32 to index
      %get3A_310 = arith.index_cast %scan3A_240 : i32 to index
      %get3A_311 = arith.constant 48 : index
      %get3A_312 = tpu.vector_load %arg6[%get3A_309, %get3A_310, %get3A_311] {strides = array<i32>} : memref<2x25x80xi32, #tpu.memory_space<vmem>>, vector<1x1x16xi32>,
      %get3A_313 = vector.shape_cast %get3A_312 : vector<1x1x16xi32> to vector<16xi32>
      %get3A_314 = arith.constant 0 : i32
      %get3A_315 = arith.index_cast %get3A_314 : i32 to index
      %get3A_316 = arith.index_cast %scan3A_240 : i32 to index
      %get3A_317 = arith.constant 48 : index
      %get3A_318 = tpu.vector_load %arg7[%get3A_315, %get3A_316, %get3A_317] {strides = array<i32>} : memref<2x25x80xi32, #tpu.memory_space<vmem>>, vector<1x1x16xi32>,
      %get3A_319 = vector.shape_cast %get3A_318 : vector<1x1x16xi32> to vector<16xi32>
      %mul3A_320 = arith.constant 10000 : i32
      %mul3A_321 = vector.broadcast %mul3A_320 : i32 to vector<16xi32>
      %mul3A_322 = arith.muli %get3A_319, %mul3A_321 : vector<16xi32>
      %add3A_323 = arith.addi %get3A_313, %mul3A_322 : vector<16xi32>
      %swap3A_324 = arith.constant 0 : i32
      %swap3A_325 = arith.index_cast %swap3A_324 : i32 to index
      %swap3A_326 = arith.index_cast %scan3A_240 : i32 to index
      %swap3A_327 = arith.constant 48 : index
      %swap3A_328 = tpu.vector_load %arg6[%swap3A_325, %swap3A_326, %swap3A_327] {strides = array<i32>} : memref<2x25x80xi32, #tpu.memory_space<vmem>>, vector<1x1x16xi32>,
      %swap3A_329 = vector.shape_cast %swap3A_328 : vector<1x1x16xi32> to vector<16xi32>
      %swap3A_330 = vector.shape_cast %add3A_323 : vector<16xi32> to vector<1x1x16xi32>
      tpu.vector_store %arg6[%swap3A_325, %swap3A_326, %swap3A_327], %swap3A_330 {strides = array<i32>} : memref<2x25x80xi32, #tpu.memory_space<vmem>>, vector<1x1x16xi32>,
      %get3A_331 = arith.constant 0 : i32
      %get3A_332 = arith.index_cast %get3A_331 : i32 to index
      %get3A_333 = arith.index_cast %scan3A_240 : i32 to index
      %get3A_334 = arith.constant 64 : index
      %get3A_335 = tpu.vector_load %arg6[%get3A_332, %get3A_333, %get3A_334] {strides = array<i32>} : memref<2x25x80xi32, #tpu.memory_space<vmem>>, vector<1x1x16xi32>,
      %get3A_336 = vector.shape_cast %get3A_335 : vector<1x1x16xi32> to vector<16xi32>
      %get3A_337 = arith.constant 0 : i32
      %get3A_338 = arith.index_cast %get3A_337 : i32 to index
      %get3A_339 = arith.index_cast %scan3A_240 : i32 to index
      %get3A_340 = arith.constant 64 : index
      %get3A_341 = tpu.vector_load %arg7[%get3A_338, %get3A_339, %get3A_340] {strides = array<i32>} : memref<2x25x80xi32, #tpu.memory_space<vmem>>, vector<1x1x16xi32>,
      %get3A_342 = vector.shape_cast %get3A_341 : vector<1x1x16xi32> to vector<16xi32>
      %mul3A_343 = arith.constant 10000 : i32
      %mul3A_344 = vector.broadcast %mul3A_343 : i32 to vector<16xi32>
      %mul3A_345 = arith.muli %get3A_342, %mul3A_344 : vector<16xi32>
      %add3A_346 = arith.addi %get3A_336, %mul3A_345 : vector<16xi32>
      %swap3A_347 = arith.constant 0 : i32
      %swap3A_348 = arith.index_cast %swap3A_347 : i32 to index
      %swap3A_349 = arith.index_cast %scan3A_240 : i32 to index
      %swap3A_350 = arith.constant 64 : index
      %swap3A_351 = tpu.vector_load %arg6[%swap3A_348, %swap3A_349, %swap3A_350] {strides = array<i32>} : memref<2x25x80xi32, #tpu.memory_space<vmem>>, vector<1x1x16xi32>,
      %swap3A_352 = vector.shape_cast %swap3A_351 : vector<1x1x16xi32> to vector<16xi32>
      %swap3A_353 = vector.shape_cast %add3A_346 : vector<16xi32> to vector<1x1x16xi32>
      tpu.vector_store %arg6[%swap3A_348, %swap3A_349, %swap3A_350], %swap3A_353 {strides = array<i32>} : memref<2x25x80xi32, #tpu.memory_space<vmem>>, vector<1x1x16xi32>,
    }
    %scan3A_227 = arith.constant 25 : i32
    %barrier3A = arith.constant 0 : index
    tpu.barrier barrier_id(%barrier3A)
    %scan3A_228 = arith.constant 0 : i32
    %scan3A_229 = arith.constant 0 : i32
    %scan3A_230 = arith.constant 5 : i32
    %scan3A_231 = arith.addi %scan3A_229, %scan3A_230 : i32
    %scan3A_232 = arith.constant 1 : i32
    scf.for %scan3A_240 = %scan3A_229 to %scan3A_231 step %scan3A_232  : i32 {
      %rem3A = arith.constant 2 : i32
      %rem3A_241 = arith.remsi %scan3A_240, %rem3A : i32
      %add3A_242 = arith.constant 1 : i32
      %add3A_243 = arith.addi %scan3A_240, %add3A_242 : i32
      %rem3A_244 = arith.constant 2 : i32
      %rem3A_245 = arith.remsi %add3A_243, %rem3A_244 : i32
      %add3A_246 = arith.constant 1 : i32
      %add3A_247 = arith.addi %scan3A_240, %add3A_246 : i32
      %lt3A_248 = arith.constant 5 : i32
      %lt3A_249 = arith.cmpi slt, %add3A_247, %lt3A_248 : i32
      %convert_element_type3A_250 = arith.extui %lt3A_249 : i1 to i32
      %cond3A_251 = arith.constant 0 : i32
      %cond3A_252 = arith.cmpi ne, %convert_element_type3A_250, %cond3A_251 : i32
      scf.if %cond3A_252 {
        %add3A_285 = arith.constant 1 : i32
        %add3A_286 = arith.addi %scan3A_240, %add3A_285 : i32
        %dma_start3A_287 = arith.constant 0 : i32
        %dma_start3A_288 = arith.constant 0 : i32
        %dma_start3A_289 = arith.constant 0 : i32
        %dma_start3A_290 = tpu.memref_slice %arg6[%rem3A_245, %dma_start3A_288, %dma_start3A_289] : memref<2x25x80xi32, #tpu.memory_space<vmem>> -> memref<1x25x80xi32, #tpu.memory_space<vmem>>
        %dma_start3A_291 = tpu.memref_squeeze %dma_start3A_290 : memref<1x25x80xi32, #tpu.memory_space<vmem>> -> memref<25x80xi32, #tpu.memory_space<vmem>>
        %dma_start3A_292 = arith.constant 0 : i32
        %dma_start3A_293 = arith.constant 0 : i32
        %dma_start3A_294 = arith.constant 0 : i32
        %dma_start3A_295 = arith.constant 0 : i32
        %dma_start3A_296 = tpu.memref_slice %arg3[%dma_start3A_287, %dma_start3A_292, %dma_start3A_293, %dma_start3A_294, %dma_start3A_295] : memref<2x32x5x25x80xi32, #tpu.memory_space<hbm>> -> memref<1x32x5x25x80xi32, #tpu.memory_space<hbm>>
        %dma_start3A_297 = tpu.memref_squeeze %dma_start3A_296 : memref<1x32x5x25x80xi32, #tpu.memory_space<hbm>> -> memref<32x5x25x80xi32, #tpu.memory_space<hbm>>
        %dma_start3A_298 = arith.constant 0 : i32
        %dma_start3A_299 = arith.constant 0 : i32
        %dma_start3A_300 = arith.constant 0 : i32
        %dma_start3A_301 = tpu.memref_slice %dma_start3A_297[%add3A, %dma_start3A_298, %dma_start3A_299, %dma_start3A_300] : memref<32x5x25x80xi32, #tpu.memory_space<hbm>> -> memref<1x5x25x80xi32, #tpu.memory_space<hbm>>
        %dma_start3A_302 = tpu.memref_squeeze %dma_start3A_301 : memref<1x5x25x80xi32, #tpu.memory_space<hbm>> -> memref<5x25x80xi32, #tpu.memory_space<hbm>>
        %dma_start3A_303 = arith.constant 0 : i32
        %dma_start3A_304 = arith.constant 0 : i32
        %dma_start3A_305 = tpu.memref_slice %dma_start3A_302[%add3A_286, %dma_start3A_303, %dma_start3A_304] : memref<5x25x80xi32, #tpu.memory_space<hbm>> -> memref<1x25x80xi32, #tpu.memory_space<hbm>>
        %dma_start3A_306 = tpu.memref_squeeze %dma_start3A_305 : memref<1x25x80xi32, #tpu.memory_space<hbm>> -> memref<25x80xi32, #tpu.memory_space<hbm>>
        %dma_start3A_307 = arith.constant 0 : i32
        %dma_start3A_308 = arith.constant 0 : i32
        %dma_start3A_309 = tpu.memref_slice %arg6[%rem3A_245, %dma_start3A_307, %dma_start3A_308] : memref<2x25x80xi32, #tpu.memory_space<vmem>> -> memref<1x25x80xi32, #tpu.memory_space<vmem>>
        %dma_start3A_310 = tpu.memref_squeeze %dma_start3A_309 : memref<1x25x80xi32, #tpu.memory_space<vmem>> -> memref<25x80xi32, #tpu.memory_space<vmem>>
        %dma_start3A_311 = arith.constant 0 : i32
        %dma_start3A_312 = arith.constant 0 : i32
        %dma_start3A_313 = arith.constant 0 : i32
        %dma_start3A_314 = arith.constant 0 : i32
        %dma_start3A_315 = tpu.memref_slice %arg3[%dma_start3A_287, %dma_start3A_311, %dma_start3A_312, %dma_start3A_313, %dma_start3A_314] : memref<2x32x5x25x80xi32, #tpu.memory_space<hbm>> -> memref<1x32x5x25x80xi32, #tpu.memory_space<hbm>>
        %dma_start3A_316 = tpu.memref_squeeze %dma_start3A_315 : memref<1x32x5x25x80xi32, #tpu.memory_space<hbm>> -> memref<32x5x25x80xi32, #tpu.memory_space<hbm>>
        %dma_start3A_317 = arith.constant 0 : i32
        %dma_start3A_318 = arith.constant 0 : i32
        %dma_start3A_319 = arith.constant 0 : i32
        %dma_start3A_320 = tpu.memref_slice %dma_start3A_316[%add3A, %dma_start3A_317, %dma_start3A_318, %dma_start3A_319] : memref<32x5x25x80xi32, #tpu.memory_space<hbm>> -> memref<1x5x25x80xi32, #tpu.memory_space<hbm>>
        %dma_start3A_321 = tpu.memref_squeeze %dma_start3A_320 : memref<1x5x25x80xi32, #tpu.memory_space<hbm>> -> memref<5x25x80xi32, #tpu.memory_space<hbm>>
        %dma_start3A_322 = arith.constant 0 : i32
        %dma_start3A_323 = arith.constant 0 : i32
        %dma_start3A_324 = tpu.memref_slice %dma_start3A_321[%add3A_286, %dma_start3A_322, %dma_start3A_323] : memref<5x25x80xi32, #tpu.memory_space<hbm>> -> memref<1x25x80xi32, #tpu.memory_space<hbm>>
        %dma_start3A_325 = tpu.memref_squeeze %dma_start3A_324 : memref<1x25x80xi32, #tpu.memory_space<hbm>> -> memref<25x80xi32, #tpu.memory_space<hbm>>
        tpu.enqueue_dma source(%dma_start3A_325 : memref<25x80xi32, #tpu.memory_space<hbm>>) target(%dma_start3A_310 : memref<25x80xi32, #tpu.memory_space<vmem>>) target_semaphore(%arg13 : memref<!tpu.dma_semaphore, #tpu.memory_space<semaphore_mem>>)
        %dma_start3A_326 = arith.constant 0 : i32
        %dma_start3A_327 = arith.constant 0 : i32
        %dma_start3A_328 = tpu.memref_slice %arg7[%rem3A_245, %dma_start3A_326, %dma_start3A_327] : memref<2x25x80xi32, #tpu.memory_space<vmem>> -> memref<1x25x80xi32, #tpu.memory_space<vmem>>
        %dma_start3A_329 = tpu.memref_squeeze %dma_start3A_328 : memref<1x25x80xi32, #tpu.memory_space<vmem>> -> memref<25x80xi32, #tpu.memory_space<vmem>>
        %dma_start3A_330 = arith.constant 0 : i32
        %dma_start3A_331 = arith.constant 0 : i32
        %dma_start3A_332 = arith.constant 0 : i32
        %dma_start3A_333 = tpu.memref_slice %arg4[%add3A, %dma_start3A_330, %dma_start3A_331, %dma_start3A_332] : memref<32x5x25x80xi32, #tpu.memory_space<hbm>> -> memref<1x5x25x80xi32, #tpu.memory_space<hbm>>
        %dma_start3A_334 = tpu.memref_squeeze %dma_start3A_333 : memref<1x5x25x80xi32, #tpu.memory_space<hbm>> -> memref<5x25x80xi32, #tpu.memory_space<hbm>>
        %dma_start3A_335 = arith.constant 0 : i32
        %dma_start3A_336 = arith.constant 0 : i32
        %dma_start3A_337 = tpu.memref_slice %dma_start3A_334[%add3A_286, %dma_start3A_335, %dma_start3A_336] : memref<5x25x80xi32, #tpu.memory_space<hbm>> -> memref<1x25x80xi32, #tpu.memory_space<hbm>>
        %dma_start3A_338 = tpu.memref_squeeze %dma_start3A_337 : memref<1x25x80xi32, #tpu.memory_space<hbm>> -> memref<25x80xi32, #tpu.memory_space<hbm>>
        %dma_start3A_339 = arith.constant 0 : i32
        %dma_start3A_340 = arith.constant 0 : i32
        %dma_start3A_341 = tpu.memref_slice %arg7[%rem3A_245, %dma_start3A_339, %dma_start3A_340] : memref<2x25x80xi32, #tpu.memory_space<vmem>> -> memref<1x25x80xi32, #tpu.memory_space<vmem>>
        %dma_start3A_342 = tpu.memref_squeeze %dma_start3A_341 : memref<1x25x80xi32, #tpu.memory_space<vmem>> -> memref<25x80xi32, #tpu.memory_space<vmem>>
        %dma_start3A_343 = arith.constant 0 : i32
        %dma_start3A_344 = arith.constant 0 : i32
        %dma_start3A_345 = arith.constant 0 : i32
        %dma_start3A_346 = tpu.memref_slice %arg4[%add3A, %dma_start3A_343, %dma_start3A_344, %dma_start3A_345] : memref<32x5x25x80xi32, #tpu.memory_space<hbm>> -> memref<1x5x25x80xi32, #tpu.memory_space<hbm>>
        %dma_start3A_347 = tpu.memref_squeeze %dma_start3A_346 : memref<1x5x25x80xi32, #tpu.memory_space<hbm>> -> memref<5x25x80xi32, #tpu.memory_space<hbm>>
        %dma_start3A_348 = arith.constant 0 : i32
        %dma_start3A_349 = arith.constant 0 : i32
        %dma_start3A_350 = tpu.memref_slice %dma_start3A_347[%add3A_286, %dma_start3A_348, %dma_start3A_349] : memref<5x25x80xi32, #tpu.memory_space<hbm>> -> memref<1x25x80xi32, #tpu.memory_space<hbm>>
        %dma_start3A_351 = tpu.memref_squeeze %dma_start3A_350 : memref<1x25x80xi32, #tpu.memory_space<hbm>> -> memref<25x80xi32, #tpu.memory_space<hbm>>
        tpu.enqueue_dma source(%dma_start3A_351 : memref<25x80xi32, #tpu.memory_space<hbm>>) target(%dma_start3A_342 : memref<25x80xi32, #tpu.memory_space<vmem>>) target_semaphore(%arg13 : memref<!tpu.dma_semaphore, #tpu.memory_space<semaphore_mem>>)
        %dma_start3A_352 = arith.constant 1 : i32
        %dma_start3A_353 = arith.constant 0 : i32
        %dma_start3A_354 = arith.constant 0 : i32
        %dma_start3A_355 = tpu.memref_slice %arg8[%rem3A_245, %dma_start3A_353, %dma_start3A_354] : memref<2x25x80xi32, #tpu.memory_space<vmem>> -> memref<1x25x80xi32, #tpu.memory_space<vmem>>
        %dma_start3A_356 = tpu.memref_squeeze %dma_start3A_355 : memref<1x25x80xi32, #tpu.memory_space<vmem>> -> memref<25x80xi32, #tpu.memory_space<vmem>>
        %dma_start3A_357 = arith.constant 0 : i32
        %dma_start3A_358 = arith.constant 0 : i32
        %dma_start3A_359 = arith.constant 0 : i32
        %dma_start3A_360 = arith.constant 0 : i32
        %dma_start3A_361 = tpu.memref_slice %arg3[%dma_start3A_352, %dma_start3A_357, %dma_start3A_358, %dma_start3A_359, %dma_start3A_360] : memref<2x32x5x25x80xi32, #tpu.memory_space<hbm>> -> memref<1x32x5x25x80xi32, #tpu.memory_space<hbm>>
        %dma_start3A_362 = tpu.memref_squeeze %dma_start3A_361 : memref<1x32x5x25x80xi32, #tpu.memory_space<hbm>> -> memref<32x5x25x80xi32, #tpu.memory_space<hbm>>
        %dma_start3A_363 = arith.constant 0 : i32
        %dma_start3A_364 = arith.constant 0 : i32
        %dma_start3A_365 = arith.constant 0 : i32
        %dma_start3A_366 = tpu.memref_slice %dma_start3A_362[%add3A, %dma_start3A_363, %dma_start3A_364, %dma_start3A_365] : memref<32x5x25x80xi32, #tpu.memory_space<hbm>> -> memref<1x5x25x80xi32, #tpu.memory_space<hbm>>
        %dma_start3A_367 = tpu.memref_squeeze %dma_start3A_366 : memref<1x5x25x80xi32, #tpu.memory_space<hbm>> -> memref<5x25x80xi32, #tpu.memory_space<hbm>>
        %dma_start3A_368 = arith.constant 0 : i32
        %dma_start3A_369 = arith.constant 0 : i32
        %dma_start3A_370 = tpu.memref_slice %dma_start3A_367[%add3A_286, %dma_start3A_368, %dma_start3A_369] : memref<5x25x80xi32, #tpu.memory_space<hbm>> -> memref<1x25x80xi32, #tpu.memory_space<hbm>>
        %dma_start3A_371 = tpu.memref_squeeze %dma_start3A_370 : memref<1x25x80xi32, #tpu.memory_space<hbm>> -> memref<25x80xi32, #tpu.memory_space<hbm>>
        %dma_start3A_372 = arith.constant 0 : i32
        %dma_start3A_373 = arith.constant 0 : i32
        %dma_start3A_374 = tpu.memref_slice %arg8[%rem3A_245, %dma_start3A_372, %dma_start3A_373] : memref<2x25x80xi32, #tpu.memory_space<vmem>> -> memref<1x25x80xi32, #tpu.memory_space<vmem>>
        %dma_start3A_375 = tpu.memref_squeeze %dma_start3A_374 : memref<1x25x80xi32, #tpu.memory_space<vmem>> -> memref<25x80xi32, #tpu.memory_space<vmem>>
        %dma_start3A_376 = arith.constant 0 : i32
        %dma_start3A_377 = arith.constant 0 : i32
        %dma_start3A_378 = arith.constant 0 : i32
        %dma_start3A_379 = arith.constant 0 : i32
        %dma_start3A_380 = tpu.memref_slice %arg3[%dma_start3A_352, %dma_start3A_376, %dma_start3A_377, %dma_start3A_378, %dma_start3A_379] : memref<2x32x5x25x80xi32, #tpu.memory_space<hbm>> -> memref<1x32x5x25x80xi32, #tpu.memory_space<hbm>>
        %dma_start3A_381 = tpu.memref_squeeze %dma_start3A_380 : memref<1x32x5x25x80xi32, #tpu.memory_space<hbm>> -> memref<32x5x25x80xi32, #tpu.memory_space<hbm>>
        %dma_start3A_382 = arith.constant 0 : i32
        %dma_start3A_383 = arith.constant 0 : i32
        %dma_start3A_384 = arith.constant 0 : i32
        %dma_start3A_385 = tpu.memref_slice %dma_start3A_381[%add3A, %dma_start3A_382, %dma_start3A_383, %dma_start3A_384] : memref<32x5x25x80xi32, #tpu.memory_space<hbm>> -> memref<1x5x25x80xi32, #tpu.memory_space<hbm>>
        %dma_start3A_386 = tpu.memref_squeeze %dma_start3A_385 : memref<1x5x25x80xi32, #tpu.memory_space<hbm>> -> memref<5x25x80xi32, #tpu.memory_space<hbm>>
        %dma_start3A_387 = arith.constant 0 : i32
        %dma_start3A_388 = arith.constant 0 : i32
        %dma_start3A_389 = tpu.memref_slice %dma_start3A_386[%add3A_286, %dma_start3A_387, %dma_start3A_388] : memref<5x25x80xi32, #tpu.memory_space<hbm>> -> memref<1x25x80xi32, #tpu.memory_space<hbm>>
        %dma_start3A_390 = tpu.memref_squeeze %dma_start3A_389 : memref<1x25x80xi32, #tpu.memory_space<hbm>> -> memref<25x80xi32, #tpu.memory_space<hbm>>
        tpu.enqueue_dma source(%dma_start3A_390 : memref<25x80xi32, #tpu.memory_space<hbm>>) target(%dma_start3A_375 : memref<25x80xi32, #tpu.memory_space<vmem>>) target_semaphore(%arg13 : memref<!tpu.dma_semaphore, #tpu.memory_space<semaphore_mem>>)
      } else {
      }
      %dma_start3A_253 = arith.constant 0 : i32
      %dma_start3A_254 = arith.constant 0 : i32
      %dma_start3A_255 = arith.constant 0 : i32
      %dma_start3A_256 = arith.constant 0 : i32
      %dma_start3A_257 = arith.constant 0 : i32
      %dma_start3A_258 = tpu.memref_slice %arg9[%dma_start3A_254, %dma_start3A_256, %dma_start3A_257] : memref<2x80x128xf32, #tpu.memory_space<vmem>> -> memref<1x80x128xf32, #tpu.memory_space<vmem>>
      %dma_start3A_259 = tpu.memref_squeeze %dma_start3A_258 : memref<1x80x128xf32, #tpu.memory_space<vmem>> -> memref<80x128xf32, #tpu.memory_space<vmem>>
      %dma_start3A_260 = arith.constant 0 : i32
      %dma_start3A_261 = arith.constant 0 : i32
      %dma_start3A_262 = tpu.memref_slice %arg6[%rem3A_241, %dma_start3A_260, %dma_start3A_261] : memref<2x25x80xi32, #tpu.memory_space<vmem>> -> memref<1x25x80xi32, #tpu.memory_space<vmem>>
      %dma_start3A_263 = tpu.memref_squeeze %dma_start3A_262 : memref<1x25x80xi32, #tpu.memory_space<vmem>> -> memref<25x80xi32, #tpu.memory_space<vmem>>
      %dma_start3A_264 = arith.constant 0 : i32
      %dma_start3A_265 = tpu.memref_slice %dma_start3A_263[%dma_start3A_253, %dma_start3A_264] : memref<25x80xi32, #tpu.memory_space<vmem>> -> memref<1x80xi32, #tpu.memory_space<vmem>>
      %dma_start3A_266 = tpu.memref_squeeze %dma_start3A_265 : memref<1x80xi32, #tpu.memory_space<vmem>> -> memref<80xi32, #tpu.memory_space<vmem>>
      %dma_start3A_267 = arith.constant 0 : i32
      %dma_start3A_268 = arith.constant 0 : i32
      %dma_start3A_269 = tpu.memref_slice %arg2[%dma_start3A_267, %dma_start3A_268] : memref<160000x128xf32, #tpu.memory_space<hbm>> -> memref<160000x128xf32, #tpu.memory_space<hbm>>
      %dma_start3A_270 = tpu.memref_slice %arg12[%dma_start3A_255] : memref<2x!tpu.dma_semaphore, #tpu.memory_space<semaphore_mem>> -> memref<1x!tpu.dma_semaphore, #tpu.memory_space<semaphore_mem>>
      %dma_start3A_271 = tpu.memref_squeeze %dma_start3A_270 : memref<1x!tpu.dma_semaphore, #tpu.memory_space<semaphore_mem>> -> memref<!tpu.dma_semaphore, #tpu.memory_space<semaphore_mem>>
      tpu.enqueue_indirect_dma source(%dma_start3A_269 : memref<160000x128xf32, #tpu.memory_space<hbm>>) target(%dma_start3A_259 : memref<80x128xf32, #tpu.memory_space<vmem>>) offsets(%dma_start3A_266 : memref<80xi32, #tpu.memory_space<vmem>>) semaphore(%dma_start3A_271 : memref<!tpu.dma_semaphore, #tpu.memory_space<semaphore_mem>>)
      %scan3A_272 = arith.constant 0 : i32
      %scan3A_273 = arith.constant 0 : i32
      %scan3A_274 = arith.constant 25 : i32
      %scan3A_275 = arith.addi %scan3A_273, %scan3A_274 : i32
      %scan3A_276 = arith.constant 1 : i32
      scf.for %scan3A_285 = %scan3A_273 to %scan3A_275 step %scan3A_276  : i32 {
        %rem3A_286 = arith.constant 2 : i32
        %rem3A_287 = arith.remsi %scan3A_285, %rem3A_286 : i32
        %add3A_288 = arith.constant 1 : i32
        %add3A_289 = arith.addi %scan3A_285, %add3A_288 : i32
        %rem3A_290 = arith.constant 2 : i32
        %rem3A_291 = arith.remsi %add3A_289, %rem3A_290 : i32
        %add3A_292 = arith.constant 1 : i32
        %add3A_293 = arith.addi %scan3A_285, %add3A_292 : i32
        %lt3A_294 = arith.constant 25 : i32
        %lt3A_295 = arith.cmpi slt, %add3A_293, %lt3A_294 : i32
        %convert_element_type3A_296 = arith.extui %lt3A_295 : i1 to i32
        %cond3A_297 = arith.constant 0 : i32
        %cond3A_298 = arith.cmpi ne, %convert_element_type3A_296, %cond3A_297 : i32
        scf.if %cond3A_298 {
          %add3A_315 = arith.constant 1 : i32
          %add3A_316 = arith.addi %scan3A_285, %add3A_315 : i32
          %dma_start3A_317 = arith.constant 0 : i32
          %dma_start3A_318 = arith.constant 0 : i32
          %dma_start3A_319 = tpu.memref_slice %arg9[%rem3A_291, %dma_start3A_317, %dma_start3A_318] : memref<2x80x128xf32, #tpu.memory_space<vmem>> -> memref<1x80x128xf32, #tpu.memory_space<vmem>>
          %dma_start3A_320 = tpu.memref_squeeze %dma_start3A_319 : memref<1x80x128xf32, #tpu.memory_space<vmem>> -> memref<80x128xf32, #tpu.memory_space<vmem>>
          %dma_start3A_321 = arith.constant 0 : i32
          %dma_start3A_322 = arith.constant 0 : i32
          %dma_start3A_323 = tpu.memref_slice %arg6[%rem3A_241, %dma_start3A_321, %dma_start3A_322] : memref<2x25x80xi32, #tpu.memory_space<vmem>> -> memref<1x25x80xi32, #tpu.memory_space<vmem>>
          %dma_start3A_324 = tpu.memref_squeeze %dma_start3A_323 : memref<1x25x80xi32, #tpu.memory_space<vmem>> -> memref<25x80xi32, #tpu.memory_space<vmem>>
          %dma_start3A_325 = arith.constant 0 : i32
          %dma_start3A_326 = tpu.memref_slice %dma_start3A_324[%add3A_316, %dma_start3A_325] : memref<25x80xi32, #tpu.memory_space<vmem>> -> memref<1x80xi32, #tpu.memory_space<vmem>>
          %dma_start3A_327 = tpu.memref_squeeze %dma_start3A_326 : memref<1x80xi32, #tpu.memory_space<vmem>> -> memref<80xi32, #tpu.memory_space<vmem>>
          %dma_start3A_328 = arith.constant 0 : i32
          %dma_start3A_329 = arith.constant 0 : i32
          %dma_start3A_330 = tpu.memref_slice %arg2[%dma_start3A_328, %dma_start3A_329] : memref<160000x128xf32, #tpu.memory_space<hbm>> -> memref<160000x128xf32, #tpu.memory_space<hbm>>
          %dma_start3A_331 = tpu.memref_slice %arg12[%rem3A_291] : memref<2x!tpu.dma_semaphore, #tpu.memory_space<semaphore_mem>> -> memref<1x!tpu.dma_semaphore, #tpu.memory_space<semaphore_mem>>
          %dma_start3A_332 = tpu.memref_squeeze %dma_start3A_331 : memref<1x!tpu.dma_semaphore, #tpu.memory_space<semaphore_mem>> -> memref<!tpu.dma_semaphore, #tpu.memory_space<semaphore_mem>>
          tpu.enqueue_indirect_dma source(%dma_start3A_330 : memref<160000x128xf32, #tpu.memory_space<hbm>>) target(%dma_start3A_320 : memref<80x128xf32, #tpu.memory_space<vmem>>) offsets(%dma_start3A_327 : memref<80xi32, #tpu.memory_space<vmem>>) semaphore(%dma_start3A_332 : memref<!tpu.dma_semaphore, #tpu.memory_space<semaphore_mem>>)
        } else {
        }
        %dma_wait3A_299 = arith.constant 0 : i32
        %dma_wait3A_300 = arith.constant 0 : i32
        %dma_wait3A_301 = tpu.memref_slice %arg9[%rem3A_287, %dma_wait3A_299, %dma_wait3A_300] : memref<2x80x128xf32, #tpu.memory_space<vmem>> -> memref<1x80x128xf32, #tpu.memory_space<vmem>>
        %dma_wait3A_302 = tpu.memref_squeeze %dma_wait3A_301 : memref<1x80x128xf32, #tpu.memory_space<vmem>> -> memref<80x128xf32, #tpu.memory_space<vmem>>
        %dma_wait3A_303 = arith.constant 0 : i32
        %dma_wait3A_304 = arith.constant 0 : i32
        %dma_wait3A_305 = tpu.memref_slice %arg6[%rem3A_241, %dma_wait3A_303, %dma_wait3A_304] : memref<2x25x80xi32, #tpu.memory_space<vmem>> -> memref<1x25x80xi32, #tpu.memory_space<vmem>>
        %dma_wait3A_306 = tpu.memref_squeeze %dma_wait3A_305 : memref<1x25x80xi32, #tpu.memory_space<vmem>> -> memref<25x80xi32, #tpu.memory_space<vmem>>
        %dma_wait3A_307 = arith.constant 0 : i32
        %dma_wait3A_308 = tpu.memref_slice %dma_wait3A_306[%scan3A_285, %dma_wait3A_307] : memref<25x80xi32, #tpu.memory_space<vmem>> -> memref<1x80xi32, #tpu.memory_space<vmem>>
        %dma_wait3A_309 = tpu.memref_squeeze %dma_wait3A_308 : memref<1x80xi32, #tpu.memory_space<vmem>> -> memref<80xi32, #tpu.memory_space<vmem>>
        %dma_wait3A_310 = arith.constant 0 : i32
        %dma_wait3A_311 = arith.constant 0 : i32
        %dma_wait3A_312 = tpu.memref_slice %arg2[%dma_wait3A_310, %dma_wait3A_311] : memref<160000x128xf32, #tpu.memory_space<hbm>> -> memref<160000x128xf32, #tpu.memory_space<hbm>>
        %dma_wait3A_313 = tpu.memref_slice %arg12[%rem3A_287] : memref<2x!tpu.dma_semaphore, #tpu.memory_space<semaphore_mem>> -> memref<1x!tpu.dma_semaphore, #tpu.memory_space<semaphore_mem>>
        %dma_wait3A_314 = tpu.memref_squeeze %dma_wait3A_313 : memref<1x!tpu.dma_semaphore, #tpu.memory_space<semaphore_mem>> -> memref<!tpu.dma_semaphore, #tpu.memory_space<semaphore_mem>>
        tpu.wait_indirect_dma semaphore(%dma_wait3A_314 : memref<!tpu.dma_semaphore, #tpu.memory_space<semaphore_mem>>) src(%dma_wait3A_312 : memref<160000x128xf32, #tpu.memory_space<hbm>>) dst(%dma_wait3A_302 : memref<80x128xf32, #tpu.memory_space<vmem>>)
        "tpu.region"() ({
          %run_scoped3A = tpu.sem_alloc : memref<!tpu.dma_semaphore, #tpu.memory_space<semaphore_mem>>
          %dma_start3A_315 = arith.constant 0 : i32
          %dma_start3A_316 = arith.constant 0 : i32
          %dma_start3A_317 = tpu.memref_slice %arg9[%rem3A_287, %dma_start3A_315, %dma_start3A_316] : memref<2x80x128xf32, #tpu.memory_space<vmem>> -> memref<1x80x128xf32, #tpu.memory_space<vmem>>
          %dma_start3A_318 = tpu.memref_squeeze %dma_start3A_317 : memref<1x80x128xf32, #tpu.memory_space<vmem>> -> memref<80x128xf32, #tpu.memory_space<vmem>>
          %dma_start3A_319 = arith.constant 0 : i32
          %dma_start3A_320 = arith.constant 0 : i32
          %dma_start3A_321 = tpu.memref_slice %arg8[%rem3A_241, %dma_start3A_319, %dma_start3A_320] : memref<2x25x80xi32, #tpu.memory_space<vmem>> -> memref<1x25x80xi32, #tpu.memory_space<vmem>>
          %dma_start3A_322 = tpu.memref_squeeze %dma_start3A_321 : memref<1x25x80xi32, #tpu.memory_space<vmem>> -> memref<25x80xi32, #tpu.memory_space<vmem>>
          %dma_start3A_323 = arith.constant 0 : i32
          %dma_start3A_324 = tpu.memref_slice %dma_start3A_322[%scan3A_285, %dma_start3A_323] : memref<25x80xi32, #tpu.memory_space<vmem>> -> memref<1x80xi32, #tpu.memory_space<vmem>>
          %dma_start3A_325 = tpu.memref_squeeze %dma_start3A_324 : memref<1x80xi32, #tpu.memory_space<vmem>> -> memref<80xi32, #tpu.memory_space<vmem>>
          %dma_start3A_326 = arith.constant 0 : i32
          %dma_start3A_327 = arith.constant 0 : i32
          %dma_start3A_328 = tpu.memref_slice %arg11[%dma_start3A_326, %dma_start3A_327] : memref<10000x128xf32, #tpu.memory_space<vmem_shared>> -> memref<10000x128xf32, #tpu.memory_space<vmem_shared>>
          tpu.enqueue_indirect_dma source(%dma_start3A_318 : memref<80x128xf32, #tpu.memory_space<vmem>>) target(%dma_start3A_328 : memref<10000x128xf32, #tpu.memory_space<vmem_shared>>) offsets(%dma_start3A_325 : memref<80xi32, #tpu.memory_space<vmem>>) semaphore(%run_scoped3A : memref<!tpu.dma_semaphore, #tpu.memory_space<semaphore_mem>>) {add = true}
          %dma_wait3A_329 = arith.constant 0 : i32
          %dma_wait3A_330 = arith.constant 0 : i32
          %dma_wait3A_331 = tpu.memref_slice %arg9[%rem3A_287, %dma_wait3A_329, %dma_wait3A_330] : memref<2x80x128xf32, #tpu.memory_space<vmem>> -> memref<1x80x128xf32, #tpu.memory_space<vmem>>
          %dma_wait3A_332 = tpu.memref_squeeze %dma_wait3A_331 : memref<1x80x128xf32, #tpu.memory_space<vmem>> -> memref<80x128xf32, #tpu.memory_space<vmem>>
          %dma_wait3A_333 = arith.constant 0 : i32
          %dma_wait3A_334 = arith.constant 0 : i32
          %dma_wait3A_335 = tpu.memref_slice %arg8[%rem3A_241, %dma_wait3A_333, %dma_wait3A_334] : memref<2x25x80xi32, #tpu.memory_space<vmem>> -> memref<1x25x80xi32, #tpu.memory_space<vmem>>
          %dma_wait3A_336 = tpu.memref_squeeze %dma_wait3A_335 : memref<1x25x80xi32, #tpu.memory_space<vmem>> -> memref<25x80xi32, #tpu.memory_space<vmem>>
          %dma_wait3A_337 = arith.constant 0 : i32
          %dma_wait3A_338 = tpu.memref_slice %dma_wait3A_336[%scan3A_285, %dma_wait3A_337] : memref<25x80xi32, #tpu.memory_space<vmem>> -> memref<1x80xi32, #tpu.memory_space<vmem>>
          %dma_wait3A_339 = tpu.memref_squeeze %dma_wait3A_338 : memref<1x80xi32, #tpu.memory_space<vmem>> -> memref<80xi32, #tpu.memory_space<vmem>>
          %dma_wait3A_340 = arith.constant 0 : i32
          %dma_wait3A_341 = arith.constant 0 : i32
          %dma_wait3A_342 = tpu.memref_slice %arg11[%dma_wait3A_340, %dma_wait3A_341] : memref<10000x128xf32, #tpu.memory_space<vmem_shared>> -> memref<10000x128xf32, #tpu.memory_space<vmem_shared>>
          tpu.wait_indirect_dma semaphore(%run_scoped3A : memref<!tpu.dma_semaphore, #tpu.memory_space<semaphore_mem>>) src(%dma_wait3A_332 : memref<80x128xf32, #tpu.memory_space<vmem>>) dst(%dma_wait3A_342 : memref<10000x128xf32, #tpu.memory_space<vmem_shared>>)
          tpu.yield
        }) : () -> ()
      }
      %scan3A_277 = arith.constant 25 : i32
      %add3A_278 = arith.constant 1 : i32
      %add3A_279 = arith.addi %scan3A_240, %add3A_278 : i32
      %lt3A_280 = arith.constant 5 : i32
      %lt3A_281 = arith.cmpi slt, %add3A_279, %lt3A_280 : i32
      %convert_element_type3A_282 = arith.extui %lt3A_281 : i1 to i32
      %cond3A_283 = arith.constant 0 : i32
      %cond3A_284 = arith.cmpi ne, %convert_element_type3A_282, %cond3A_283 : i32
      scf.if %cond3A_284 {
        %add3A_285 = arith.constant 1 : i32
        %add3A_286 = arith.addi %scan3A_240, %add3A_285 : i32
        %dma_wait3A_287 = arith.constant 0 : i32
        %dma_wait3A_288 = arith.constant 0 : i32
        %dma_wait3A_289 = arith.constant 0 : i32
        %dma_wait3A_290 = tpu.memref_slice %arg6[%rem3A_245, %dma_wait3A_288, %dma_wait3A_289] : memref<2x25x80xi32, #tpu.memory_space<vmem>> -> memref<1x25x80xi32, #tpu.memory_space<vmem>>
        %dma_wait3A_291 = tpu.memref_squeeze %dma_wait3A_290 : memref<1x25x80xi32, #tpu.memory_space<vmem>> -> memref<25x80xi32, #tpu.memory_space<vmem>>
        %dma_wait3A_292 = arith.constant 0 : i32
        %dma_wait3A_293 = arith.constant 0 : i32
        %dma_wait3A_294 = arith.constant 0 : i32
        %dma_wait3A_295 = arith.constant 0 : i32
        %dma_wait3A_296 = tpu.memref_slice %arg3[%dma_wait3A_287, %dma_wait3A_292, %dma_wait3A_293, %dma_wait3A_294, %dma_wait3A_295] : memref<2x32x5x25x80xi32, #tpu.memory_space<hbm>> -> memref<1x32x5x25x80xi32, #tpu.memory_space<hbm>>
        %dma_wait3A_297 = tpu.memref_squeeze %dma_wait3A_296 : memref<1x32x5x25x80xi32, #tpu.memory_space<hbm>> -> memref<32x5x25x80xi32, #tpu.memory_space<hbm>>
        %dma_wait3A_298 = arith.constant 0 : i32
        %dma_wait3A_299 = arith.constant 0 : i32
        %dma_wait3A_300 = arith.constant 0 : i32
        %dma_wait3A_301 = tpu.memref_slice %dma_wait3A_297[%add3A, %dma_wait3A_298, %dma_wait3A_299, %dma_wait3A_300] : memref<32x5x25x80xi32, #tpu.memory_space<hbm>> -> memref<1x5x25x80xi32, #tpu.memory_space<hbm>>
        %dma_wait3A_302 = tpu.memref_squeeze %dma_wait3A_301 : memref<1x5x25x80xi32, #tpu.memory_space<hbm>> -> memref<5x25x80xi32, #tpu.memory_space<hbm>>
        %dma_wait3A_303 = arith.constant 0 : i32
        %dma_wait3A_304 = arith.constant 0 : i32
        %dma_wait3A_305 = tpu.memref_slice %dma_wait3A_302[%add3A_286, %dma_wait3A_303, %dma_wait3A_304] : memref<5x25x80xi32, #tpu.memory_space<hbm>> -> memref<1x25x80xi32, #tpu.memory_space<hbm>>
        %dma_wait3A_306 = tpu.memref_squeeze %dma_wait3A_305 : memref<1x25x80xi32, #tpu.memory_space<hbm>> -> memref<25x80xi32, #tpu.memory_space<hbm>>
        %dma_wait3A_307 = arith.constant 0 : i32
        %dma_wait3A_308 = arith.constant 0 : i32
        %dma_wait3A_309 = tpu.memref_slice %arg6[%rem3A_245, %dma_wait3A_307, %dma_wait3A_308] : memref<2x25x80xi32, #tpu.memory_space<vmem>> -> memref<1x25x80xi32, #tpu.memory_space<vmem>>
        %dma_wait3A_310 = tpu.memref_squeeze %dma_wait3A_309 : memref<1x25x80xi32, #tpu.memory_space<vmem>> -> memref<25x80xi32, #tpu.memory_space<vmem>>
        %dma_wait3A_311 = arith.constant 0 : i32
        %dma_wait3A_312 = arith.constant 0 : i32
        %dma_wait3A_313 = arith.constant 0 : i32
        %dma_wait3A_314 = arith.constant 0 : i32
        %dma_wait3A_315 = tpu.memref_slice %arg3[%dma_wait3A_287, %dma_wait3A_311, %dma_wait3A_312, %dma_wait3A_313, %dma_wait3A_314] : memref<2x32x5x25x80xi32, #tpu.memory_space<hbm>> -> memref<1x32x5x25x80xi32, #tpu.memory_space<hbm>>
        %dma_wait3A_316 = tpu.memref_squeeze %dma_wait3A_315 : memref<1x32x5x25x80xi32, #tpu.memory_space<hbm>> -> memref<32x5x25x80xi32, #tpu.memory_space<hbm>>
        %dma_wait3A_317 = arith.constant 0 : i32
        %dma_wait3A_318 = arith.constant 0 : i32
        %dma_wait3A_319 = arith.constant 0 : i32
        %dma_wait3A_320 = tpu.memref_slice %dma_wait3A_316[%add3A, %dma_wait3A_317, %dma_wait3A_318, %dma_wait3A_319] : memref<32x5x25x80xi32, #tpu.memory_space<hbm>> -> memref<1x5x25x80xi32, #tpu.memory_space<hbm>>
        %dma_wait3A_321 = tpu.memref_squeeze %dma_wait3A_320 : memref<1x5x25x80xi32, #tpu.memory_space<hbm>> -> memref<5x25x80xi32, #tpu.memory_space<hbm>>
        %dma_wait3A_322 = arith.constant 0 : i32
        %dma_wait3A_323 = arith.constant 0 : i32
        %dma_wait3A_324 = tpu.memref_slice %dma_wait3A_321[%add3A_286, %dma_wait3A_322, %dma_wait3A_323] : memref<5x25x80xi32, #tpu.memory_space<hbm>> -> memref<1x25x80xi32, #tpu.memory_space<hbm>>
        %dma_wait3A_325 = tpu.memref_squeeze %dma_wait3A_324 : memref<1x25x80xi32, #tpu.memory_space<hbm>> -> memref<25x80xi32, #tpu.memory_space<hbm>>
        tpu.wait_dma2 semaphore(%arg13 : memref<!tpu.dma_semaphore, #tpu.memory_space<semaphore_mem>>) src(%dma_wait3A_325 : memref<25x80xi32, #tpu.memory_space<hbm>>) dst(%dma_wait3A_310 : memref<25x80xi32, #tpu.memory_space<vmem>>)
        %dma_wait3A_326 = arith.constant 0 : i32
        %dma_wait3A_327 = arith.constant 0 : i32
        %dma_wait3A_328 = tpu.memref_slice %arg7[%rem3A_245, %dma_wait3A_326, %dma_wait3A_327] : memref<2x25x80xi32, #tpu.memory_space<vmem>> -> memref<1x25x80xi32, #tpu.memory_space<vmem>>
        %dma_wait3A_329 = tpu.memref_squeeze %dma_wait3A_328 : memref<1x25x80xi32, #tpu.memory_space<vmem>> -> memref<25x80xi32, #tpu.memory_space<vmem>>
        %dma_wait3A_330 = arith.constant 0 : i32
        %dma_wait3A_331 = arith.constant 0 : i32
        %dma_wait3A_332 = arith.constant 0 : i32
        %dma_wait3A_333 = tpu.memref_slice %arg4[%add3A, %dma_wait3A_330, %dma_wait3A_331, %dma_wait3A_332] : memref<32x5x25x80xi32, #tpu.memory_space<hbm>> -> memref<1x5x25x80xi32, #tpu.memory_space<hbm>>
        %dma_wait3A_334 = tpu.memref_squeeze %dma_wait3A_333 : memref<1x5x25x80xi32, #tpu.memory_space<hbm>> -> memref<5x25x80xi32, #tpu.memory_space<hbm>>
        %dma_wait3A_335 = arith.constant 0 : i32
        %dma_wait3A_336 = arith.constant 0 : i32
        %dma_wait3A_337 = tpu.memref_slice %dma_wait3A_334[%add3A_286, %dma_wait3A_335, %dma_wait3A_336] : memref<5x25x80xi32, #tpu.memory_space<hbm>> -> memref<1x25x80xi32, #tpu.memory_space<hbm>>
        %dma_wait3A_338 = tpu.memref_squeeze %dma_wait3A_337 : memref<1x25x80xi32, #tpu.memory_space<hbm>> -> memref<25x80xi32, #tpu.memory_space<hbm>>
        %dma_wait3A_339 = arith.constant 0 : i32
        %dma_wait3A_340 = arith.constant 0 : i32
        %dma_wait3A_341 = tpu.memref_slice %arg7[%rem3A_245, %dma_wait3A_339, %dma_wait3A_340] : memref<2x25x80xi32, #tpu.memory_space<vmem>> -> memref<1x25x80xi32, #tpu.memory_space<vmem>>
        %dma_wait3A_342 = tpu.memref_squeeze %dma_wait3A_341 : memref<1x25x80xi32, #tpu.memory_space<vmem>> -> memref<25x80xi32, #tpu.memory_space<vmem>>
        %dma_wait3A_343 = arith.constant 0 : i32
        %dma_wait3A_344 = arith.constant 0 : i32
        %dma_wait3A_345 = arith.constant 0 : i32
        %dma_wait3A_346 = tpu.memref_slice %arg4[%add3A, %dma_wait3A_343, %dma_wait3A_344, %dma_wait3A_345] : memref<32x5x25x80xi32, #tpu.memory_space<hbm>> -> memref<1x5x25x80xi32, #tpu.memory_space<hbm>>
        %dma_wait3A_347 = tpu.memref_squeeze %dma_wait3A_346 : memref<1x5x25x80xi32, #tpu.memory_space<hbm>> -> memref<5x25x80xi32, #tpu.memory_space<hbm>>
        %dma_wait3A_348 = arith.constant 0 : i32
        %dma_wait3A_349 = arith.constant 0 : i32
        %dma_wait3A_350 = tpu.memref_slice %dma_wait3A_347[%add3A_286, %dma_wait3A_348, %dma_wait3A_349] : memref<5x25x80xi32, #tpu.memory_space<hbm>> -> memref<1x25x80xi32, #tpu.memory_space<hbm>>
        %dma_wait3A_351 = tpu.memref_squeeze %dma_wait3A_350 : memref<1x25x80xi32, #tpu.memory_space<hbm>> -> memref<25x80xi32, #tpu.memory_space<hbm>>
        tpu.wait_dma2 semaphore(%arg13 : memref<!tpu.dma_semaphore, #tpu.memory_space<semaphore_mem>>) src(%dma_wait3A_351 : memref<25x80xi32, #tpu.memory_space<hbm>>) dst(%dma_wait3A_342 : memref<25x80xi32, #tpu.memory_space<vmem>>)
        %dma_wait3A_352 = arith.constant 1 : i32
        %dma_wait3A_353 = arith.constant 0 : i32
        %dma_wait3A_354 = arith.constant 0 : i32
        %dma_wait3A_355 = tpu.memref_slice %arg8[%rem3A_245, %dma_wait3A_353, %dma_wait3A_354] : memref<2x25x80xi32, #tpu.memory_space<vmem>> -> memref<1x25x80xi32, #tpu.memory_space<vmem>>
        %dma_wait3A_356 = tpu.memref_squeeze %dma_wait3A_355 : memref<1x25x80xi32, #tpu.memory_space<vmem>> -> memref<25x80xi32, #tpu.memory_space<vmem>>
        %dma_wait3A_357 = arith.constant 0 : i32
        %dma_wait3A_358 = arith.constant 0 : i32
        %dma_wait3A_359 = arith.constant 0 : i32
        %dma_wait3A_360 = arith.constant 0 : i32
        %dma_wait3A_361 = tpu.memref_slice %arg3[%dma_wait3A_352, %dma_wait3A_357, %dma_wait3A_358, %dma_wait3A_359, %dma_wait3A_360] : memref<2x32x5x25x80xi32, #tpu.memory_space<hbm>> -> memref<1x32x5x25x80xi32, #tpu.memory_space<hbm>>
        %dma_wait3A_362 = tpu.memref_squeeze %dma_wait3A_361 : memref<1x32x5x25x80xi32, #tpu.memory_space<hbm>> -> memref<32x5x25x80xi32, #tpu.memory_space<hbm>>
        %dma_wait3A_363 = arith.constant 0 : i32
        %dma_wait3A_364 = arith.constant 0 : i32
        %dma_wait3A_365 = arith.constant 0 : i32
        %dma_wait3A_366 = tpu.memref_slice %dma_wait3A_362[%add3A, %dma_wait3A_363, %dma_wait3A_364, %dma_wait3A_365] : memref<32x5x25x80xi32, #tpu.memory_space<hbm>> -> memref<1x5x25x80xi32, #tpu.memory_space<hbm>>
        %dma_wait3A_367 = tpu.memref_squeeze %dma_wait3A_366 : memref<1x5x25x80xi32, #tpu.memory_space<hbm>> -> memref<5x25x80xi32, #tpu.memory_space<hbm>>
        %dma_wait3A_368 = arith.constant 0 : i32
        %dma_wait3A_369 = arith.constant 0 : i32
        %dma_wait3A_370 = tpu.memref_slice %dma_wait3A_367[%add3A_286, %dma_wait3A_368, %dma_wait3A_369] : memref<5x25x80xi32, #tpu.memory_space<hbm>> -> memref<1x25x80xi32, #tpu.memory_space<hbm>>
        %dma_wait3A_371 = tpu.memref_squeeze %dma_wait3A_370 : memref<1x25x80xi32, #tpu.memory_space<hbm>> -> memref<25x80xi32, #tpu.memory_space<hbm>>
        %dma_wait3A_372 = arith.constant 0 : i32
        %dma_wait3A_373 = arith.constant 0 : i32
        %dma_wait3A_374 = tpu.memref_slice %arg8[%rem3A_245, %dma_wait3A_372, %dma_wait3A_373] : memref<2x25x80xi32, #tpu.memory_space<vmem>> -> memref<1x25x80xi32, #tpu.memory_space<vmem>>
        %dma_wait3A_375 = tpu.memref_squeeze %dma_wait3A_374 : memref<1x25x80xi32, #tpu.memory_space<vmem>> -> memref<25x80xi32, #tpu.memory_space<vmem>>
        %dma_wait3A_376 = arith.constant 0 : i32
        %dma_wait3A_377 = arith.constant 0 : i32
        %dma_wait3A_378 = arith.constant 0 : i32
        %dma_wait3A_379 = arith.constant 0 : i32
        %dma_wait3A_380 = tpu.memref_slice %arg3[%dma_wait3A_352, %dma_wait3A_376, %dma_wait3A_377, %dma_wait3A_378, %dma_wait3A_379] : memref<2x32x5x25x80xi32, #tpu.memory_space<hbm>> -> memref<1x32x5x25x80xi32, #tpu.memory_space<hbm>>
        %dma_wait3A_381 = tpu.memref_squeeze %dma_wait3A_380 : memref<1x32x5x25x80xi32, #tpu.memory_space<hbm>> -> memref<32x5x25x80xi32, #tpu.memory_space<hbm>>
        %dma_wait3A_382 = arith.constant 0 : i32
        %dma_wait3A_383 = arith.constant 0 : i32
        %dma_wait3A_384 = arith.constant 0 : i32
        %dma_wait3A_385 = tpu.memref_slice %dma_wait3A_381[%add3A, %dma_wait3A_382, %dma_wait3A_383, %dma_wait3A_384] : memref<32x5x25x80xi32, #tpu.memory_space<hbm>> -> memref<1x5x25x80xi32, #tpu.memory_space<hbm>>
        %dma_wait3A_386 = tpu.memref_squeeze %dma_wait3A_385 : memref<1x5x25x80xi32, #tpu.memory_space<hbm>> -> memref<5x25x80xi32, #tpu.memory_space<hbm>>
        %dma_wait3A_387 = arith.constant 0 : i32
        %dma_wait3A_388 = arith.constant 0 : i32
        %dma_wait3A_389 = tpu.memref_slice %dma_wait3A_386[%add3A_286, %dma_wait3A_387, %dma_wait3A_388] : memref<5x25x80xi32, #tpu.memory_space<hbm>> -> memref<1x25x80xi32, #tpu.memory_space<hbm>>
        %dma_wait3A_390 = tpu.memref_squeeze %dma_wait3A_389 : memref<1x25x80xi32, #tpu.memory_space<hbm>> -> memref<25x80xi32, #tpu.memory_space<hbm>>
        tpu.wait_dma2 semaphore(%arg13 : memref<!tpu.dma_semaphore, #tpu.memory_space<semaphore_mem>>) src(%dma_wait3A_390 : memref<25x80xi32, #tpu.memory_space<hbm>>) dst(%dma_wait3A_375 : memref<25x80xi32, #tpu.memory_space<vmem>>)
        %scan3A_391 = arith.constant 0 : i32
        %scan3A_392 = arith.constant 0 : i32
        %scan3A_393 = arith.constant 25 : i32
        %scan3A_394 = arith.addi %scan3A_392, %scan3A_393 : i32
        %scan3A_395 = arith.constant 1 : i32
        scf.for %scan3A_397 = %scan3A_392 to %scan3A_394 step %scan3A_395  : i32 {
          %get3A = arith.index_cast %rem3A_245 : i32 to index
          %get3A_398 = arith.index_cast %scan3A_397 : i32 to index
          %get3A_399 = arith.constant 0 : index
          %get3A_400 = tpu.vector_load %arg6[%get3A, %get3A_398, %get3A_399] {strides = array<i32>} : memref<2x25x80xi32, #tpu.memory_space<vmem>>, vector<1x1x16xi32>,
          %get3A_401 = vector.shape_cast %get3A_400 : vector<1x1x16xi32> to vector<16xi32>
          %get3A_402 = arith.index_cast %rem3A_245 : i32 to index
          %get3A_403 = arith.index_cast %scan3A_397 : i32 to index
          %get3A_404 = arith.constant 0 : index
          %get3A_405 = tpu.vector_load %arg7[%get3A_402, %get3A_403, %get3A_404] {strides = array<i32>} : memref<2x25x80xi32, #tpu.memory_space<vmem>>, vector<1x1x16xi32>,
          %get3A_406 = vector.shape_cast %get3A_405 : vector<1x1x16xi32> to vector<16xi32>
          %mul3A_407 = arith.constant 10000 : i32
          %mul3A_408 = vector.broadcast %mul3A_407 : i32 to vector<16xi32>
          %mul3A_409 = arith.muli %get3A_406, %mul3A_408 : vector<16xi32>
          %add3A_410 = arith.addi %get3A_401, %mul3A_409 : vector<16xi32>
          %swap3A = arith.index_cast %rem3A_245 : i32 to index
          %swap3A_411 = arith.index_cast %scan3A_397 : i32 to index
          %swap3A_412 = arith.constant 0 : index
          %swap3A_413 = tpu.vector_load %arg6[%swap3A, %swap3A_411, %swap3A_412] {strides = array<i32>} : memref<2x25x80xi32, #tpu.memory_space<vmem>>, vector<1x1x16xi32>,
          %swap3A_414 = vector.shape_cast %swap3A_413 : vector<1x1x16xi32> to vector<16xi32>
          %swap3A_415 = vector.shape_cast %add3A_410 : vector<16xi32> to vector<1x1x16xi32>
          tpu.vector_store %arg6[%swap3A, %swap3A_411, %swap3A_412], %swap3A_415 {strides = array<i32>} : memref<2x25x80xi32, #tpu.memory_space<vmem>>, vector<1x1x16xi32>,
          %get3A_416 = arith.index_cast %rem3A_245 : i32 to index
          %get3A_417 = arith.index_cast %scan3A_397 : i32 to index
          %get3A_418 = arith.constant 16 : index
          %get3A_419 = tpu.vector_load %arg6[%get3A_416, %get3A_417, %get3A_418] {strides = array<i32>} : memref<2x25x80xi32, #tpu.memory_space<vmem>>, vector<1x1x16xi32>,
          %get3A_420 = vector.shape_cast %get3A_419 : vector<1x1x16xi32> to vector<16xi32>
          %get3A_421 = arith.index_cast %rem3A_245 : i32 to index
          %get3A_422 = arith.index_cast %scan3A_397 : i32 to index
          %get3A_423 = arith.constant 16 : index
          %get3A_424 = tpu.vector_load %arg7[%get3A_421, %get3A_422, %get3A_423] {strides = array<i32>} : memref<2x25x80xi32, #tpu.memory_space<vmem>>, vector<1x1x16xi32>,
          %get3A_425 = vector.shape_cast %get3A_424 : vector<1x1x16xi32> to vector<16xi32>
          %mul3A_426 = arith.constant 10000 : i32
          %mul3A_427 = vector.broadcast %mul3A_426 : i32 to vector<16xi32>
          %mul3A_428 = arith.muli %get3A_425, %mul3A_427 : vector<16xi32>
          %add3A_429 = arith.addi %get3A_420, %mul3A_428 : vector<16xi32>
          %swap3A_430 = arith.index_cast %rem3A_245 : i32 to index
          %swap3A_431 = arith.index_cast %scan3A_397 : i32 to index
          %swap3A_432 = arith.constant 16 : index
          %swap3A_433 = tpu.vector_load %arg6[%swap3A_430, %swap3A_431, %swap3A_432] {strides = array<i32>} : memref<2x25x80xi32, #tpu.memory_space<vmem>>, vector<1x1x16xi32>,
          %swap3A_434 = vector.shape_cast %swap3A_433 : vector<1x1x16xi32> to vector<16xi32>
          %swap3A_435 = vector.shape_cast %add3A_429 : vector<16xi32> to vector<1x1x16xi32>
          tpu.vector_store %arg6[%swap3A_430, %swap3A_431, %swap3A_432], %swap3A_435 {strides = array<i32>} : memref<2x25x80xi32, #tpu.memory_space<vmem>>, vector<1x1x16xi32>,
          %get3A_436 = arith.index_cast %rem3A_245 : i32 to index
          %get3A_437 = arith.index_cast %scan3A_397 : i32 to index
          %get3A_438 = arith.constant 32 : index
          %get3A_439 = tpu.vector_load %arg6[%get3A_436, %get3A_437, %get3A_438] {strides = array<i32>} : memref<2x25x80xi32, #tpu.memory_space<vmem>>, vector<1x1x16xi32>,
          %get3A_440 = vector.shape_cast %get3A_439 : vector<1x1x16xi32> to vector<16xi32>
          %get3A_441 = arith.index_cast %rem3A_245 : i32 to index
          %get3A_442 = arith.index_cast %scan3A_397 : i32 to index
          %get3A_443 = arith.constant 32 : index
          %get3A_444 = tpu.vector_load %arg7[%get3A_441, %get3A_442, %get3A_443] {strides = array<i32>} : memref<2x25x80xi32, #tpu.memory_space<vmem>>, vector<1x1x16xi32>,
          %get3A_445 = vector.shape_cast %get3A_444 : vector<1x1x16xi32> to vector<16xi32>
          %mul3A_446 = arith.constant 10000 : i32
          %mul3A_447 = vector.broadcast %mul3A_446 : i32 to vector<16xi32>
          %mul3A_448 = arith.muli %get3A_445, %mul3A_447 : vector<16xi32>
          %add3A_449 = arith.addi %get3A_440, %mul3A_448 : vector<16xi32>
          %swap3A_450 = arith.index_cast %rem3A_245 : i32 to index
          %swap3A_451 = arith.index_cast %scan3A_397 : i32 to index
          %swap3A_452 = arith.constant 32 : index
          %swap3A_453 = tpu.vector_load %arg6[%swap3A_450, %swap3A_451, %swap3A_452] {strides = array<i32>} : memref<2x25x80xi32, #tpu.memory_space<vmem>>, vector<1x1x16xi32>,
          %swap3A_454 = vector.shape_cast %swap3A_453 : vector<1x1x16xi32> to vector<16xi32>
          %swap3A_455 = vector.shape_cast %add3A_449 : vector<16xi32> to vector<1x1x16xi32>
          tpu.vector_store %arg6[%swap3A_450, %swap3A_451, %swap3A_452], %swap3A_455 {strides = array<i32>} : memref<2x25x80xi32, #tpu.memory_space<vmem>>, vector<1x1x16xi32>,
          %get3A_456 = arith.index_cast %rem3A_245 : i32 to index
          %get3A_457 = arith.index_cast %scan3A_397 : i32 to index
          %get3A_458 = arith.constant 48 : index
          %get3A_459 = tpu.vector_load %arg6[%get3A_456, %get3A_457, %get3A_458] {strides = array<i32>} : memref<2x25x80xi32, #tpu.memory_space<vmem>>, vector<1x1x16xi32>,
          %get3A_460 = vector.shape_cast %get3A_459 : vector<1x1x16xi32> to vector<16xi32>
          %get3A_461 = arith.index_cast %rem3A_245 : i32 to index
          %get3A_462 = arith.index_cast %scan3A_397 : i32 to index
          %get3A_463 = arith.constant 48 : index
          %get3A_464 = tpu.vector_load %arg7[%get3A_461, %get3A_462, %get3A_463] {strides = array<i32>} : memref<2x25x80xi32, #tpu.memory_space<vmem>>, vector<1x1x16xi32>,
          %get3A_465 = vector.shape_cast %get3A_464 : vector<1x1x16xi32> to vector<16xi32>
          %mul3A_466 = arith.constant 10000 : i32
          %mul3A_467 = vector.broadcast %mul3A_466 : i32 to vector<16xi32>
          %mul3A_468 = arith.muli %get3A_465, %mul3A_467 : vector<16xi32>
          %add3A_469 = arith.addi %get3A_460, %mul3A_468 : vector<16xi32>
          %swap3A_470 = arith.index_cast %rem3A_245 : i32 to index
          %swap3A_471 = arith.index_cast %scan3A_397 : i32 to index
          %swap3A_472 = arith.constant 48 : index
          %swap3A_473 = tpu.vector_load %arg6[%swap3A_470, %swap3A_471, %swap3A_472] {strides = array<i32>} : memref<2x25x80xi32, #tpu.memory_space<vmem>>, vector<1x1x16xi32>,
          %swap3A_474 = vector.shape_cast %swap3A_473 : vector<1x1x16xi32> to vector<16xi32>
          %swap3A_475 = vector.shape_cast %add3A_469 : vector<16xi32> to vector<1x1x16xi32>
          tpu.vector_store %arg6[%swap3A_470, %swap3A_471, %swap3A_472], %swap3A_475 {strides = array<i32>} : memref<2x25x80xi32, #tpu.memory_space<vmem>>, vector<1x1x16xi32>,
          %get3A_476 = arith.index_cast %rem3A_245 : i32 to index
          %get3A_477 = arith.index_cast %scan3A_397 : i32 to index
          %get3A_478 = arith.constant 64 : index
          %get3A_479 = tpu.vector_load %arg6[%get3A_476, %get3A_477, %get3A_478] {strides = array<i32>} : memref<2x25x80xi32, #tpu.memory_space<vmem>>, vector<1x1x16xi32>,
          %get3A_480 = vector.shape_cast %get3A_479 : vector<1x1x16xi32> to vector<16xi32>
          %get3A_481 = arith.index_cast %rem3A_245 : i32 to index
          %get3A_482 = arith.index_cast %scan3A_397 : i32 to index
          %get3A_483 = arith.constant 64 : index
          %get3A_484 = tpu.vector_load %arg7[%get3A_481, %get3A_482, %get3A_483] {strides = array<i32>} : memref<2x25x80xi32, #tpu.memory_space<vmem>>, vector<1x1x16xi32>,
          %get3A_485 = vector.shape_cast %get3A_484 : vector<1x1x16xi32> to vector<16xi32>
          %mul3A_486 = arith.constant 10000 : i32
          %mul3A_487 = vector.broadcast %mul3A_486 : i32 to vector<16xi32>
          %mul3A_488 = arith.muli %get3A_485, %mul3A_487 : vector<16xi32>
          %add3A_489 = arith.addi %get3A_480, %mul3A_488 : vector<16xi32>
          %swap3A_490 = arith.index_cast %rem3A_245 : i32 to index
          %swap3A_491 = arith.index_cast %scan3A_397 : i32 to index
          %swap3A_492 = arith.constant 64 : index
          %swap3A_493 = tpu.vector_load %arg6[%swap3A_490, %swap3A_491, %swap3A_492] {strides = array<i32>} : memref<2x25x80xi32, #tpu.memory_space<vmem>>, vector<1x1x16xi32>,
          %swap3A_494 = vector.shape_cast %swap3A_493 : vector<1x1x16xi32> to vector<16xi32>
          %swap3A_495 = vector.shape_cast %add3A_489 : vector<16xi32> to vector<1x1x16xi32>
          tpu.vector_store %arg6[%swap3A_490, %swap3A_491, %swap3A_492], %swap3A_495 {strides = array<i32>} : memref<2x25x80xi32, #tpu.memory_space<vmem>>, vector<1x1x16xi32>,
        }
        %scan3A_396 = arith.constant 25 : i32
      } else {
      }
    }
    %scan3A_233 = arith.constant 5 : i32
    %barrier3A_234 = arith.constant 0 : index
    tpu.barrier barrier_id(%barrier3A_234)
    %lt3A_235 = arith.constant 10 : i32
    %lt3A_236 = arith.cmpi slt, %arg1, %lt3A_235 : i32
    %convert_element_type3A_237 = arith.extui %lt3A_236 : i1 to i32
    %cond3A_238 = arith.constant 0 : i32
    %cond3A_239 = arith.cmpi ne, %convert_element_type3A_237, %cond3A_238 : i32
    scf.if %cond3A_239 {
      "tpu.region"() ({
        %run_scoped3A = tpu.sem_alloc : memref<!tpu.dma_semaphore, #tpu.memory_space<semaphore_mem>>
        %dma_start3A_240 = arith.constant 0 : i32
        %dma_start3A_241 = arith.constant 0 : i32
        %dma_start3A_242 = tpu.memref_slice %arg5[%arg0, %dma_start3A_240, %dma_start3A_241] : memref<2x10000x128xf32, #tpu.memory_space<hbm>> -> memref<1x10000x128xf32, #tpu.memory_space<hbm>>
        %dma_start3A_243 = tpu.memref_squeeze %dma_start3A_242 : memref<1x10000x128xf32, #tpu.memory_space<hbm>> -> memref<10000x128xf32, #tpu.memory_space<hbm>>
        %dma_start3A_244 = arith.constant 0 : i32
        %dma_start3A_245 = tpu.memref_slice %dma_start3A_243[%mul3A_2, %dma_start3A_244] : memref<10000x128xf32, #tpu.memory_space<hbm>> -> memref<1000x128xf32, #tpu.memory_space<hbm>>
        %dma_start3A_246 = arith.constant 0 : i32
        %dma_start3A_247 = tpu.memref_slice %arg11[%mul3A_2, %dma_start3A_246] : memref<10000x128xf32, #tpu.memory_space<vmem_shared>> -> memref<1000x128xf32, #tpu.memory_space<vmem_shared>>
        tpu.enqueue_dma source(%dma_start3A_247 : memref<1000x128xf32, #tpu.memory_space<vmem_shared>>) target(%dma_start3A_245 : memref<1000x128xf32, #tpu.memory_space<hbm>>) target_semaphore(%run_scoped3A : memref<!tpu.dma_semaphore, #tpu.memory_space<semaphore_mem>>)
        %dma_wait3A_248 = arith.constant 0 : i32
        %dma_wait3A_249 = arith.constant 0 : i32
        %dma_wait3A_250 = tpu.memref_slice %arg5[%arg0, %dma_wait3A_248, %dma_wait3A_249] : memref<2x10000x128xf32, #tpu.memory_space<hbm>> -> memref<1x10000x128xf32, #tpu.memory_space<hbm>>
        %dma_wait3A_251 = tpu.memref_squeeze %dma_wait3A_250 : memref<1x10000x128xf32, #tpu.memory_space<hbm>> -> memref<10000x128xf32, #tpu.memory_space<hbm>>
        %dma_wait3A_252 = arith.constant 0 : i32
        %dma_wait3A_253 = tpu.memref_slice %dma_wait3A_251[%mul3A_2, %dma_wait3A_252] : memref<10000x128xf32, #tpu.memory_space<hbm>> -> memref<1000x128xf32, #tpu.memory_space<hbm>>
        %dma_wait3A_254 = arith.constant 0 : i32
        %dma_wait3A_255 = tpu.memref_slice %arg11[%mul3A_2, %dma_wait3A_254] : memref<10000x128xf32, #tpu.memory_space<vmem_shared>> -> memref<1000x128xf32, #tpu.memory_space<vmem_shared>>
        tpu.wait_dma2 semaphore(%run_scoped3A : memref<!tpu.dma_semaphore, #tpu.memory_space<semaphore_mem>>) src(%dma_wait3A_255 : memref<1000x128xf32, #tpu.memory_space<vmem_shared>>) dst(%dma_wait3A_253 : memref<1000x128xf32, #tpu.memory_space<hbm>>)
        tpu.yield
      }) : () -> ()
    } else {
    }
    return
  }
}

module attributes {stable_mosaic.version = 14 : i64} {
  func.func @_zr_body(%arg0: i32, %arg1: memref<16x4xf32, #tpu.memory_space<smem>>, %arg2: memref<4x128x128xf32, #tpu.memory_space<vmem>>, %arg3: memref<1000x128xf32, #tpu.memory_space<vmem>>, %arg4: memref<128x128xf32, #tpu.memory_space<vmem>>, %arg5: memref<1x128xf32, #tpu.memory_space<vmem>>, %arg6: memref<16x1000x128xf32, #tpu.memory_space<vmem>>, %arg7: memref<1000x128xf32, #tpu.memory_space<vmem>>, %arg8: memref<128x2048xf32, #tpu.memory_space<vmem>>) attributes {dimension_semantics = [#tpu.dimension_semantics<arbitrary>], iteration_bounds = array<i64: 10>, scalar_prefetch = 0 : i64, scratch_operands = 1 : i64, tpu.core_type = #tpu.core_type<tc>, window_params = [{transform_indices = @transform_0, window_bounds = array<i64: 16, 4>}, {pipeline_mode = #tpu.pipeline_mode<synchronous>, transform_indices = @transform_1, window_bounds = array<i64: 4, 128, 128>}, {transform_indices = @transform_2, window_bounds = array<i64: 1000, 128>}, {pipeline_mode = #tpu.pipeline_mode<synchronous>, transform_indices = @transform_3, window_bounds = array<i64: 128, 128>}, {pipeline_mode = #tpu.pipeline_mode<synchronous>, transform_indices = @transform_4, window_bounds = array<i64: 1, 128>}, {transform_indices = @transform_5, window_bounds = array<i64: 16, 1000, 128>}, {transform_indices = @transform_6, window_bounds = array<i64: 1000, 128>}]} {
    %eq3A = arith.constant 0 : i32
    %eq3A_0 = arith.cmpi eq, %arg0, %eq3A : i32
    %convert_element_type3A = arith.extui %eq3A_0 : i1 to i32
    %cond3A = arith.constant 0 : i32
    %cond3A_1 = arith.cmpi ne, %convert_element_type3A, %cond3A : i32
    scf.if %cond3A_1 {
      %get3A_133 = arith.constant 0 : index
      %get3A_134 = arith.constant 0 : index
      %get3A_135 = memref.load %arg1[%get3A_133, %get3A_134] : memref<16x4xf32, #tpu.memory_space<smem>>
      %get3A_136 = arith.constant 0 : index
      %get3A_137 = arith.constant 0 : index
      %get3A_138 = arith.constant 0 : index
      %get3A_139 = vector.load %arg2[%get3A_136, %get3A_137, %get3A_138] : memref<4x128x128xf32, #tpu.memory_space<vmem>>, vector<1x128x128xf32>
      %get3A_140 = vector.shape_cast %get3A_139 : vector<1x128x128xf32> to vector<128x128xf32>
      %mul3A = vector.broadcast %get3A_135 : f32 to vector<128x128xf32>
      %mul3A_141 = arith.mulf %mul3A, %get3A_140 : vector<128x128xf32>
      %get3A_142 = arith.constant 0 : index
      %get3A_143 = arith.constant 1 : index
      %get3A_144 = memref.load %arg1[%get3A_142, %get3A_143] : memref<16x4xf32, #tpu.memory_space<smem>>
      %get3A_145 = arith.constant 1 : index
      %get3A_146 = arith.constant 0 : index
      %get3A_147 = arith.constant 0 : index
      %get3A_148 = vector.load %arg2[%get3A_145, %get3A_146, %get3A_147] : memref<4x128x128xf32, #tpu.memory_space<vmem>>, vector<1x128x128xf32>
      %get3A_149 = vector.shape_cast %get3A_148 : vector<1x128x128xf32> to vector<128x128xf32>
      %mul3A_150 = vector.broadcast %get3A_144 : f32 to vector<128x128xf32>
      %mul3A_151 = arith.mulf %mul3A_150, %get3A_149 : vector<128x128xf32>
      %add3A_152 = arith.addf %mul3A_141, %mul3A_151 : vector<128x128xf32>
      %get3A_153 = arith.constant 0 : index
      %get3A_154 = arith.constant 2 : index
      %get3A_155 = memref.load %arg1[%get3A_153, %get3A_154] : memref<16x4xf32, #tpu.memory_space<smem>>
      %get3A_156 = arith.constant 2 : index
      %get3A_157 = arith.constant 0 : index
      %get3A_158 = arith.constant 0 : index
      %get3A_159 = vector.load %arg2[%get3A_156, %get3A_157, %get3A_158] : memref<4x128x128xf32, #tpu.memory_space<vmem>>, vector<1x128x128xf32>
      %get3A_160 = vector.shape_cast %get3A_159 : vector<1x128x128xf32> to vector<128x128xf32>
      %mul3A_161 = vector.broadcast %get3A_155 : f32 to vector<128x128xf32>
      %mul3A_162 = arith.mulf %mul3A_161, %get3A_160 : vector<128x128xf32>
      %add3A_163 = arith.addf %add3A_152, %mul3A_162 : vector<128x128xf32>
      %get3A_164 = arith.constant 0 : index
      %get3A_165 = arith.constant 3 : index
      %get3A_166 = memref.load %arg1[%get3A_164, %get3A_165] : memref<16x4xf32, #tpu.memory_space<smem>>
      %get3A_167 = arith.constant 3 : index
      %get3A_168 = arith.constant 0 : index
      %get3A_169 = arith.constant 0 : index
      %get3A_170 = vector.load %arg2[%get3A_167, %get3A_168, %get3A_169] : memref<4x128x128xf32, #tpu.memory_space<vmem>>, vector<1x128x128xf32>
      %get3A_171 = vector.shape_cast %get3A_170 : vector<1x128x128xf32> to vector<128x128xf32>
      %mul3A_172 = vector.broadcast %get3A_166 : f32 to vector<128x128xf32>
      %mul3A_173 = arith.mulf %mul3A_172, %get3A_171 : vector<128x128xf32>
      %add3A_174 = arith.addf %add3A_163, %mul3A_173 : vector<128x128xf32>
      %swap3A_175 = arith.constant 0 : index
      %swap3A_176 = arith.constant 0 : index
      %swap3A_177 = vector.load %arg8[%swap3A_175, %swap3A_176] : memref<128x2048xf32, #tpu.memory_space<vmem>>, vector<128x128xf32>
      tpu.vector_store %arg8[%swap3A_175, %swap3A_176], %add3A_174 {strides = array<i32>} : memref<128x2048xf32, #tpu.memory_space<vmem>>, vector<128x128xf32>,
      %get3A_178 = arith.constant 1 : index
      %get3A_179 = arith.constant 0 : index
      %get3A_180 = memref.load %arg1[%get3A_178, %get3A_179] : memref<16x4xf32, #tpu.memory_space<smem>>
      %get3A_181 = arith.constant 0 : index
      %get3A_182 = arith.constant 0 : index
      %get3A_183 = arith.constant 0 : index
      %get3A_184 = vector.load %arg2[%get3A_181, %get3A_182, %get3A_183] : memref<4x128x128xf32, #tpu.memory_space<vmem>>, vector<1x128x128xf32>
      %get3A_185 = vector.shape_cast %get3A_184 : vector<1x128x128xf32> to vector<128x128xf32>
      %mul3A_186 = vector.broadcast %get3A_180 : f32 to vector<128x128xf32>
      %mul3A_187 = arith.mulf %mul3A_186, %get3A_185 : vector<128x128xf32>
      %get3A_188 = arith.constant 1 : index
      %get3A_189 = arith.constant 1 : index
      %get3A_190 = memref.load %arg1[%get3A_188, %get3A_189] : memref<16x4xf32, #tpu.memory_space<smem>>
      %get3A_191 = arith.constant 1 : index
      %get3A_192 = arith.constant 0 : index
      %get3A_193 = arith.constant 0 : index
      %get3A_194 = vector.load %arg2[%get3A_191, %get3A_192, %get3A_193] : memref<4x128x128xf32, #tpu.memory_space<vmem>>, vector<1x128x128xf32>
      %get3A_195 = vector.shape_cast %get3A_194 : vector<1x128x128xf32> to vector<128x128xf32>
      %mul3A_196 = vector.broadcast %get3A_190 : f32 to vector<128x128xf32>
      %mul3A_197 = arith.mulf %mul3A_196, %get3A_195 : vector<128x128xf32>
      %add3A_198 = arith.addf %mul3A_187, %mul3A_197 : vector<128x128xf32>
      %get3A_199 = arith.constant 1 : index
      %get3A_200 = arith.constant 2 : index
      %get3A_201 = memref.load %arg1[%get3A_199, %get3A_200] : memref<16x4xf32, #tpu.memory_space<smem>>
      %get3A_202 = arith.constant 2 : index
      %get3A_203 = arith.constant 0 : index
      %get3A_204 = arith.constant 0 : index
      %get3A_205 = vector.load %arg2[%get3A_202, %get3A_203, %get3A_204] : memref<4x128x128xf32, #tpu.memory_space<vmem>>, vector<1x128x128xf32>
      %get3A_206 = vector.shape_cast %get3A_205 : vector<1x128x128xf32> to vector<128x128xf32>
      %mul3A_207 = vector.broadcast %get3A_201 : f32 to vector<128x128xf32>
      %mul3A_208 = arith.mulf %mul3A_207, %get3A_206 : vector<128x128xf32>
      %add3A_209 = arith.addf %add3A_198, %mul3A_208 : vector<128x128xf32>
      %get3A_210 = arith.constant 1 : index
      %get3A_211 = arith.constant 3 : index
      %get3A_212 = memref.load %arg1[%get3A_210, %get3A_211] : memref<16x4xf32, #tpu.memory_space<smem>>
      %get3A_213 = arith.constant 3 : index
      %get3A_214 = arith.constant 0 : index
      %get3A_215 = arith.constant 0 : index
      %get3A_216 = vector.load %arg2[%get3A_213, %get3A_214, %get3A_215] : memref<4x128x128xf32, #tpu.memory_space<vmem>>, vector<1x128x128xf32>
      %get3A_217 = vector.shape_cast %get3A_216 : vector<1x128x128xf32> to vector<128x128xf32>
      %mul3A_218 = vector.broadcast %get3A_212 : f32 to vector<128x128xf32>
      %mul3A_219 = arith.mulf %mul3A_218, %get3A_217 : vector<128x128xf32>
      %add3A_220 = arith.addf %add3A_209, %mul3A_219 : vector<128x128xf32>
      %swap3A_221 = arith.constant 0 : index
      %swap3A_222 = arith.constant 128 : index
      %swap3A_223 = vector.load %arg8[%swap3A_221, %swap3A_222] : memref<128x2048xf32, #tpu.memory_space<vmem>>, vector<128x128xf32>
      tpu.vector_store %arg8[%swap3A_221, %swap3A_222], %add3A_220 {strides = array<i32>} : memref<128x2048xf32, #tpu.memory_space<vmem>>, vector<128x128xf32>,
      %get3A_224 = arith.constant 2 : index
      %get3A_225 = arith.constant 0 : index
      %get3A_226 = memref.load %arg1[%get3A_224, %get3A_225] : memref<16x4xf32, #tpu.memory_space<smem>>
      %get3A_227 = arith.constant 0 : index
      %get3A_228 = arith.constant 0 : index
      %get3A_229 = arith.constant 0 : index
      %get3A_230 = vector.load %arg2[%get3A_227, %get3A_228, %get3A_229] : memref<4x128x128xf32, #tpu.memory_space<vmem>>, vector<1x128x128xf32>
      %get3A_231 = vector.shape_cast %get3A_230 : vector<1x128x128xf32> to vector<128x128xf32>
      %mul3A_232 = vector.broadcast %get3A_226 : f32 to vector<128x128xf32>
      %mul3A_233 = arith.mulf %mul3A_232, %get3A_231 : vector<128x128xf32>
      %get3A_234 = arith.constant 2 : index
      %get3A_235 = arith.constant 1 : index
      %get3A_236 = memref.load %arg1[%get3A_234, %get3A_235] : memref<16x4xf32, #tpu.memory_space<smem>>
      %get3A_237 = arith.constant 1 : index
      %get3A_238 = arith.constant 0 : index
      %get3A_239 = arith.constant 0 : index
      %get3A_240 = vector.load %arg2[%get3A_237, %get3A_238, %get3A_239] : memref<4x128x128xf32, #tpu.memory_space<vmem>>, vector<1x128x128xf32>
      %get3A_241 = vector.shape_cast %get3A_240 : vector<1x128x128xf32> to vector<128x128xf32>
      %mul3A_242 = vector.broadcast %get3A_236 : f32 to vector<128x128xf32>
      %mul3A_243 = arith.mulf %mul3A_242, %get3A_241 : vector<128x128xf32>
      %add3A_244 = arith.addf %mul3A_233, %mul3A_243 : vector<128x128xf32>
      %get3A_245 = arith.constant 2 : index
      %get3A_246 = arith.constant 2 : index
      %get3A_247 = memref.load %arg1[%get3A_245, %get3A_246] : memref<16x4xf32, #tpu.memory_space<smem>>
      %get3A_248 = arith.constant 2 : index
      %get3A_249 = arith.constant 0 : index
      %get3A_250 = arith.constant 0 : index
      %get3A_251 = vector.load %arg2[%get3A_248, %get3A_249, %get3A_250] : memref<4x128x128xf32, #tpu.memory_space<vmem>>, vector<1x128x128xf32>
      %get3A_252 = vector.shape_cast %get3A_251 : vector<1x128x128xf32> to vector<128x128xf32>
      %mul3A_253 = vector.broadcast %get3A_247 : f32 to vector<128x128xf32>
      %mul3A_254 = arith.mulf %mul3A_253, %get3A_252 : vector<128x128xf32>
      %add3A_255 = arith.addf %add3A_244, %mul3A_254 : vector<128x128xf32>
      %get3A_256 = arith.constant 2 : index
      %get3A_257 = arith.constant 3 : index
      %get3A_258 = memref.load %arg1[%get3A_256, %get3A_257] : memref<16x4xf32, #tpu.memory_space<smem>>
      %get3A_259 = arith.constant 3 : index
      %get3A_260 = arith.constant 0 : index
      %get3A_261 = arith.constant 0 : index
      %get3A_262 = vector.load %arg2[%get3A_259, %get3A_260, %get3A_261] : memref<4x128x128xf32, #tpu.memory_space<vmem>>, vector<1x128x128xf32>
      %get3A_263 = vector.shape_cast %get3A_262 : vector<1x128x128xf32> to vector<128x128xf32>
      %mul3A_264 = vector.broadcast %get3A_258 : f32 to vector<128x128xf32>
      %mul3A_265 = arith.mulf %mul3A_264, %get3A_263 : vector<128x128xf32>
      %add3A_266 = arith.addf %add3A_255, %mul3A_265 : vector<128x128xf32>
      %swap3A_267 = arith.constant 0 : index
      %swap3A_268 = arith.constant 256 : index
      %swap3A_269 = vector.load %arg8[%swap3A_267, %swap3A_268] : memref<128x2048xf32, #tpu.memory_space<vmem>>, vector<128x128xf32>
      tpu.vector_store %arg8[%swap3A_267, %swap3A_268], %add3A_266 {strides = array<i32>} : memref<128x2048xf32, #tpu.memory_space<vmem>>, vector<128x128xf32>,
      %get3A_270 = arith.constant 3 : index
      %get3A_271 = arith.constant 0 : index
      %get3A_272 = memref.load %arg1[%get3A_270, %get3A_271] : memref<16x4xf32, #tpu.memory_space<smem>>
      %get3A_273 = arith.constant 0 : index
      %get3A_274 = arith.constant 0 : index
      %get3A_275 = arith.constant 0 : index
      %get3A_276 = vector.load %arg2[%get3A_273, %get3A_274, %get3A_275] : memref<4x128x128xf32, #tpu.memory_space<vmem>>, vector<1x128x128xf32>
      %get3A_277 = vector.shape_cast %get3A_276 : vector<1x128x128xf32> to vector<128x128xf32>
      %mul3A_278 = vector.broadcast %get3A_272 : f32 to vector<128x128xf32>
      %mul3A_279 = arith.mulf %mul3A_278, %get3A_277 : vector<128x128xf32>
      %get3A_280 = arith.constant 3 : index
      %get3A_281 = arith.constant 1 : index
      %get3A_282 = memref.load %arg1[%get3A_280, %get3A_281] : memref<16x4xf32, #tpu.memory_space<smem>>
      %get3A_283 = arith.constant 1 : index
      %get3A_284 = arith.constant 0 : index
      %get3A_285 = arith.constant 0 : index
      %get3A_286 = vector.load %arg2[%get3A_283, %get3A_284, %get3A_285] : memref<4x128x128xf32, #tpu.memory_space<vmem>>, vector<1x128x128xf32>
      %get3A_287 = vector.shape_cast %get3A_286 : vector<1x128x128xf32> to vector<128x128xf32>
      %mul3A_288 = vector.broadcast %get3A_282 : f32 to vector<128x128xf32>
      %mul3A_289 = arith.mulf %mul3A_288, %get3A_287 : vector<128x128xf32>
      %add3A_290 = arith.addf %mul3A_279, %mul3A_289 : vector<128x128xf32>
      %get3A_291 = arith.constant 3 : index
      %get3A_292 = arith.constant 2 : index
      %get3A_293 = memref.load %arg1[%get3A_291, %get3A_292] : memref<16x4xf32, #tpu.memory_space<smem>>
      %get3A_294 = arith.constant 2 : index
      %get3A_295 = arith.constant 0 : index
      %get3A_296 = arith.constant 0 : index
      %get3A_297 = vector.load %arg2[%get3A_294, %get3A_295, %get3A_296] : memref<4x128x128xf32, #tpu.memory_space<vmem>>, vector<1x128x128xf32>
      %get3A_298 = vector.shape_cast %get3A_297 : vector<1x128x128xf32> to vector<128x128xf32>
      %mul3A_299 = vector.broadcast %get3A_293 : f32 to vector<128x128xf32>
      %mul3A_300 = arith.mulf %mul3A_299, %get3A_298 : vector<128x128xf32>
      %add3A_301 = arith.addf %add3A_290, %mul3A_300 : vector<128x128xf32>
      %get3A_302 = arith.constant 3 : index
      %get3A_303 = arith.constant 3 : index
      %get3A_304 = memref.load %arg1[%get3A_302, %get3A_303] : memref<16x4xf32, #tpu.memory_space<smem>>
      %get3A_305 = arith.constant 3 : index
      %get3A_306 = arith.constant 0 : index
      %get3A_307 = arith.constant 0 : index
      %get3A_308 = vector.load %arg2[%get3A_305, %get3A_306, %get3A_307] : memref<4x128x128xf32, #tpu.memory_space<vmem>>, vector<1x128x128xf32>
      %get3A_309 = vector.shape_cast %get3A_308 : vector<1x128x128xf32> to vector<128x128xf32>
      %mul3A_310 = vector.broadcast %get3A_304 : f32 to vector<128x128xf32>
      %mul3A_311 = arith.mulf %mul3A_310, %get3A_309 : vector<128x128xf32>
      %add3A_312 = arith.addf %add3A_301, %mul3A_311 : vector<128x128xf32>
      %swap3A_313 = arith.constant 0 : index
      %swap3A_314 = arith.constant 384 : index
      %swap3A_315 = vector.load %arg8[%swap3A_313, %swap3A_314] : memref<128x2048xf32, #tpu.memory_space<vmem>>, vector<128x128xf32>
      tpu.vector_store %arg8[%swap3A_313, %swap3A_314], %add3A_312 {strides = array<i32>} : memref<128x2048xf32, #tpu.memory_space<vmem>>, vector<128x128xf32>,
      %get3A_316 = arith.constant 4 : index
      %get3A_317 = arith.constant 0 : index
      %get3A_318 = memref.load %arg1[%get3A_316, %get3A_317] : memref<16x4xf32, #tpu.memory_space<smem>>
      %get3A_319 = arith.constant 0 : index
      %get3A_320 = arith.constant 0 : index
      %get3A_321 = arith.constant 0 : index
      %get3A_322 = vector.load %arg2[%get3A_319, %get3A_320, %get3A_321] : memref<4x128x128xf32, #tpu.memory_space<vmem>>, vector<1x128x128xf32>
      %get3A_323 = vector.shape_cast %get3A_322 : vector<1x128x128xf32> to vector<128x128xf32>
      %mul3A_324 = vector.broadcast %get3A_318 : f32 to vector<128x128xf32>
      %mul3A_325 = arith.mulf %mul3A_324, %get3A_323 : vector<128x128xf32>
      %get3A_326 = arith.constant 4 : index
      %get3A_327 = arith.constant 1 : index
      %get3A_328 = memref.load %arg1[%get3A_326, %get3A_327] : memref<16x4xf32, #tpu.memory_space<smem>>
      %get3A_329 = arith.constant 1 : index
      %get3A_330 = arith.constant 0 : index
      %get3A_331 = arith.constant 0 : index
      %get3A_332 = vector.load %arg2[%get3A_329, %get3A_330, %get3A_331] : memref<4x128x128xf32, #tpu.memory_space<vmem>>, vector<1x128x128xf32>
      %get3A_333 = vector.shape_cast %get3A_332 : vector<1x128x128xf32> to vector<128x128xf32>
      %mul3A_334 = vector.broadcast %get3A_328 : f32 to vector<128x128xf32>
      %mul3A_335 = arith.mulf %mul3A_334, %get3A_333 : vector<128x128xf32>
      %add3A_336 = arith.addf %mul3A_325, %mul3A_335 : vector<128x128xf32>
      %get3A_337 = arith.constant 4 : index
      %get3A_338 = arith.constant 2 : index
      %get3A_339 = memref.load %arg1[%get3A_337, %get3A_338] : memref<16x4xf32, #tpu.memory_space<smem>>
      %get3A_340 = arith.constant 2 : index
      %get3A_341 = arith.constant 0 : index
      %get3A_342 = arith.constant 0 : index
      %get3A_343 = vector.load %arg2[%get3A_340, %get3A_341, %get3A_342] : memref<4x128x128xf32, #tpu.memory_space<vmem>>, vector<1x128x128xf32>
      %get3A_344 = vector.shape_cast %get3A_343 : vector<1x128x128xf32> to vector<128x128xf32>
      %mul3A_345 = vector.broadcast %get3A_339 : f32 to vector<128x128xf32>
      %mul3A_346 = arith.mulf %mul3A_345, %get3A_344 : vector<128x128xf32>
      %add3A_347 = arith.addf %add3A_336, %mul3A_346 : vector<128x128xf32>
      %get3A_348 = arith.constant 4 : index
      %get3A_349 = arith.constant 3 : index
      %get3A_350 = memref.load %arg1[%get3A_348, %get3A_349] : memref<16x4xf32, #tpu.memory_space<smem>>
      %get3A_351 = arith.constant 3 : index
      %get3A_352 = arith.constant 0 : index
      %get3A_353 = arith.constant 0 : index
      %get3A_354 = vector.load %arg2[%get3A_351, %get3A_352, %get3A_353] : memref<4x128x128xf32, #tpu.memory_space<vmem>>, vector<1x128x128xf32>
      %get3A_355 = vector.shape_cast %get3A_354 : vector<1x128x128xf32> to vector<128x128xf32>
      %mul3A_356 = vector.broadcast %get3A_350 : f32 to vector<128x128xf32>
      %mul3A_357 = arith.mulf %mul3A_356, %get3A_355 : vector<128x128xf32>
      %add3A_358 = arith.addf %add3A_347, %mul3A_357 : vector<128x128xf32>
      %swap3A_359 = arith.constant 0 : index
      %swap3A_360 = arith.constant 512 : index
      %swap3A_361 = vector.load %arg8[%swap3A_359, %swap3A_360] : memref<128x2048xf32, #tpu.memory_space<vmem>>, vector<128x128xf32>
      tpu.vector_store %arg8[%swap3A_359, %swap3A_360], %add3A_358 {strides = array<i32>} : memref<128x2048xf32, #tpu.memory_space<vmem>>, vector<128x128xf32>,
      %get3A_362 = arith.constant 5 : index
      %get3A_363 = arith.constant 0 : index
      %get3A_364 = memref.load %arg1[%get3A_362, %get3A_363] : memref<16x4xf32, #tpu.memory_space<smem>>
      %get3A_365 = arith.constant 0 : index
      %get3A_366 = arith.constant 0 : index
      %get3A_367 = arith.constant 0 : index
      %get3A_368 = vector.load %arg2[%get3A_365, %get3A_366, %get3A_367] : memref<4x128x128xf32, #tpu.memory_space<vmem>>, vector<1x128x128xf32>
      %get3A_369 = vector.shape_cast %get3A_368 : vector<1x128x128xf32> to vector<128x128xf32>
      %mul3A_370 = vector.broadcast %get3A_364 : f32 to vector<128x128xf32>
      %mul3A_371 = arith.mulf %mul3A_370, %get3A_369 : vector<128x128xf32>
      %get3A_372 = arith.constant 5 : index
      %get3A_373 = arith.constant 1 : index
      %get3A_374 = memref.load %arg1[%get3A_372, %get3A_373] : memref<16x4xf32, #tpu.memory_space<smem>>
      %get3A_375 = arith.constant 1 : index
      %get3A_376 = arith.constant 0 : index
      %get3A_377 = arith.constant 0 : index
      %get3A_378 = vector.load %arg2[%get3A_375, %get3A_376, %get3A_377] : memref<4x128x128xf32, #tpu.memory_space<vmem>>, vector<1x128x128xf32>
      %get3A_379 = vector.shape_cast %get3A_378 : vector<1x128x128xf32> to vector<128x128xf32>
      %mul3A_380 = vector.broadcast %get3A_374 : f32 to vector<128x128xf32>
      %mul3A_381 = arith.mulf %mul3A_380, %get3A_379 : vector<128x128xf32>
      %add3A_382 = arith.addf %mul3A_371, %mul3A_381 : vector<128x128xf32>
      %get3A_383 = arith.constant 5 : index
      %get3A_384 = arith.constant 2 : index
      %get3A_385 = memref.load %arg1[%get3A_383, %get3A_384] : memref<16x4xf32, #tpu.memory_space<smem>>
      %get3A_386 = arith.constant 2 : index
      %get3A_387 = arith.constant 0 : index
      %get3A_388 = arith.constant 0 : index
      %get3A_389 = vector.load %arg2[%get3A_386, %get3A_387, %get3A_388] : memref<4x128x128xf32, #tpu.memory_space<vmem>>, vector<1x128x128xf32>
      %get3A_390 = vector.shape_cast %get3A_389 : vector<1x128x128xf32> to vector<128x128xf32>
      %mul3A_391 = vector.broadcast %get3A_385 : f32 to vector<128x128xf32>
      %mul3A_392 = arith.mulf %mul3A_391, %get3A_390 : vector<128x128xf32>
      %add3A_393 = arith.addf %add3A_382, %mul3A_392 : vector<128x128xf32>
      %get3A_394 = arith.constant 5 : index
      %get3A_395 = arith.constant 3 : index
      %get3A_396 = memref.load %arg1[%get3A_394, %get3A_395] : memref<16x4xf32, #tpu.memory_space<smem>>
      %get3A_397 = arith.constant 3 : index
      %get3A_398 = arith.constant 0 : index
      %get3A_399 = arith.constant 0 : index
      %get3A_400 = vector.load %arg2[%get3A_397, %get3A_398, %get3A_399] : memref<4x128x128xf32, #tpu.memory_space<vmem>>, vector<1x128x128xf32>
      %get3A_401 = vector.shape_cast %get3A_400 : vector<1x128x128xf32> to vector<128x128xf32>
      %mul3A_402 = vector.broadcast %get3A_396 : f32 to vector<128x128xf32>
      %mul3A_403 = arith.mulf %mul3A_402, %get3A_401 : vector<128x128xf32>
      %add3A_404 = arith.addf %add3A_393, %mul3A_403 : vector<128x128xf32>
      %swap3A_405 = arith.constant 0 : index
      %swap3A_406 = arith.constant 640 : index
      %swap3A_407 = vector.load %arg8[%swap3A_405, %swap3A_406] : memref<128x2048xf32, #tpu.memory_space<vmem>>, vector<128x128xf32>
      tpu.vector_store %arg8[%swap3A_405, %swap3A_406], %add3A_404 {strides = array<i32>} : memref<128x2048xf32, #tpu.memory_space<vmem>>, vector<128x128xf32>,
      %get3A_408 = arith.constant 6 : index
      %get3A_409 = arith.constant 0 : index
      %get3A_410 = memref.load %arg1[%get3A_408, %get3A_409] : memref<16x4xf32, #tpu.memory_space<smem>>
      %get3A_411 = arith.constant 0 : index
      %get3A_412 = arith.constant 0 : index
      %get3A_413 = arith.constant 0 : index
      %get3A_414 = vector.load %arg2[%get3A_411, %get3A_412, %get3A_413] : memref<4x128x128xf32, #tpu.memory_space<vmem>>, vector<1x128x128xf32>
      %get3A_415 = vector.shape_cast %get3A_414 : vector<1x128x128xf32> to vector<128x128xf32>
      %mul3A_416 = vector.broadcast %get3A_410 : f32 to vector<128x128xf32>
      %mul3A_417 = arith.mulf %mul3A_416, %get3A_415 : vector<128x128xf32>
      %get3A_418 = arith.constant 6 : index
      %get3A_419 = arith.constant 1 : index
      %get3A_420 = memref.load %arg1[%get3A_418, %get3A_419] : memref<16x4xf32, #tpu.memory_space<smem>>
      %get3A_421 = arith.constant 1 : index
      %get3A_422 = arith.constant 0 : index
      %get3A_423 = arith.constant 0 : index
      %get3A_424 = vector.load %arg2[%get3A_421, %get3A_422, %get3A_423] : memref<4x128x128xf32, #tpu.memory_space<vmem>>, vector<1x128x128xf32>
      %get3A_425 = vector.shape_cast %get3A_424 : vector<1x128x128xf32> to vector<128x128xf32>
      %mul3A_426 = vector.broadcast %get3A_420 : f32 to vector<128x128xf32>
      %mul3A_427 = arith.mulf %mul3A_426, %get3A_425 : vector<128x128xf32>
      %add3A_428 = arith.addf %mul3A_417, %mul3A_427 : vector<128x128xf32>
      %get3A_429 = arith.constant 6 : index
      %get3A_430 = arith.constant 2 : index
      %get3A_431 = memref.load %arg1[%get3A_429, %get3A_430] : memref<16x4xf32, #tpu.memory_space<smem>>
      %get3A_432 = arith.constant 2 : index
      %get3A_433 = arith.constant 0 : index
      %get3A_434 = arith.constant 0 : index
      %get3A_435 = vector.load %arg2[%get3A_432, %get3A_433, %get3A_434] : memref<4x128x128xf32, #tpu.memory_space<vmem>>, vector<1x128x128xf32>
      %get3A_436 = vector.shape_cast %get3A_435 : vector<1x128x128xf32> to vector<128x128xf32>
      %mul3A_437 = vector.broadcast %get3A_431 : f32 to vector<128x128xf32>
      %mul3A_438 = arith.mulf %mul3A_437, %get3A_436 : vector<128x128xf32>
      %add3A_439 = arith.addf %add3A_428, %mul3A_438 : vector<128x128xf32>
      %get3A_440 = arith.constant 6 : index
      %get3A_441 = arith.constant 3 : index
      %get3A_442 = memref.load %arg1[%get3A_440, %get3A_441] : memref<16x4xf32, #tpu.memory_space<smem>>
      %get3A_443 = arith.constant 3 : index
      %get3A_444 = arith.constant 0 : index
      %get3A_445 = arith.constant 0 : index
      %get3A_446 = vector.load %arg2[%get3A_443, %get3A_444, %get3A_445] : memref<4x128x128xf32, #tpu.memory_space<vmem>>, vector<1x128x128xf32>
      %get3A_447 = vector.shape_cast %get3A_446 : vector<1x128x128xf32> to vector<128x128xf32>
      %mul3A_448 = vector.broadcast %get3A_442 : f32 to vector<128x128xf32>
      %mul3A_449 = arith.mulf %mul3A_448, %get3A_447 : vector<128x128xf32>
      %add3A_450 = arith.addf %add3A_439, %mul3A_449 : vector<128x128xf32>
      %swap3A_451 = arith.constant 0 : index
      %swap3A_452 = arith.constant 768 : index
      %swap3A_453 = vector.load %arg8[%swap3A_451, %swap3A_452] : memref<128x2048xf32, #tpu.memory_space<vmem>>, vector<128x128xf32>
      tpu.vector_store %arg8[%swap3A_451, %swap3A_452], %add3A_450 {strides = array<i32>} : memref<128x2048xf32, #tpu.memory_space<vmem>>, vector<128x128xf32>,
      %get3A_454 = arith.constant 7 : index
      %get3A_455 = arith.constant 0 : index
      %get3A_456 = memref.load %arg1[%get3A_454, %get3A_455] : memref<16x4xf32, #tpu.memory_space<smem>>
      %get3A_457 = arith.constant 0 : index
      %get3A_458 = arith.constant 0 : index
      %get3A_459 = arith.constant 0 : index
      %get3A_460 = vector.load %arg2[%get3A_457, %get3A_458, %get3A_459] : memref<4x128x128xf32, #tpu.memory_space<vmem>>, vector<1x128x128xf32>
      %get3A_461 = vector.shape_cast %get3A_460 : vector<1x128x128xf32> to vector<128x128xf32>
      %mul3A_462 = vector.broadcast %get3A_456 : f32 to vector<128x128xf32>
      %mul3A_463 = arith.mulf %mul3A_462, %get3A_461 : vector<128x128xf32>
      %get3A_464 = arith.constant 7 : index
      %get3A_465 = arith.constant 1 : index
      %get3A_466 = memref.load %arg1[%get3A_464, %get3A_465] : memref<16x4xf32, #tpu.memory_space<smem>>
      %get3A_467 = arith.constant 1 : index
      %get3A_468 = arith.constant 0 : index
      %get3A_469 = arith.constant 0 : index
      %get3A_470 = vector.load %arg2[%get3A_467, %get3A_468, %get3A_469] : memref<4x128x128xf32, #tpu.memory_space<vmem>>, vector<1x128x128xf32>
      %get3A_471 = vector.shape_cast %get3A_470 : vector<1x128x128xf32> to vector<128x128xf32>
      %mul3A_472 = vector.broadcast %get3A_466 : f32 to vector<128x128xf32>
      %mul3A_473 = arith.mulf %mul3A_472, %get3A_471 : vector<128x128xf32>
      %add3A_474 = arith.addf %mul3A_463, %mul3A_473 : vector<128x128xf32>
      %get3A_475 = arith.constant 7 : index
      %get3A_476 = arith.constant 2 : index
      %get3A_477 = memref.load %arg1[%get3A_475, %get3A_476] : memref<16x4xf32, #tpu.memory_space<smem>>
      %get3A_478 = arith.constant 2 : index
      %get3A_479 = arith.constant 0 : index
      %get3A_480 = arith.constant 0 : index
      %get3A_481 = vector.load %arg2[%get3A_478, %get3A_479, %get3A_480] : memref<4x128x128xf32, #tpu.memory_space<vmem>>, vector<1x128x128xf32>
      %get3A_482 = vector.shape_cast %get3A_481 : vector<1x128x128xf32> to vector<128x128xf32>
      %mul3A_483 = vector.broadcast %get3A_477 : f32 to vector<128x128xf32>
      %mul3A_484 = arith.mulf %mul3A_483, %get3A_482 : vector<128x128xf32>
      %add3A_485 = arith.addf %add3A_474, %mul3A_484 : vector<128x128xf32>
      %get3A_486 = arith.constant 7 : index
      %get3A_487 = arith.constant 3 : index
      %get3A_488 = memref.load %arg1[%get3A_486, %get3A_487] : memref<16x4xf32, #tpu.memory_space<smem>>
      %get3A_489 = arith.constant 3 : index
      %get3A_490 = arith.constant 0 : index
      %get3A_491 = arith.constant 0 : index
      %get3A_492 = vector.load %arg2[%get3A_489, %get3A_490, %get3A_491] : memref<4x128x128xf32, #tpu.memory_space<vmem>>, vector<1x128x128xf32>
      %get3A_493 = vector.shape_cast %get3A_492 : vector<1x128x128xf32> to vector<128x128xf32>
      %mul3A_494 = vector.broadcast %get3A_488 : f32 to vector<128x128xf32>
      %mul3A_495 = arith.mulf %mul3A_494, %get3A_493 : vector<128x128xf32>
      %add3A_496 = arith.addf %add3A_485, %mul3A_495 : vector<128x128xf32>
      %swap3A_497 = arith.constant 0 : index
      %swap3A_498 = arith.constant 896 : index
      %swap3A_499 = vector.load %arg8[%swap3A_497, %swap3A_498] : memref<128x2048xf32, #tpu.memory_space<vmem>>, vector<128x128xf32>
      tpu.vector_store %arg8[%swap3A_497, %swap3A_498], %add3A_496 {strides = array<i32>} : memref<128x2048xf32, #tpu.memory_space<vmem>>, vector<128x128xf32>,
      %get3A_500 = arith.constant 8 : index
      %get3A_501 = arith.constant 0 : index
      %get3A_502 = memref.load %arg1[%get3A_500, %get3A_501] : memref<16x4xf32, #tpu.memory_space<smem>>
      %get3A_503 = arith.constant 0 : index
      %get3A_504 = arith.constant 0 : index
      %get3A_505 = arith.constant 0 : index
      %get3A_506 = vector.load %arg2[%get3A_503, %get3A_504, %get3A_505] : memref<4x128x128xf32, #tpu.memory_space<vmem>>, vector<1x128x128xf32>
      %get3A_507 = vector.shape_cast %get3A_506 : vector<1x128x128xf32> to vector<128x128xf32>
      %mul3A_508 = vector.broadcast %get3A_502 : f32 to vector<128x128xf32>
      %mul3A_509 = arith.mulf %mul3A_508, %get3A_507 : vector<128x128xf32>
      %get3A_510 = arith.constant 8 : index
      %get3A_511 = arith.constant 1 : index
      %get3A_512 = memref.load %arg1[%get3A_510, %get3A_511] : memref<16x4xf32, #tpu.memory_space<smem>>
      %get3A_513 = arith.constant 1 : index
      %get3A_514 = arith.constant 0 : index
      %get3A_515 = arith.constant 0 : index
      %get3A_516 = vector.load %arg2[%get3A_513, %get3A_514, %get3A_515] : memref<4x128x128xf32, #tpu.memory_space<vmem>>, vector<1x128x128xf32>
      %get3A_517 = vector.shape_cast %get3A_516 : vector<1x128x128xf32> to vector<128x128xf32>
      %mul3A_518 = vector.broadcast %get3A_512 : f32 to vector<128x128xf32>
      %mul3A_519 = arith.mulf %mul3A_518, %get3A_517 : vector<128x128xf32>
      %add3A_520 = arith.addf %mul3A_509, %mul3A_519 : vector<128x128xf32>
      %get3A_521 = arith.constant 8 : index
      %get3A_522 = arith.constant 2 : index
      %get3A_523 = memref.load %arg1[%get3A_521, %get3A_522] : memref<16x4xf32, #tpu.memory_space<smem>>
      %get3A_524 = arith.constant 2 : index
      %get3A_525 = arith.constant 0 : index
      %get3A_526 = arith.constant 0 : index
      %get3A_527 = vector.load %arg2[%get3A_524, %get3A_525, %get3A_526] : memref<4x128x128xf32, #tpu.memory_space<vmem>>, vector<1x128x128xf32>
      %get3A_528 = vector.shape_cast %get3A_527 : vector<1x128x128xf32> to vector<128x128xf32>
      %mul3A_529 = vector.broadcast %get3A_523 : f32 to vector<128x128xf32>
      %mul3A_530 = arith.mulf %mul3A_529, %get3A_528 : vector<128x128xf32>
      %add3A_531 = arith.addf %add3A_520, %mul3A_530 : vector<128x128xf32>
      %get3A_532 = arith.constant 8 : index
      %get3A_533 = arith.constant 3 : index
      %get3A_534 = memref.load %arg1[%get3A_532, %get3A_533] : memref<16x4xf32, #tpu.memory_space<smem>>
      %get3A_535 = arith.constant 3 : index
      %get3A_536 = arith.constant 0 : index
      %get3A_537 = arith.constant 0 : index
      %get3A_538 = vector.load %arg2[%get3A_535, %get3A_536, %get3A_537] : memref<4x128x128xf32, #tpu.memory_space<vmem>>, vector<1x128x128xf32>
      %get3A_539 = vector.shape_cast %get3A_538 : vector<1x128x128xf32> to vector<128x128xf32>
      %mul3A_540 = vector.broadcast %get3A_534 : f32 to vector<128x128xf32>
      %mul3A_541 = arith.mulf %mul3A_540, %get3A_539 : vector<128x128xf32>
      %add3A_542 = arith.addf %add3A_531, %mul3A_541 : vector<128x128xf32>
      %swap3A_543 = arith.constant 0 : index
      %swap3A_544 = arith.constant 1024 : index
      %swap3A_545 = vector.load %arg8[%swap3A_543, %swap3A_544] : memref<128x2048xf32, #tpu.memory_space<vmem>>, vector<128x128xf32>
      tpu.vector_store %arg8[%swap3A_543, %swap3A_544], %add3A_542 {strides = array<i32>} : memref<128x2048xf32, #tpu.memory_space<vmem>>, vector<128x128xf32>,
      %get3A_546 = arith.constant 9 : index
      %get3A_547 = arith.constant 0 : index
      %get3A_548 = memref.load %arg1[%get3A_546, %get3A_547] : memref<16x4xf32, #tpu.memory_space<smem>>
      %get3A_549 = arith.constant 0 : index
      %get3A_550 = arith.constant 0 : index
      %get3A_551 = arith.constant 0 : index
      %get3A_552 = vector.load %arg2[%get3A_549, %get3A_550, %get3A_551] : memref<4x128x128xf32, #tpu.memory_space<vmem>>, vector<1x128x128xf32>
      %get3A_553 = vector.shape_cast %get3A_552 : vector<1x128x128xf32> to vector<128x128xf32>
      %mul3A_554 = vector.broadcast %get3A_548 : f32 to vector<128x128xf32>
      %mul3A_555 = arith.mulf %mul3A_554, %get3A_553 : vector<128x128xf32>
      %get3A_556 = arith.constant 9 : index
      %get3A_557 = arith.constant 1 : index
      %get3A_558 = memref.load %arg1[%get3A_556, %get3A_557] : memref<16x4xf32, #tpu.memory_space<smem>>
      %get3A_559 = arith.constant 1 : index
      %get3A_560 = arith.constant 0 : index
      %get3A_561 = arith.constant 0 : index
      %get3A_562 = vector.load %arg2[%get3A_559, %get3A_560, %get3A_561] : memref<4x128x128xf32, #tpu.memory_space<vmem>>, vector<1x128x128xf32>
      %get3A_563 = vector.shape_cast %get3A_562 : vector<1x128x128xf32> to vector<128x128xf32>
      %mul3A_564 = vector.broadcast %get3A_558 : f32 to vector<128x128xf32>
      %mul3A_565 = arith.mulf %mul3A_564, %get3A_563 : vector<128x128xf32>
      %add3A_566 = arith.addf %mul3A_555, %mul3A_565 : vector<128x128xf32>
      %get3A_567 = arith.constant 9 : index
      %get3A_568 = arith.constant 2 : index
      %get3A_569 = memref.load %arg1[%get3A_567, %get3A_568] : memref<16x4xf32, #tpu.memory_space<smem>>
      %get3A_570 = arith.constant 2 : index
      %get3A_571 = arith.constant 0 : index
      %get3A_572 = arith.constant 0 : index
      %get3A_573 = vector.load %arg2[%get3A_570, %get3A_571, %get3A_572] : memref<4x128x128xf32, #tpu.memory_space<vmem>>, vector<1x128x128xf32>
      %get3A_574 = vector.shape_cast %get3A_573 : vector<1x128x128xf32> to vector<128x128xf32>
      %mul3A_575 = vector.broadcast %get3A_569 : f32 to vector<128x128xf32>
      %mul3A_576 = arith.mulf %mul3A_575, %get3A_574 : vector<128x128xf32>
      %add3A_577 = arith.addf %add3A_566, %mul3A_576 : vector<128x128xf32>
      %get3A_578 = arith.constant 9 : index
      %get3A_579 = arith.constant 3 : index
      %get3A_580 = memref.load %arg1[%get3A_578, %get3A_579] : memref<16x4xf32, #tpu.memory_space<smem>>
      %get3A_581 = arith.constant 3 : index
      %get3A_582 = arith.constant 0 : index
      %get3A_583 = arith.constant 0 : index
      %get3A_584 = vector.load %arg2[%get3A_581, %get3A_582, %get3A_583] : memref<4x128x128xf32, #tpu.memory_space<vmem>>, vector<1x128x128xf32>
      %get3A_585 = vector.shape_cast %get3A_584 : vector<1x128x128xf32> to vector<128x128xf32>
      %mul3A_586 = vector.broadcast %get3A_580 : f32 to vector<128x128xf32>
      %mul3A_587 = arith.mulf %mul3A_586, %get3A_585 : vector<128x128xf32>
      %add3A_588 = arith.addf %add3A_577, %mul3A_587 : vector<128x128xf32>
      %swap3A_589 = arith.constant 0 : index
      %swap3A_590 = arith.constant 1152 : index
      %swap3A_591 = vector.load %arg8[%swap3A_589, %swap3A_590] : memref<128x2048xf32, #tpu.memory_space<vmem>>, vector<128x128xf32>
      tpu.vector_store %arg8[%swap3A_589, %swap3A_590], %add3A_588 {strides = array<i32>} : memref<128x2048xf32, #tpu.memory_space<vmem>>, vector<128x128xf32>,
      %get3A_592 = arith.constant 10 : index
      %get3A_593 = arith.constant 0 : index
      %get3A_594 = memref.load %arg1[%get3A_592, %get3A_593] : memref<16x4xf32, #tpu.memory_space<smem>>
      %get3A_595 = arith.constant 0 : index
      %get3A_596 = arith.constant 0 : index
      %get3A_597 = arith.constant 0 : index
      %get3A_598 = vector.load %arg2[%get3A_595, %get3A_596, %get3A_597] : memref<4x128x128xf32, #tpu.memory_space<vmem>>, vector<1x128x128xf32>
      %get3A_599 = vector.shape_cast %get3A_598 : vector<1x128x128xf32> to vector<128x128xf32>
      %mul3A_600 = vector.broadcast %get3A_594 : f32 to vector<128x128xf32>
      %mul3A_601 = arith.mulf %mul3A_600, %get3A_599 : vector<128x128xf32>
      %get3A_602 = arith.constant 10 : index
      %get3A_603 = arith.constant 1 : index
      %get3A_604 = memref.load %arg1[%get3A_602, %get3A_603] : memref<16x4xf32, #tpu.memory_space<smem>>
      %get3A_605 = arith.constant 1 : index
      %get3A_606 = arith.constant 0 : index
      %get3A_607 = arith.constant 0 : index
      %get3A_608 = vector.load %arg2[%get3A_605, %get3A_606, %get3A_607] : memref<4x128x128xf32, #tpu.memory_space<vmem>>, vector<1x128x128xf32>
      %get3A_609 = vector.shape_cast %get3A_608 : vector<1x128x128xf32> to vector<128x128xf32>
      %mul3A_610 = vector.broadcast %get3A_604 : f32 to vector<128x128xf32>
      %mul3A_611 = arith.mulf %mul3A_610, %get3A_609 : vector<128x128xf32>
      %add3A_612 = arith.addf %mul3A_601, %mul3A_611 : vector<128x128xf32>
      %get3A_613 = arith.constant 10 : index
      %get3A_614 = arith.constant 2 : index
      %get3A_615 = memref.load %arg1[%get3A_613, %get3A_614] : memref<16x4xf32, #tpu.memory_space<smem>>
      %get3A_616 = arith.constant 2 : index
      %get3A_617 = arith.constant 0 : index
      %get3A_618 = arith.constant 0 : index
      %get3A_619 = vector.load %arg2[%get3A_616, %get3A_617, %get3A_618] : memref<4x128x128xf32, #tpu.memory_space<vmem>>, vector<1x128x128xf32>
      %get3A_620 = vector.shape_cast %get3A_619 : vector<1x128x128xf32> to vector<128x128xf32>
      %mul3A_621 = vector.broadcast %get3A_615 : f32 to vector<128x128xf32>
      %mul3A_622 = arith.mulf %mul3A_621, %get3A_620 : vector<128x128xf32>
      %add3A_623 = arith.addf %add3A_612, %mul3A_622 : vector<128x128xf32>
      %get3A_624 = arith.constant 10 : index
      %get3A_625 = arith.constant 3 : index
      %get3A_626 = memref.load %arg1[%get3A_624, %get3A_625] : memref<16x4xf32, #tpu.memory_space<smem>>
      %get3A_627 = arith.constant 3 : index
      %get3A_628 = arith.constant 0 : index
      %get3A_629 = arith.constant 0 : index
      %get3A_630 = vector.load %arg2[%get3A_627, %get3A_628, %get3A_629] : memref<4x128x128xf32, #tpu.memory_space<vmem>>, vector<1x128x128xf32>
      %get3A_631 = vector.shape_cast %get3A_630 : vector<1x128x128xf32> to vector<128x128xf32>
      %mul3A_632 = vector.broadcast %get3A_626 : f32 to vector<128x128xf32>
      %mul3A_633 = arith.mulf %mul3A_632, %get3A_631 : vector<128x128xf32>
      %add3A_634 = arith.addf %add3A_623, %mul3A_633 : vector<128x128xf32>
      %swap3A_635 = arith.constant 0 : index
      %swap3A_636 = arith.constant 1280 : index
      %swap3A_637 = vector.load %arg8[%swap3A_635, %swap3A_636] : memref<128x2048xf32, #tpu.memory_space<vmem>>, vector<128x128xf32>
      tpu.vector_store %arg8[%swap3A_635, %swap3A_636], %add3A_634 {strides = array<i32>} : memref<128x2048xf32, #tpu.memory_space<vmem>>, vector<128x128xf32>,
      %get3A_638 = arith.constant 11 : index
      %get3A_639 = arith.constant 0 : index
      %get3A_640 = memref.load %arg1[%get3A_638, %get3A_639] : memref<16x4xf32, #tpu.memory_space<smem>>
      %get3A_641 = arith.constant 0 : index
      %get3A_642 = arith.constant 0 : index
      %get3A_643 = arith.constant 0 : index
      %get3A_644 = vector.load %arg2[%get3A_641, %get3A_642, %get3A_643] : memref<4x128x128xf32, #tpu.memory_space<vmem>>, vector<1x128x128xf32>
      %get3A_645 = vector.shape_cast %get3A_644 : vector<1x128x128xf32> to vector<128x128xf32>
      %mul3A_646 = vector.broadcast %get3A_640 : f32 to vector<128x128xf32>
      %mul3A_647 = arith.mulf %mul3A_646, %get3A_645 : vector<128x128xf32>
      %get3A_648 = arith.constant 11 : index
      %get3A_649 = arith.constant 1 : index
      %get3A_650 = memref.load %arg1[%get3A_648, %get3A_649] : memref<16x4xf32, #tpu.memory_space<smem>>
      %get3A_651 = arith.constant 1 : index
      %get3A_652 = arith.constant 0 : index
      %get3A_653 = arith.constant 0 : index
      %get3A_654 = vector.load %arg2[%get3A_651, %get3A_652, %get3A_653] : memref<4x128x128xf32, #tpu.memory_space<vmem>>, vector<1x128x128xf32>
      %get3A_655 = vector.shape_cast %get3A_654 : vector<1x128x128xf32> to vector<128x128xf32>
      %mul3A_656 = vector.broadcast %get3A_650 : f32 to vector<128x128xf32>
      %mul3A_657 = arith.mulf %mul3A_656, %get3A_655 : vector<128x128xf32>
      %add3A_658 = arith.addf %mul3A_647, %mul3A_657 : vector<128x128xf32>
      %get3A_659 = arith.constant 11 : index
      %get3A_660 = arith.constant 2 : index
      %get3A_661 = memref.load %arg1[%get3A_659, %get3A_660] : memref<16x4xf32, #tpu.memory_space<smem>>
      %get3A_662 = arith.constant 2 : index
      %get3A_663 = arith.constant 0 : index
      %get3A_664 = arith.constant 0 : index
      %get3A_665 = vector.load %arg2[%get3A_662, %get3A_663, %get3A_664] : memref<4x128x128xf32, #tpu.memory_space<vmem>>, vector<1x128x128xf32>
      %get3A_666 = vector.shape_cast %get3A_665 : vector<1x128x128xf32> to vector<128x128xf32>
      %mul3A_667 = vector.broadcast %get3A_661 : f32 to vector<128x128xf32>
      %mul3A_668 = arith.mulf %mul3A_667, %get3A_666 : vector<128x128xf32>
      %add3A_669 = arith.addf %add3A_658, %mul3A_668 : vector<128x128xf32>
      %get3A_670 = arith.constant 11 : index
      %get3A_671 = arith.constant 3 : index
      %get3A_672 = memref.load %arg1[%get3A_670, %get3A_671] : memref<16x4xf32, #tpu.memory_space<smem>>
      %get3A_673 = arith.constant 3 : index
      %get3A_674 = arith.constant 0 : index
      %get3A_675 = arith.constant 0 : index
      %get3A_676 = vector.load %arg2[%get3A_673, %get3A_674, %get3A_675] : memref<4x128x128xf32, #tpu.memory_space<vmem>>, vector<1x128x128xf32>
      %get3A_677 = vector.shape_cast %get3A_676 : vector<1x128x128xf32> to vector<128x128xf32>
      %mul3A_678 = vector.broadcast %get3A_672 : f32 to vector<128x128xf32>
      %mul3A_679 = arith.mulf %mul3A_678, %get3A_677 : vector<128x128xf32>
      %add3A_680 = arith.addf %add3A_669, %mul3A_679 : vector<128x128xf32>
      %swap3A_681 = arith.constant 0 : index
      %swap3A_682 = arith.constant 1408 : index
      %swap3A_683 = vector.load %arg8[%swap3A_681, %swap3A_682] : memref<128x2048xf32, #tpu.memory_space<vmem>>, vector<128x128xf32>
      tpu.vector_store %arg8[%swap3A_681, %swap3A_682], %add3A_680 {strides = array<i32>} : memref<128x2048xf32, #tpu.memory_space<vmem>>, vector<128x128xf32>,
      %get3A_684 = arith.constant 12 : index
      %get3A_685 = arith.constant 0 : index
      %get3A_686 = memref.load %arg1[%get3A_684, %get3A_685] : memref<16x4xf32, #tpu.memory_space<smem>>
      %get3A_687 = arith.constant 0 : index
      %get3A_688 = arith.constant 0 : index
      %get3A_689 = arith.constant 0 : index
      %get3A_690 = vector.load %arg2[%get3A_687, %get3A_688, %get3A_689] : memref<4x128x128xf32, #tpu.memory_space<vmem>>, vector<1x128x128xf32>
      %get3A_691 = vector.shape_cast %get3A_690 : vector<1x128x128xf32> to vector<128x128xf32>
      %mul3A_692 = vector.broadcast %get3A_686 : f32 to vector<128x128xf32>
      %mul3A_693 = arith.mulf %mul3A_692, %get3A_691 : vector<128x128xf32>
      %get3A_694 = arith.constant 12 : index
      %get3A_695 = arith.constant 1 : index
      %get3A_696 = memref.load %arg1[%get3A_694, %get3A_695] : memref<16x4xf32, #tpu.memory_space<smem>>
      %get3A_697 = arith.constant 1 : index
      %get3A_698 = arith.constant 0 : index
      %get3A_699 = arith.constant 0 : index
      %get3A_700 = vector.load %arg2[%get3A_697, %get3A_698, %get3A_699] : memref<4x128x128xf32, #tpu.memory_space<vmem>>, vector<1x128x128xf32>
      %get3A_701 = vector.shape_cast %get3A_700 : vector<1x128x128xf32> to vector<128x128xf32>
      %mul3A_702 = vector.broadcast %get3A_696 : f32 to vector<128x128xf32>
      %mul3A_703 = arith.mulf %mul3A_702, %get3A_701 : vector<128x128xf32>
      %add3A_704 = arith.addf %mul3A_693, %mul3A_703 : vector<128x128xf32>
      %get3A_705 = arith.constant 12 : index
      %get3A_706 = arith.constant 2 : index
      %get3A_707 = memref.load %arg1[%get3A_705, %get3A_706] : memref<16x4xf32, #tpu.memory_space<smem>>
      %get3A_708 = arith.constant 2 : index
      %get3A_709 = arith.constant 0 : index
      %get3A_710 = arith.constant 0 : index
      %get3A_711 = vector.load %arg2[%get3A_708, %get3A_709, %get3A_710] : memref<4x128x128xf32, #tpu.memory_space<vmem>>, vector<1x128x128xf32>
      %get3A_712 = vector.shape_cast %get3A_711 : vector<1x128x128xf32> to vector<128x128xf32>
      %mul3A_713 = vector.broadcast %get3A_707 : f32 to vector<128x128xf32>
      %mul3A_714 = arith.mulf %mul3A_713, %get3A_712 : vector<128x128xf32>
      %add3A_715 = arith.addf %add3A_704, %mul3A_714 : vector<128x128xf32>
      %get3A_716 = arith.constant 12 : index
      %get3A_717 = arith.constant 3 : index
      %get3A_718 = memref.load %arg1[%get3A_716, %get3A_717] : memref<16x4xf32, #tpu.memory_space<smem>>
      %get3A_719 = arith.constant 3 : index
      %get3A_720 = arith.constant 0 : index
      %get3A_721 = arith.constant 0 : index
      %get3A_722 = vector.load %arg2[%get3A_719, %get3A_720, %get3A_721] : memref<4x128x128xf32, #tpu.memory_space<vmem>>, vector<1x128x128xf32>
      %get3A_723 = vector.shape_cast %get3A_722 : vector<1x128x128xf32> to vector<128x128xf32>
      %mul3A_724 = vector.broadcast %get3A_718 : f32 to vector<128x128xf32>
      %mul3A_725 = arith.mulf %mul3A_724, %get3A_723 : vector<128x128xf32>
      %add3A_726 = arith.addf %add3A_715, %mul3A_725 : vector<128x128xf32>
      %swap3A_727 = arith.constant 0 : index
      %swap3A_728 = arith.constant 1536 : index
      %swap3A_729 = vector.load %arg8[%swap3A_727, %swap3A_728] : memref<128x2048xf32, #tpu.memory_space<vmem>>, vector<128x128xf32>
      tpu.vector_store %arg8[%swap3A_727, %swap3A_728], %add3A_726 {strides = array<i32>} : memref<128x2048xf32, #tpu.memory_space<vmem>>, vector<128x128xf32>,
      %get3A_730 = arith.constant 13 : index
      %get3A_731 = arith.constant 0 : index
      %get3A_732 = memref.load %arg1[%get3A_730, %get3A_731] : memref<16x4xf32, #tpu.memory_space<smem>>
      %get3A_733 = arith.constant 0 : index
      %get3A_734 = arith.constant 0 : index
      %get3A_735 = arith.constant 0 : index
      %get3A_736 = vector.load %arg2[%get3A_733, %get3A_734, %get3A_735] : memref<4x128x128xf32, #tpu.memory_space<vmem>>, vector<1x128x128xf32>
      %get3A_737 = vector.shape_cast %get3A_736 : vector<1x128x128xf32> to vector<128x128xf32>
      %mul3A_738 = vector.broadcast %get3A_732 : f32 to vector<128x128xf32>
      %mul3A_739 = arith.mulf %mul3A_738, %get3A_737 : vector<128x128xf32>
      %get3A_740 = arith.constant 13 : index
      %get3A_741 = arith.constant 1 : index
      %get3A_742 = memref.load %arg1[%get3A_740, %get3A_741] : memref<16x4xf32, #tpu.memory_space<smem>>
      %get3A_743 = arith.constant 1 : index
      %get3A_744 = arith.constant 0 : index
      %get3A_745 = arith.constant 0 : index
      %get3A_746 = vector.load %arg2[%get3A_743, %get3A_744, %get3A_745] : memref<4x128x128xf32, #tpu.memory_space<vmem>>, vector<1x128x128xf32>
      %get3A_747 = vector.shape_cast %get3A_746 : vector<1x128x128xf32> to vector<128x128xf32>
      %mul3A_748 = vector.broadcast %get3A_742 : f32 to vector<128x128xf32>
      %mul3A_749 = arith.mulf %mul3A_748, %get3A_747 : vector<128x128xf32>
      %add3A_750 = arith.addf %mul3A_739, %mul3A_749 : vector<128x128xf32>
      %get3A_751 = arith.constant 13 : index
      %get3A_752 = arith.constant 2 : index
      %get3A_753 = memref.load %arg1[%get3A_751, %get3A_752] : memref<16x4xf32, #tpu.memory_space<smem>>
      %get3A_754 = arith.constant 2 : index
      %get3A_755 = arith.constant 0 : index
      %get3A_756 = arith.constant 0 : index
      %get3A_757 = vector.load %arg2[%get3A_754, %get3A_755, %get3A_756] : memref<4x128x128xf32, #tpu.memory_space<vmem>>, vector<1x128x128xf32>
      %get3A_758 = vector.shape_cast %get3A_757 : vector<1x128x128xf32> to vector<128x128xf32>
      %mul3A_759 = vector.broadcast %get3A_753 : f32 to vector<128x128xf32>
      %mul3A_760 = arith.mulf %mul3A_759, %get3A_758 : vector<128x128xf32>
      %add3A_761 = arith.addf %add3A_750, %mul3A_760 : vector<128x128xf32>
      %get3A_762 = arith.constant 13 : index
      %get3A_763 = arith.constant 3 : index
      %get3A_764 = memref.load %arg1[%get3A_762, %get3A_763] : memref<16x4xf32, #tpu.memory_space<smem>>
      %get3A_765 = arith.constant 3 : index
      %get3A_766 = arith.constant 0 : index
      %get3A_767 = arith.constant 0 : index
      %get3A_768 = vector.load %arg2[%get3A_765, %get3A_766, %get3A_767] : memref<4x128x128xf32, #tpu.memory_space<vmem>>, vector<1x128x128xf32>
      %get3A_769 = vector.shape_cast %get3A_768 : vector<1x128x128xf32> to vector<128x128xf32>
      %mul3A_770 = vector.broadcast %get3A_764 : f32 to vector<128x128xf32>
      %mul3A_771 = arith.mulf %mul3A_770, %get3A_769 : vector<128x128xf32>
      %add3A_772 = arith.addf %add3A_761, %mul3A_771 : vector<128x128xf32>
      %swap3A_773 = arith.constant 0 : index
      %swap3A_774 = arith.constant 1664 : index
      %swap3A_775 = vector.load %arg8[%swap3A_773, %swap3A_774] : memref<128x2048xf32, #tpu.memory_space<vmem>>, vector<128x128xf32>
      tpu.vector_store %arg8[%swap3A_773, %swap3A_774], %add3A_772 {strides = array<i32>} : memref<128x2048xf32, #tpu.memory_space<vmem>>, vector<128x128xf32>,
      %get3A_776 = arith.constant 14 : index
      %get3A_777 = arith.constant 0 : index
      %get3A_778 = memref.load %arg1[%get3A_776, %get3A_777] : memref<16x4xf32, #tpu.memory_space<smem>>
      %get3A_779 = arith.constant 0 : index
      %get3A_780 = arith.constant 0 : index
      %get3A_781 = arith.constant 0 : index
      %get3A_782 = vector.load %arg2[%get3A_779, %get3A_780, %get3A_781] : memref<4x128x128xf32, #tpu.memory_space<vmem>>, vector<1x128x128xf32>
      %get3A_783 = vector.shape_cast %get3A_782 : vector<1x128x128xf32> to vector<128x128xf32>
      %mul3A_784 = vector.broadcast %get3A_778 : f32 to vector<128x128xf32>
      %mul3A_785 = arith.mulf %mul3A_784, %get3A_783 : vector<128x128xf32>
      %get3A_786 = arith.constant 14 : index
      %get3A_787 = arith.constant 1 : index
      %get3A_788 = memref.load %arg1[%get3A_786, %get3A_787] : memref<16x4xf32, #tpu.memory_space<smem>>
      %get3A_789 = arith.constant 1 : index
      %get3A_790 = arith.constant 0 : index
      %get3A_791 = arith.constant 0 : index
      %get3A_792 = vector.load %arg2[%get3A_789, %get3A_790, %get3A_791] : memref<4x128x128xf32, #tpu.memory_space<vmem>>, vector<1x128x128xf32>
      %get3A_793 = vector.shape_cast %get3A_792 : vector<1x128x128xf32> to vector<128x128xf32>
      %mul3A_794 = vector.broadcast %get3A_788 : f32 to vector<128x128xf32>
      %mul3A_795 = arith.mulf %mul3A_794, %get3A_793 : vector<128x128xf32>
      %add3A_796 = arith.addf %mul3A_785, %mul3A_795 : vector<128x128xf32>
      %get3A_797 = arith.constant 14 : index
      %get3A_798 = arith.constant 2 : index
      %get3A_799 = memref.load %arg1[%get3A_797, %get3A_798] : memref<16x4xf32, #tpu.memory_space<smem>>
      %get3A_800 = arith.constant 2 : index
      %get3A_801 = arith.constant 0 : index
      %get3A_802 = arith.constant 0 : index
      %get3A_803 = vector.load %arg2[%get3A_800, %get3A_801, %get3A_802] : memref<4x128x128xf32, #tpu.memory_space<vmem>>, vector<1x128x128xf32>
      %get3A_804 = vector.shape_cast %get3A_803 : vector<1x128x128xf32> to vector<128x128xf32>
      %mul3A_805 = vector.broadcast %get3A_799 : f32 to vector<128x128xf32>
      %mul3A_806 = arith.mulf %mul3A_805, %get3A_804 : vector<128x128xf32>
      %add3A_807 = arith.addf %add3A_796, %mul3A_806 : vector<128x128xf32>
      %get3A_808 = arith.constant 14 : index
      %get3A_809 = arith.constant 3 : index
      %get3A_810 = memref.load %arg1[%get3A_808, %get3A_809] : memref<16x4xf32, #tpu.memory_space<smem>>
      %get3A_811 = arith.constant 3 : index
      %get3A_812 = arith.constant 0 : index
      %get3A_813 = arith.constant 0 : index
      %get3A_814 = vector.load %arg2[%get3A_811, %get3A_812, %get3A_813] : memref<4x128x128xf32, #tpu.memory_space<vmem>>, vector<1x128x128xf32>
      %get3A_815 = vector.shape_cast %get3A_814 : vector<1x128x128xf32> to vector<128x128xf32>
      %mul3A_816 = vector.broadcast %get3A_810 : f32 to vector<128x128xf32>
      %mul3A_817 = arith.mulf %mul3A_816, %get3A_815 : vector<128x128xf32>
      %add3A_818 = arith.addf %add3A_807, %mul3A_817 : vector<128x128xf32>
      %swap3A_819 = arith.constant 0 : index
      %swap3A_820 = arith.constant 1792 : index
      %swap3A_821 = vector.load %arg8[%swap3A_819, %swap3A_820] : memref<128x2048xf32, #tpu.memory_space<vmem>>, vector<128x128xf32>
      tpu.vector_store %arg8[%swap3A_819, %swap3A_820], %add3A_818 {strides = array<i32>} : memref<128x2048xf32, #tpu.memory_space<vmem>>, vector<128x128xf32>,
      %get3A_822 = arith.constant 15 : index
      %get3A_823 = arith.constant 0 : index
      %get3A_824 = memref.load %arg1[%get3A_822, %get3A_823] : memref<16x4xf32, #tpu.memory_space<smem>>
      %get3A_825 = arith.constant 0 : index
      %get3A_826 = arith.constant 0 : index
      %get3A_827 = arith.constant 0 : index
      %get3A_828 = vector.load %arg2[%get3A_825, %get3A_826, %get3A_827] : memref<4x128x128xf32, #tpu.memory_space<vmem>>, vector<1x128x128xf32>
      %get3A_829 = vector.shape_cast %get3A_828 : vector<1x128x128xf32> to vector<128x128xf32>
      %mul3A_830 = vector.broadcast %get3A_824 : f32 to vector<128x128xf32>
      %mul3A_831 = arith.mulf %mul3A_830, %get3A_829 : vector<128x128xf32>
      %get3A_832 = arith.constant 15 : index
      %get3A_833 = arith.constant 1 : index
      %get3A_834 = memref.load %arg1[%get3A_832, %get3A_833] : memref<16x4xf32, #tpu.memory_space<smem>>
      %get3A_835 = arith.constant 1 : index
      %get3A_836 = arith.constant 0 : index
      %get3A_837 = arith.constant 0 : index
      %get3A_838 = vector.load %arg2[%get3A_835, %get3A_836, %get3A_837] : memref<4x128x128xf32, #tpu.memory_space<vmem>>, vector<1x128x128xf32>
      %get3A_839 = vector.shape_cast %get3A_838 : vector<1x128x128xf32> to vector<128x128xf32>
      %mul3A_840 = vector.broadcast %get3A_834 : f32 to vector<128x128xf32>
      %mul3A_841 = arith.mulf %mul3A_840, %get3A_839 : vector<128x128xf32>
      %add3A_842 = arith.addf %mul3A_831, %mul3A_841 : vector<128x128xf32>
      %get3A_843 = arith.constant 15 : index
      %get3A_844 = arith.constant 2 : index
      %get3A_845 = memref.load %arg1[%get3A_843, %get3A_844] : memref<16x4xf32, #tpu.memory_space<smem>>
      %get3A_846 = arith.constant 2 : index
      %get3A_847 = arith.constant 0 : index
      %get3A_848 = arith.constant 0 : index
      %get3A_849 = vector.load %arg2[%get3A_846, %get3A_847, %get3A_848] : memref<4x128x128xf32, #tpu.memory_space<vmem>>, vector<1x128x128xf32>
      %get3A_850 = vector.shape_cast %get3A_849 : vector<1x128x128xf32> to vector<128x128xf32>
      %mul3A_851 = vector.broadcast %get3A_845 : f32 to vector<128x128xf32>
      %mul3A_852 = arith.mulf %mul3A_851, %get3A_850 : vector<128x128xf32>
      %add3A_853 = arith.addf %add3A_842, %mul3A_852 : vector<128x128xf32>
      %get3A_854 = arith.constant 15 : index
      %get3A_855 = arith.constant 3 : index
      %get3A_856 = memref.load %arg1[%get3A_854, %get3A_855] : memref<16x4xf32, #tpu.memory_space<smem>>
      %get3A_857 = arith.constant 3 : index
      %get3A_858 = arith.constant 0 : index
      %get3A_859 = arith.constant 0 : index
      %get3A_860 = vector.load %arg2[%get3A_857, %get3A_858, %get3A_859] : memref<4x128x128xf32, #tpu.memory_space<vmem>>, vector<1x128x128xf32>
      %get3A_861 = vector.shape_cast %get3A_860 : vector<1x128x128xf32> to vector<128x128xf32>
      %mul3A_862 = vector.broadcast %get3A_856 : f32 to vector<128x128xf32>
      %mul3A_863 = arith.mulf %mul3A_862, %get3A_861 : vector<128x128xf32>
      %add3A_864 = arith.addf %add3A_853, %mul3A_863 : vector<128x128xf32>
      %swap3A_865 = arith.constant 0 : index
      %swap3A_866 = arith.constant 1920 : index
      %swap3A_867 = vector.load %arg8[%swap3A_865, %swap3A_866] : memref<128x2048xf32, #tpu.memory_space<vmem>>, vector<128x128xf32>
      tpu.vector_store %arg8[%swap3A_865, %swap3A_866], %add3A_864 {strides = array<i32>} : memref<128x2048xf32, #tpu.memory_space<vmem>>, vector<128x128xf32>,
    } else {
    }
    %get3A = arith.constant 0 : index
    %get3A_2 = arith.constant 0 : index
    %get3A_3 = vector.load %arg3[%get3A, %get3A_2] : memref<1000x128xf32, #tpu.memory_space<vmem>>, vector<1000x128xf32>
    %get3A_4 = arith.constant 0 : index
    %get3A_5 = arith.constant 0 : index
    %get3A_6 = vector.load %arg8[%get3A_4, %get3A_5] : memref<128x2048xf32, #tpu.memory_space<vmem>>, vector<128x2048xf32>
    %dot_general3A = arith.constant dense<0.000000e+00> : vector<1000x2048xf32>
    %dot_general3A_7 = tpu.matmul %get3A_3, %get3A_6, %dot_general3A {dimension_numbers = #tpu.dot_dimension_numbers<[1], [0], [0], [1], [0, 0, 1, 1], [], []>, transpose_lhs_hint = false} : vector<1000x128xf32>, vector<128x2048xf32>, vector<1000x2048xf32> -> vector<1000x2048xf32>
    %slice3A = vector.extract_strided_slice %dot_general3A_7 {offsets = [0, 0], sizes = [1000, 128], strides = [1, 1]} : vector<1000x2048xf32> to vector<1000x128xf32>
    %swap3A = arith.constant 0 : index
    %swap3A_8 = arith.constant 0 : index
    %swap3A_9 = arith.constant 0 : index
    %swap3A_10 = vector.load %arg6[%swap3A, %swap3A_8, %swap3A_9] : memref<16x1000x128xf32, #tpu.memory_space<vmem>>, vector<1x1000x128xf32>
    %swap3A_11 = vector.shape_cast %swap3A_10 : vector<1x1000x128xf32> to vector<1000x128xf32>
    %swap3A_12 = vector.shape_cast %slice3A : vector<1000x128xf32> to vector<1x1000x128xf32>
    tpu.vector_store %arg6[%swap3A, %swap3A_8, %swap3A_9], %swap3A_12 {strides = array<i32>} : memref<16x1000x128xf32, #tpu.memory_space<vmem>>, vector<1x1000x128xf32>,
    %slice3A_13 = vector.extract_strided_slice %dot_general3A_7 {offsets = [0, 128], sizes = [1000, 128], strides = [1, 1]} : vector<1000x2048xf32> to vector<1000x128xf32>
    %swap3A_14 = arith.constant 1 : index
    %swap3A_15 = arith.constant 0 : index
    %swap3A_16 = arith.constant 0 : index
    %swap3A_17 = vector.load %arg6[%swap3A_14, %swap3A_15, %swap3A_16] : memref<16x1000x128xf32, #tpu.memory_space<vmem>>, vector<1x1000x128xf32>
    %swap3A_18 = vector.shape_cast %swap3A_17 : vector<1x1000x128xf32> to vector<1000x128xf32>
    %swap3A_19 = vector.shape_cast %slice3A_13 : vector<1000x128xf32> to vector<1x1000x128xf32>
    tpu.vector_store %arg6[%swap3A_14, %swap3A_15, %swap3A_16], %swap3A_19 {strides = array<i32>} : memref<16x1000x128xf32, #tpu.memory_space<vmem>>, vector<1x1000x128xf32>,
    %slice3A_20 = vector.extract_strided_slice %dot_general3A_7 {offsets = [0, 256], sizes = [1000, 128], strides = [1, 1]} : vector<1000x2048xf32> to vector<1000x128xf32>
    %swap3A_21 = arith.constant 2 : index
    %swap3A_22 = arith.constant 0 : index
    %swap3A_23 = arith.constant 0 : index
    %swap3A_24 = vector.load %arg6[%swap3A_21, %swap3A_22, %swap3A_23] : memref<16x1000x128xf32, #tpu.memory_space<vmem>>, vector<1x1000x128xf32>
    %swap3A_25 = vector.shape_cast %swap3A_24 : vector<1x1000x128xf32> to vector<1000x128xf32>
    %swap3A_26 = vector.shape_cast %slice3A_20 : vector<1000x128xf32> to vector<1x1000x128xf32>
    tpu.vector_store %arg6[%swap3A_21, %swap3A_22, %swap3A_23], %swap3A_26 {strides = array<i32>} : memref<16x1000x128xf32, #tpu.memory_space<vmem>>, vector<1x1000x128xf32>,
    %slice3A_27 = vector.extract_strided_slice %dot_general3A_7 {offsets = [0, 384], sizes = [1000, 128], strides = [1, 1]} : vector<1000x2048xf32> to vector<1000x128xf32>
    %swap3A_28 = arith.constant 3 : index
    %swap3A_29 = arith.constant 0 : index
    %swap3A_30 = arith.constant 0 : index
    %swap3A_31 = vector.load %arg6[%swap3A_28, %swap3A_29, %swap3A_30] : memref<16x1000x128xf32, #tpu.memory_space<vmem>>, vector<1x1000x128xf32>
    %swap3A_32 = vector.shape_cast %swap3A_31 : vector<1x1000x128xf32> to vector<1000x128xf32>
    %swap3A_33 = vector.shape_cast %slice3A_27 : vector<1000x128xf32> to vector<1x1000x128xf32>
    tpu.vector_store %arg6[%swap3A_28, %swap3A_29, %swap3A_30], %swap3A_33 {strides = array<i32>} : memref<16x1000x128xf32, #tpu.memory_space<vmem>>, vector<1x1000x128xf32>,
    %slice3A_34 = vector.extract_strided_slice %dot_general3A_7 {offsets = [0, 512], sizes = [1000, 128], strides = [1, 1]} : vector<1000x2048xf32> to vector<1000x128xf32>
    %swap3A_35 = arith.constant 4 : index
    %swap3A_36 = arith.constant 0 : index
    %swap3A_37 = arith.constant 0 : index
    %swap3A_38 = vector.load %arg6[%swap3A_35, %swap3A_36, %swap3A_37] : memref<16x1000x128xf32, #tpu.memory_space<vmem>>, vector<1x1000x128xf32>
    %swap3A_39 = vector.shape_cast %swap3A_38 : vector<1x1000x128xf32> to vector<1000x128xf32>
    %swap3A_40 = vector.shape_cast %slice3A_34 : vector<1000x128xf32> to vector<1x1000x128xf32>
    tpu.vector_store %arg6[%swap3A_35, %swap3A_36, %swap3A_37], %swap3A_40 {strides = array<i32>} : memref<16x1000x128xf32, #tpu.memory_space<vmem>>, vector<1x1000x128xf32>,
    %slice3A_41 = vector.extract_strided_slice %dot_general3A_7 {offsets = [0, 640], sizes = [1000, 128], strides = [1, 1]} : vector<1000x2048xf32> to vector<1000x128xf32>
    %swap3A_42 = arith.constant 5 : index
    %swap3A_43 = arith.constant 0 : index
    %swap3A_44 = arith.constant 0 : index
    %swap3A_45 = vector.load %arg6[%swap3A_42, %swap3A_43, %swap3A_44] : memref<16x1000x128xf32, #tpu.memory_space<vmem>>, vector<1x1000x128xf32>
    %swap3A_46 = vector.shape_cast %swap3A_45 : vector<1x1000x128xf32> to vector<1000x128xf32>
    %swap3A_47 = vector.shape_cast %slice3A_41 : vector<1000x128xf32> to vector<1x1000x128xf32>
    tpu.vector_store %arg6[%swap3A_42, %swap3A_43, %swap3A_44], %swap3A_47 {strides = array<i32>} : memref<16x1000x128xf32, #tpu.memory_space<vmem>>, vector<1x1000x128xf32>,
    %slice3A_48 = vector.extract_strided_slice %dot_general3A_7 {offsets = [0, 768], sizes = [1000, 128], strides = [1, 1]} : vector<1000x2048xf32> to vector<1000x128xf32>
    %swap3A_49 = arith.constant 6 : index
    %swap3A_50 = arith.constant 0 : index
    %swap3A_51 = arith.constant 0 : index
    %swap3A_52 = vector.load %arg6[%swap3A_49, %swap3A_50, %swap3A_51] : memref<16x1000x128xf32, #tpu.memory_space<vmem>>, vector<1x1000x128xf32>
    %swap3A_53 = vector.shape_cast %swap3A_52 : vector<1x1000x128xf32> to vector<1000x128xf32>
    %swap3A_54 = vector.shape_cast %slice3A_48 : vector<1000x128xf32> to vector<1x1000x128xf32>
    tpu.vector_store %arg6[%swap3A_49, %swap3A_50, %swap3A_51], %swap3A_54 {strides = array<i32>} : memref<16x1000x128xf32, #tpu.memory_space<vmem>>, vector<1x1000x128xf32>,
    %slice3A_55 = vector.extract_strided_slice %dot_general3A_7 {offsets = [0, 896], sizes = [1000, 128], strides = [1, 1]} : vector<1000x2048xf32> to vector<1000x128xf32>
    %swap3A_56 = arith.constant 7 : index
    %swap3A_57 = arith.constant 0 : index
    %swap3A_58 = arith.constant 0 : index
    %swap3A_59 = vector.load %arg6[%swap3A_56, %swap3A_57, %swap3A_58] : memref<16x1000x128xf32, #tpu.memory_space<vmem>>, vector<1x1000x128xf32>
    %swap3A_60 = vector.shape_cast %swap3A_59 : vector<1x1000x128xf32> to vector<1000x128xf32>
    %swap3A_61 = vector.shape_cast %slice3A_55 : vector<1000x128xf32> to vector<1x1000x128xf32>
    tpu.vector_store %arg6[%swap3A_56, %swap3A_57, %swap3A_58], %swap3A_61 {strides = array<i32>} : memref<16x1000x128xf32, #tpu.memory_space<vmem>>, vector<1x1000x128xf32>,
    %slice3A_62 = vector.extract_strided_slice %dot_general3A_7 {offsets = [0, 1024], sizes = [1000, 128], strides = [1, 1]} : vector<1000x2048xf32> to vector<1000x128xf32>
    %swap3A_63 = arith.constant 8 : index
    %swap3A_64 = arith.constant 0 : index
    %swap3A_65 = arith.constant 0 : index
    %swap3A_66 = vector.load %arg6[%swap3A_63, %swap3A_64, %swap3A_65] : memref<16x1000x128xf32, #tpu.memory_space<vmem>>, vector<1x1000x128xf32>
    %swap3A_67 = vector.shape_cast %swap3A_66 : vector<1x1000x128xf32> to vector<1000x128xf32>
    %swap3A_68 = vector.shape_cast %slice3A_62 : vector<1000x128xf32> to vector<1x1000x128xf32>
    tpu.vector_store %arg6[%swap3A_63, %swap3A_64, %swap3A_65], %swap3A_68 {strides = array<i32>} : memref<16x1000x128xf32, #tpu.memory_space<vmem>>, vector<1x1000x128xf32>,
    %slice3A_69 = vector.extract_strided_slice %dot_general3A_7 {offsets = [0, 1152], sizes = [1000, 128], strides = [1, 1]} : vector<1000x2048xf32> to vector<1000x128xf32>
    %swap3A_70 = arith.constant 9 : index
    %swap3A_71 = arith.constant 0 : index
    %swap3A_72 = arith.constant 0 : index
    %swap3A_73 = vector.load %arg6[%swap3A_70, %swap3A_71, %swap3A_72] : memref<16x1000x128xf32, #tpu.memory_space<vmem>>, vector<1x1000x128xf32>
    %swap3A_74 = vector.shape_cast %swap3A_73 : vector<1x1000x128xf32> to vector<1000x128xf32>
    %swap3A_75 = vector.shape_cast %slice3A_69 : vector<1000x128xf32> to vector<1x1000x128xf32>
    tpu.vector_store %arg6[%swap3A_70, %swap3A_71, %swap3A_72], %swap3A_75 {strides = array<i32>} : memref<16x1000x128xf32, #tpu.memory_space<vmem>>, vector<1x1000x128xf32>,
    %slice3A_76 = vector.extract_strided_slice %dot_general3A_7 {offsets = [0, 1280], sizes = [1000, 128], strides = [1, 1]} : vector<1000x2048xf32> to vector<1000x128xf32>
    %swap3A_77 = arith.constant 10 : index
    %swap3A_78 = arith.constant 0 : index
    %swap3A_79 = arith.constant 0 : index
    %swap3A_80 = vector.load %arg6[%swap3A_77, %swap3A_78, %swap3A_79] : memref<16x1000x128xf32, #tpu.memory_space<vmem>>, vector<1x1000x128xf32>
    %swap3A_81 = vector.shape_cast %swap3A_80 : vector<1x1000x128xf32> to vector<1000x128xf32>
    %swap3A_82 = vector.shape_cast %slice3A_76 : vector<1000x128xf32> to vector<1x1000x128xf32>
    tpu.vector_store %arg6[%swap3A_77, %swap3A_78, %swap3A_79], %swap3A_82 {strides = array<i32>} : memref<16x1000x128xf32, #tpu.memory_space<vmem>>, vector<1x1000x128xf32>,
    %slice3A_83 = vector.extract_strided_slice %dot_general3A_7 {offsets = [0, 1408], sizes = [1000, 128], strides = [1, 1]} : vector<1000x2048xf32> to vector<1000x128xf32>
    %swap3A_84 = arith.constant 11 : index
    %swap3A_85 = arith.constant 0 : index
    %swap3A_86 = arith.constant 0 : index
    %swap3A_87 = vector.load %arg6[%swap3A_84, %swap3A_85, %swap3A_86] : memref<16x1000x128xf32, #tpu.memory_space<vmem>>, vector<1x1000x128xf32>
    %swap3A_88 = vector.shape_cast %swap3A_87 : vector<1x1000x128xf32> to vector<1000x128xf32>
    %swap3A_89 = vector.shape_cast %slice3A_83 : vector<1000x128xf32> to vector<1x1000x128xf32>
    tpu.vector_store %arg6[%swap3A_84, %swap3A_85, %swap3A_86], %swap3A_89 {strides = array<i32>} : memref<16x1000x128xf32, #tpu.memory_space<vmem>>, vector<1x1000x128xf32>,
    %slice3A_90 = vector.extract_strided_slice %dot_general3A_7 {offsets = [0, 1536], sizes = [1000, 128], strides = [1, 1]} : vector<1000x2048xf32> to vector<1000x128xf32>
    %swap3A_91 = arith.constant 12 : index
    %swap3A_92 = arith.constant 0 : index
    %swap3A_93 = arith.constant 0 : index
    %swap3A_94 = vector.load %arg6[%swap3A_91, %swap3A_92, %swap3A_93] : memref<16x1000x128xf32, #tpu.memory_space<vmem>>, vector<1x1000x128xf32>
    %swap3A_95 = vector.shape_cast %swap3A_94 : vector<1x1000x128xf32> to vector<1000x128xf32>
    %swap3A_96 = vector.shape_cast %slice3A_90 : vector<1000x128xf32> to vector<1x1000x128xf32>
    tpu.vector_store %arg6[%swap3A_91, %swap3A_92, %swap3A_93], %swap3A_96 {strides = array<i32>} : memref<16x1000x128xf32, #tpu.memory_space<vmem>>, vector<1x1000x128xf32>,
    %slice3A_97 = vector.extract_strided_slice %dot_general3A_7 {offsets = [0, 1664], sizes = [1000, 128], strides = [1, 1]} : vector<1000x2048xf32> to vector<1000x128xf32>
    %swap3A_98 = arith.constant 13 : index
    %swap3A_99 = arith.constant 0 : index
    %swap3A_100 = arith.constant 0 : index
    %swap3A_101 = vector.load %arg6[%swap3A_98, %swap3A_99, %swap3A_100] : memref<16x1000x128xf32, #tpu.memory_space<vmem>>, vector<1x1000x128xf32>
    %swap3A_102 = vector.shape_cast %swap3A_101 : vector<1x1000x128xf32> to vector<1000x128xf32>
    %swap3A_103 = vector.shape_cast %slice3A_97 : vector<1000x128xf32> to vector<1x1000x128xf32>
    tpu.vector_store %arg6[%swap3A_98, %swap3A_99, %swap3A_100], %swap3A_103 {strides = array<i32>} : memref<16x1000x128xf32, #tpu.memory_space<vmem>>, vector<1x1000x128xf32>,
    %slice3A_104 = vector.extract_strided_slice %dot_general3A_7 {offsets = [0, 1792], sizes = [1000, 128], strides = [1, 1]} : vector<1000x2048xf32> to vector<1000x128xf32>
    %swap3A_105 = arith.constant 14 : index
    %swap3A_106 = arith.constant 0 : index
    %swap3A_107 = arith.constant 0 : index
    %swap3A_108 = vector.load %arg6[%swap3A_105, %swap3A_106, %swap3A_107] : memref<16x1000x128xf32, #tpu.memory_space<vmem>>, vector<1x1000x128xf32>
    %swap3A_109 = vector.shape_cast %swap3A_108 : vector<1x1000x128xf32> to vector<1000x128xf32>
    %swap3A_110 = vector.shape_cast %slice3A_104 : vector<1000x128xf32> to vector<1x1000x128xf32>
    tpu.vector_store %arg6[%swap3A_105, %swap3A_106, %swap3A_107], %swap3A_110 {strides = array<i32>} : memref<16x1000x128xf32, #tpu.memory_space<vmem>>, vector<1x1000x128xf32>,
    %slice3A_111 = vector.extract_strided_slice %dot_general3A_7 {offsets = [0, 1920], sizes = [1000, 128], strides = [1, 1]} : vector<1000x2048xf32> to vector<1000x128xf32>
    %swap3A_112 = arith.constant 15 : index
    %swap3A_113 = arith.constant 0 : index
    %swap3A_114 = arith.constant 0 : index
    %swap3A_115 = vector.load %arg6[%swap3A_112, %swap3A_113, %swap3A_114] : memref<16x1000x128xf32, #tpu.memory_space<vmem>>, vector<1x1000x128xf32>
    %swap3A_116 = vector.shape_cast %swap3A_115 : vector<1x1000x128xf32> to vector<1000x128xf32>
    %swap3A_117 = vector.shape_cast %slice3A_111 : vector<1000x128xf32> to vector<1x1000x128xf32>
    tpu.vector_store %arg6[%swap3A_112, %swap3A_113, %swap3A_114], %swap3A_117 {strides = array<i32>} : memref<16x1000x128xf32, #tpu.memory_space<vmem>>, vector<1x1000x128xf32>,
    %get3A_118 = arith.constant 0 : index
    %get3A_119 = arith.constant 0 : index
    %get3A_120 = vector.load %arg5[%get3A_118, %get3A_119] : memref<1x128xf32, #tpu.memory_space<vmem>>, vector<1x128xf32>
    %get3A_121 = arith.constant 0 : index
    %get3A_122 = arith.constant 0 : index
    %get3A_123 = vector.load %arg3[%get3A_121, %get3A_122] : memref<1000x128xf32, #tpu.memory_space<vmem>>, vector<1000x128xf32>
    %get3A_124 = arith.constant 0 : index
    %get3A_125 = arith.constant 0 : index
    %get3A_126 = vector.load %arg4[%get3A_124, %get3A_125] : memref<128x128xf32, #tpu.memory_space<vmem>>, vector<128x128xf32>
    %dot_general3A_127 = arith.constant dense<0.000000e+00> : vector<1000x128xf32>
    %dot_general3A_128 = tpu.matmul %get3A_123, %get3A_126, %dot_general3A_127 {dimension_numbers = #tpu.dot_dimension_numbers<[1], [0], [0], [1], [0, 0, 1, 1], [], []>, transpose_lhs_hint = false} : vector<1000x128xf32>, vector<128x128xf32>, vector<1000x128xf32> -> vector<1000x128xf32>
    %add3A = vector.broadcast %get3A_120 : vector<1x128xf32> to vector<1000x128xf32>
    %add3A_129 = arith.addf %add3A, %dot_general3A_128 : vector<1000x128xf32>
    %swap3A_130 = arith.constant 0 : index
    %swap3A_131 = arith.constant 0 : index
    %swap3A_132 = vector.load %arg7[%swap3A_130, %swap3A_131] : memref<1000x128xf32, #tpu.memory_space<vmem>>, vector<1000x128xf32>
    tpu.vector_store %arg7[%swap3A_130, %swap3A_131], %add3A_129 {strides = array<i32>} : memref<1000x128xf32, #tpu.memory_space<vmem>>, vector<1000x128xf32>,
    return
  }
  func.func @transform_0(%arg0: i32) -> (i32, i32) {
    %c0_i32 = arith.constant 0 : i32
    %c0_i32_0 = arith.constant 0 : i32
    %c0_i32_1 = arith.constant 0 : i32
    return %c0_i32, %c0_i32_0 : i32, i32
  }
  func.func @transform_1(%arg0: i32) -> (i32, i32, i32) {
    %c0_i32 = arith.constant 0 : i32
    %c0_i32_0 = arith.constant 0 : i32
    %c0_i32_1 = arith.constant 0 : i32
    %c0_i32_2 = arith.constant 0 : i32
    return %c0_i32, %c0_i32_0, %c0_i32_1 : i32, i32, i32
  }
  func.func @transform_2(%arg0: i32) -> (i32, i32) {
    %c0_i32 = arith.constant 0 : i32
    %c0_i32_0 = arith.constant 0 : i32
    return %arg0, %c0_i32 : i32, i32
  }
  func.func @transform_3(%arg0: i32) -> (i32, i32) {
    %c0_i32 = arith.constant 0 : i32
    %c0_i32_0 = arith.constant 0 : i32
    %c0_i32_1 = arith.constant 0 : i32
    return %c0_i32, %c0_i32_0 : i32, i32
  }
  func.func @transform_4(%arg0: i32) -> (i32, i32) {
    %c0_i32 = arith.constant 0 : i32
    %c0_i32_0 = arith.constant 0 : i32
    %c0_i32_1 = arith.constant 0 : i32
    return %c0_i32, %c0_i32_0 : i32, i32
  }
  func.func @transform_5(%arg0: i32) -> (i32, i32, i32) {
    %c0_i32 = arith.constant 0 : i32
    %c0_i32_0 = arith.constant 0 : i32
    %c0_i32_1 = arith.constant 0 : i32
    return %c0_i32, %arg0, %c0_i32_0 : i32, i32, i32
  }
  func.func @transform_6(%arg0: i32) -> (i32, i32) {
    %c0_i32 = arith.constant 0 : i32
    %c0_i32_0 = arith.constant 0 : i32
    return %arg0, %c0_i32 : i32, i32
  }
}

module attributes {stable_mosaic.version = 14 : i64} {
  func.func @_combine_body(%arg0: i32, %arg1: memref<1x2000x128xf32, #tpu.memory_space<vmem>>, %arg2: memref<1x2000x128xf32, #tpu.memory_space<vmem>>, %arg3: memref<2000x128xf32, #tpu.memory_space<vmem>>, %arg4: memref<2000x128xf32, #tpu.memory_space<vmem>>) attributes {dimension_semantics = [#tpu.dimension_semantics<arbitrary>], iteration_bounds = array<i64: 5>, scalar_prefetch = 0 : i64, scratch_operands = 0 : i64, tpu.core_type = #tpu.core_type<tc>, window_params = [{transform_indices = @transform_0, window_bounds = array<i64: 1, 2000, 128>}, {transform_indices = @transform_1, window_bounds = array<i64: 1, 2000, 128>}, {transform_indices = @transform_2, window_bounds = array<i64: 2000, 128>}, {transform_indices = @transform_3, window_bounds = array<i64: 2000, 128>}]} {
    %get3A = arith.constant 0 : index
    %get3A_0 = arith.constant 0 : index
    %get3A_1 = arith.constant 0 : index
    %get3A_2 = vector.load %arg1[%get3A, %get3A_0, %get3A_1] : memref<1x2000x128xf32, #tpu.memory_space<vmem>>, vector<1x2000x128xf32>
    %get3A_3 = vector.shape_cast %get3A_2 : vector<1x2000x128xf32> to vector<2000x128xf32>
    %get3A_4 = arith.constant 0 : index
    %get3A_5 = arith.constant 0 : index
    %get3A_6 = arith.constant 0 : index
    %get3A_7 = vector.load %arg2[%get3A_4, %get3A_5, %get3A_6] : memref<1x2000x128xf32, #tpu.memory_space<vmem>>, vector<1x2000x128xf32>
    %get3A_8 = vector.shape_cast %get3A_7 : vector<1x2000x128xf32> to vector<2000x128xf32>
    %add3A = arith.addf %get3A_3, %get3A_8 : vector<2000x128xf32>
    %get3A_9 = arith.constant 0 : index
    %get3A_10 = arith.constant 0 : index
    %get3A_11 = vector.load %arg3[%get3A_9, %get3A_10] : memref<2000x128xf32, #tpu.memory_space<vmem>>, vector<2000x128xf32>
    %add3A_12 = arith.addf %add3A, %get3A_11 : vector<2000x128xf32>
    %swap3A = arith.constant 0 : index
    %swap3A_13 = arith.constant 0 : index
    %swap3A_14 = vector.load %arg4[%swap3A, %swap3A_13] : memref<2000x128xf32, #tpu.memory_space<vmem>>, vector<2000x128xf32>
    tpu.vector_store %arg4[%swap3A, %swap3A_13], %add3A_12 {strides = array<i32>} : memref<2000x128xf32, #tpu.memory_space<vmem>>, vector<2000x128xf32>,
    return
  }
  func.func @transform_0(%arg0: i32) -> (i32, i32, i32) {
    %c0_i32 = arith.constant 0 : i32
    %c0_i32_0 = arith.constant 0 : i32
    %c0_i32_1 = arith.constant 0 : i32
    return %c0_i32, %arg0, %c0_i32_0 : i32, i32, i32
  }
  func.func @transform_1(%arg0: i32) -> (i32, i32, i32) {
    %c1_i32 = arith.constant 1 : i32
    %c0_i32 = arith.constant 0 : i32
    %c0_i32_0 = arith.constant 0 : i32
    return %c1_i32, %arg0, %c0_i32 : i32, i32, i32
  }
  func.func @transform_2(%arg0: i32) -> (i32, i32) {
    %c0_i32 = arith.constant 0 : i32
    %c0_i32_0 = arith.constant 0 : i32
    return %arg0, %c0_i32 : i32, i32
  }
  func.func @transform_3(%arg0: i32) -> (i32, i32) {
    %c0_i32 = arith.constant 0 : i32
    %c0_i32_0 = arith.constant 0 : i32
    return %arg0, %c0_i32 : i32, i32
  }
}

</mosaic_0001>

<sc_bundles>
// kernel: kernel.5.cloned.1.call-start
scs
__scs_entry_jumppad:
0x0: {  	(pc) =	sbr.rel $0x88, $3  }
0x1: {  	(tag) =	ssettag $0x0;
	lr =	simm.s32 $0x1  }
0x2: {  	[smem:$0x3F9A] =	sst lr;
	_ =	strace $0xD0000000  }
0x3: {  	_ = 	snop  }
0x4: {  	_ = 	snop  }
0x5: {  	_ = 	snop  }
0x6: {  	_ = 	snop  }
0x7: {  	_ = 	snop  }
__scs_overlays_trampoline_lowered:
0x8: {  	[smem:$0x3FA9] =	sst s0  }
0x9: {  	[smem:$0x3FAA] =	sst s1  }
0xa: {  	[smem:$0x3FAB] =	sst s2  }
0xb: {  	[smem:$0x3FAC] =	sst s3  }
0xc: {  	[smem:$0x3FAD] =	sst s4  }
0xd: {  	[smem:$0x3FAE] =	sst s5  }
0xe: {  	[smem:$0x3FAF] =	sst s6  }
0xf: {  	[smem:$0x3FB0] =	sst s7  }
0x10: {  	[smem:$0x3FB1] =	sst s8  }
0x11: {  	[smem:$0x3FB2] =	sst s9;
	s0 =	simm.s32 @!p0 $0x0  }
0x12: {  	s1 =	sld [smem:$0x3F98];
	s0 =	simm.s32 @p0 $0x1  }
0x13: {  	[smem:$0x3FB3] =	sst s0;
	s0 =	simm.s32 @!p1 $0x0  }
0x14: {  	s2 =	sld [smem:$0x3F97];
	s0 =	simm.s32 @p1 $0x1  }
0x15: {  	[smem:$0x3FB4] =	sst s0;
	s0 =	simm.s32 @!p2 $0x0  }
0x16: {  	s3 =	sld [smem:$0x3FDB];
	s0 =	simm.s32 @p2 $0x1  }
0x17: {  	s4 =	simm.s32 $0x1BF5;
	[smem:$0x3FB6] =	sst s0  }
0x18: {  	s0 =	sld [smem:$0x3F99];
	_ =	swait.ge [sflag:s4], $0x0  }
0x19: {  	s7 =	sld [smem:$0x3F9A]  }
0x1a: {  	s8 =	sadd.s32 $0xFFFFE003, lr  }
0x1b: {  	s9 =	sadd.s32 $0xFFFFFEF7, lr;
	s5 =	simm.s32 $0xFFFFFFFF;
	p2 =	slt.u32 s8, $0xFFFFF086  }
0x1c: {  	p1 =	slt.u32 s9, $0xF7A;
	s5 =	simm.s32 @!p2 $0x0  }
0x1d: {  	s5 =	simm.s32 @p1 $0x1;
	p0 =	seq.s32 s7, s2  }
0x1e: {  	s7 =	smul.u32 @!p0 $0xF7A, s2;
	p2 =	seq.s32 @!p0 s5, $0x0  }
0x1f: {  	s9 =	smul.u32 $0xF7A, s1;
	s8 =	simm.s32 @!p0 $0x1BF5;
	p2 =	por !p2, p0  }
0x20: {  	[sflag:s8] =	ssyncset.s32 @!p0 $0xFFFFF086;
	s6 =	sadd.s32 @!p0 s3, s7;
	s7 =	simm.s32 @!p0 $0x108  }
0x21: {  	s3 =	sadd.s32 s3, s9;
	s6 =	sadd.s32 @!p0 $0x88, s6;
	s7 =	simm.s32 @p2 $0x1082  }
0x22: {  	[simem:s7], [sflag:s8] =	dma.local @!p0 [hbm:s6], $0xF7A  }
0x23: {  	s9 =	sor.u32 $0xD0000000, s2;
	s6 =	simm.s32 $0x108;
	_ =	swait.ge @!p0 [sflag:s8], $0x0  }
0x24: {  	s3 =	sadd.s32 $0x88, s3;
	s6 =	simm.s32 @!p1 $0x1082;
	[sflag:s4] =	ssyncset.s32 $0xFFFFF086  }
0x25: {  	[simem:s6], [sflag:s4] =	dma.local [hbm:s3], $0xF7A  }
0x26: {  	[smem:$0x3F9A] =	sst s1;
	(tag) =	ssettag s2;
	_ =	strace s9  }
0x27: {  	s1 =	sld [smem:$0x3FAA]  }
0x28: {  	s2 =	sld [smem:$0x3FAB]  }
0x29: {  	s4 =	sld [smem:$0x3FAD]  }
0x2a: {  	p0 =	seq.s32 s5, $0x0;
	s5 =	sld [smem:$0x3FAE]  }
0x2b: {  	s6 =	sld [smem:$0x3FAF]  }
0x2c: {  	s7 =	sld [smem:$0x3FB0]  }
0x2d: {  	s3 =	simm.s32 $0x108;
	s8 =	sld [smem:$0x3FB1]  }
0x2e: {  	s3 =	simm.s32 @!p0 $0x1082;
	s9 =	sld [smem:$0x3FB2]  }
0x2f: {  	lr =	sadd.s32 s0, s3;
	s0 =	sld [smem:$0x3FA9]  }
0x30: {  	s3 =	sld [smem:$0x3FAC]  }
0x31: {  	[smem:$0x3FB5] =	sst s10  }
0x32: {  	s10 =	sld [smem:$0x3FB3];
	_ =	sdelay $0x3  }
0x33: {  	p0 =	seq.s32 s10, $0x1;
	s10 =	sld [smem:$0x3FB5];
	_ =	sdelay $0x3  }
0x34: {  	[smem:$0x3FB5] =	sst s10  }
0x35: {  	s10 =	sld [smem:$0x3FB4];
	_ =	sdelay $0x3  }
0x36: {  	p1 =	seq.s32 s10, $0x1;
	s10 =	sld [smem:$0x3FB5];
	_ =	sdelay $0x3  }
0x37: {  	[smem:$0x3FB5] =	sst s10  }
0x38: {  	s10 =	sld [smem:$0x3FB6]  }
0x39: {  	_ = 	snop;
	(pc) =	sbr.ind lr, $3  }
0x3a: {  	_ = 	snop  }
0x3b: {  	_ = 	snop  }
0x3c: {  	p2 =	seq.s32 s10, $0x1;
	s10 =	sld [smem:$0x3FB5]  }
0x3d: {  	_ =	shalt  }
0x3e: {  	_ =	shalt  }
0x3f: {  	_ =	shalt  }
0x40: {  	_ =	shalt  }
0x41: {  	_ =	shalt  }
0x42: {  	_ =	shalt  }
0x43: {  	_ =	shalt  }
0x44: {  	_ =	shalt  }
0x45: {  	_ =	shalt  }
0x46: {  	_ =	shalt  }
0x47: {  	_ =	shalt  }
0x48: {  	_ =	shalt  }
0x49: {  	_ =	shalt  }
0x4a: {  	_ =	shalt  }
0x4b: {  	_ =	shalt  }
0x4c: {  	_ =	shalt  }
0x4d: {  	_ =	shalt  }
0x4e: {  	_ =	shalt  }
0x4f: {  	_ =	shalt  }
0x50: {  	_ =	shalt  }
0x51: {  	_ =	shalt  }
0x52: {  	_ =	shalt  }
0x53: {  	_ =	shalt  }
0x54: {  	_ =	shalt  }
0x55: {  	_ =	shalt  }
0x56: {  	_ =	shalt  }
0x57: {  	_ =	shalt  }
0x58: {  	_ =	shalt  }
0x59: {  	_ =	shalt  }
0x5a: {  	_ =	shalt  }
0x5b: {  	_ =	shalt  }
0x5c: {  	_ =	shalt  }
0x5d: {  	_ =	shalt  }
0x5e: {  	_ =	shalt  }
0x5f: {  	_ =	shalt  }
0x60: {  	_ =	shalt  }
0x61: {  	_ =	shalt  }
0x62: {  	_ =	shalt  }
0x63: {  	_ =	shalt  }
0x64: {  	_ =	shalt  }
0x65: {  	_ =	shalt  }
0x66: {  	_ =	shalt  }
0x67: {  	_ =	shalt  }
0x68: {  	_ =	shalt  }
0x69: {  	_ =	shalt  }
0x6a: {  	_ =	shalt  }
0x6b: {  	_ =	shalt  }
0x6c: {  	_ =	shalt  }
0x6d: {  	_ =	shalt  }
0x6e: {  	_ =	shalt  }
0x6f: {  	_ =	shalt  }
0x70: {  	_ =	shalt  }
0x71: {  	_ =	shalt  }
0x72: {  	_ =	shalt  }
0x73: {  	_ =	shalt  }
0x74: {  	_ =	shalt  }
0x75: {  	_ =	shalt  }
0x76: {  	_ =	shalt  }
0x77: {  	_ =	shalt  }
0x78: {  	_ =	shalt  }
0x79: {  	_ =	shalt  }
0x7a: {  	_ =	shalt  }
0x7b: {  	_ =	shalt  }
0x7c: {  	_ =	shalt  }
0x7d: {  	_ =	shalt  }
0x7e: {  	_ =	shalt  }
0x7f: {  	_ =	shalt  }
0x80: {  	_ =	shalt  }
0x81: {  	_ =	shalt  }
0x82: {  	_ =	shalt  }
0x83: {  	_ =	shalt  }
0x84: {  	_ =	shalt  }
0x85: {  	_ =	shalt  }
0x86: {  	_ =	shalt  }
0x87: {  	_ =	shalt  }
.Lfunc_end0:
.L_simem_size_0:
called_computation_lowered:
.L_overlay_start_0:
0x88: {  	s2 =	sld [smem:$0x3FD9]  }
0x89: {  	s3 =	sld [smem:$0x3FFE];
	_ =	sdelay $0x1  }
0x8a: {  	s1 =	srdreg.scid  }
0x8b: {  	s0 =	sand.u32 $0x1, s1  }
0x8c: {  	s17 =	sshll.u32 s0, $0xA;
	s2 =	sadd.s32 s3, s2  }
0x8d: {  	s2 =	sadd.s32 s2, s17  }
0x8e: {  	[smem:$0x3FC1] =	sst s2  }
0x8f: {  	_ = 	snop  }
0x90: {  	s2 =	sld [smem:$0x3FD0];
	(tm) =	ssettm $0x1  }
0x91: {  	s18 =	sld [smem:$0x3FFB];
	_ =	sdelay $0x3  }
0x92: {  	_ =	strace s18  }
0x93: {  	s3 =	sld [smem:$0x3FFC];
	_ =	sdelay $0x3  }
0x94: {  	_ =	strace s3  }
0x95: {  	s3 =	sld [smem:$0x3FFD];
	_ =	sdelay $0x3  }
0x96: {  	_ =	strace s3  }
0x97: {  	_ =	strace $0x8FFFFFFF  }
0x98: {  	s19 =	sld [smem:$0x3FDB];
	_ =	sdelay $0x1  }
0x99: {  	s4 =	simm.s32 $_scs_section_size  }
0x9a: {  	s5 =	simm.s32 $_size__tile_overlayer_lowered;
	s6 =	simm.s32 $_tile_overlayer_lowered  }
0x9b: {  	s22 =	simm.s32 $0x1BFF;
	s21 =	sshll.u32 s6, $0x1;
	s3 =	sadd.s32 s4, s19  }
0x9c: {  	s7 =	simm.s32 $0x0;
	s20 =	sshll.u32 s5, $0x1;
	s5 =	sadd.s32 s21, s3  }
0x9d: {  	[timem:s7], [sflag:s22] =	dma.local [hbm:s5], s20  }
0x9e: {  	_ =	swait.ge [sflag:s22], s20  }
0x9f: {  	s4 =	ssub.s32 $0x0, s20;
	[sflag:s22] =	ssyncset.done $0x0  }
0xa0: {  	[sflag:s22] =	ssyncadd.s32 s4;
	_ =	sdelay $0x1  }
0xa1: {  	s23 =	simm.s32 $0x1B8B  }
0xa2: {  	_ =	swait.ge [sflag:s23], $0x1  }
0xa3: {  	[sflag:s23] =	ssyncset.done $0x0  }
0xa4: {  	s25 =	simm.s32 $0x1B8E;
	s24 =	sld [smem:$0x3FFE];
	[sflag:s23] =	ssyncadd.s32 $0xFFFFFFFF  }
0xa5: {  	s26 =	simm.s32 $execute0_lowered;
	[smem:$0x3FD2] =	sst s25  }
0xa6: {  	s5 =	sshll.u32 s26, $0x1;
	_ =	strace $0x80000046;
	[dreg:$0x1] =	wrdreg $0xFFFFFFFF  }
0xa7: {  	s28 =	simm.s32 $_size_execute0_lowered;
	s3 =	sadd.s32 s3, s5;
	[dreg:$0x0] =	wrdreg $0x0  }
0xa8: {  	s5 =	sshll.u32 s28, $0x1;
	[dreg:$0x2] =	wrdreg s3  }
0xa9: {  	[dreg:$0x3] =	wrdreg s5  }
0xaa: {  	[dreg:$0x4] =	wrdreg $0xC0  }
0xab: {  	_ =	task [dreg:s7], $0x5FFFF  }
0xac: {  	[dreg:$0x1] =	wrdreg $0xFFFFFFFF  }
0xad: {  	[dreg:$0x0] =	wrdreg $0x60  }
0xae: {  	[dreg:$0x2] =	wrdreg s24  }
0xaf: {  	[dreg:$0x3] =	wrdreg s2  }
0xb0: {  	[dreg:$0x4] =	wrdreg $0xC4000  }
0xb1: {  	[dreg:$0x5] =	wrdreg $0x9  }
0xb2: {  	_ =	task.clear_ibuf [dreg:s7], $0x6FFFF;
	_ =	strace $0x90000046  }
0xb3: {  	s29 =	simm.s32 $0x9;
	_ =	strace $0x80000048  }
0xb4: {  	_ =	swait.ge [sflag:s29], $0x1  }
0xb5: {  	[sflag:s29] =	ssyncadd.s32 $0xFFFFFFFF  }
0xb6: {  	_ =	strace $0x90000048  }
0xb7: {  	_ =	sfence  }
0xb8: {  	s30 =	sld [smem:$0x0];
	_ =	sdelay $0x2  }
0xb9: {  	s31 =	sshll.u32 s1, $0xD;
	s1 =	sshrl.u32 s1, $0x2  }
0xba: {  	s3 =	sand.u32 $0x4000, s31;
	s1 =	sadd.s32 s1, s30  }
0xbb: {  	s0 =	sor.u32 s3, s0;
	s1 =	sshll.u32 s1, $0x11  }
0xbc: {  	s0 =	sor.u32 s1, s0  }
0xbd: {  	s0 =	sadd.s32 $0x8F2B, s0  }
0xbe: {  	[sflag:s0] =	ssyncadd.remote.s32 $0x1  }
0xbf: {  	_ =	sfence.sel $0xFFFF  }
0xc0: {  	[dreg:$0x0] =	wrdreg $0xFFFFFFFF;
	(pc) =	sbr.abs _section_cstart, $3  }
0xc1: {  	[dreg:$0x1] =	wrdreg $0xFFFFFFFF  }
0xc2: {  	_ =	task.clear_ibuf [dreg:s7], $0x2FFFF;
	_ =	strace $0x9FFFFFFF  }
0xc3: {  	(tm) =	ssettm $0x7FFFFFFF  }
tec
execute0_lowered:
.L_overlay_start_1:
0x0: {  	(tag) =	ssettag $0x1  }
0x1: {  	s0 =	srdreg.scid  }
0x2: {  	s4 =	sand.u32 $0x1, s0  }
0x3: {  	s0 =	stileid.u32;
	s3 =	sshll.u32 s4, $0x4  }
0x4: {  	s1 =	rddreg [dreg:$0x0];
	s9 =	smul.u32 $0x7D000, s0;
	s5 =	sor.u32 s0, s3  }
0x5: {  	s6 =	rddreg [dreg:$0x1];
	s7 =	smul.u32 $0xA00, s5  }
0x6: {  	s2 =	rddreg [dreg:$0x2];
	s3 =	simm.s32 $0x0;
	s25 =	sshrl.u32 s9, $0x2  }
0x7: {  	s10 =	sadd.s32 s7, s1;
	s6 =	sadd.s32 s6, s7;
	s7 =	sadd.s32 s25, s2  }
0x8: {  	s8 =	ssub.s32 $0x2, s4;
	[smem:$0x7FF] =	sst s3;
	s26 =	sadd.s32 $0x1400, s7  }
0x9: {  	_ =	strace $0x80000047;
	s28 =	sadd.s32 $0x2800, s7;
	[dreg:$0x4] =	wrdreg s26  }
0xa: {  	s11 =	sshrl.u32 s8, $0x1;
	s29 =	sadd.s32 $0x3C00, s7;
	[dreg:$0x5] =	wrdreg s28  }
0xb: {  	s11 =	ssub.s32 s8, s11;
	s30 =	sadd.s32 $0x5000, s7;
	[dreg:$0x6] =	wrdreg s29  }
0xc: {  	s5 =	sadd.s32 $0x1800, s10;
	s31 =	sadd.s32 $0x6400, s7;
	[dreg:$0x7] =	wrdreg s30  }
0xd: {  	s8 =	sadd.s32 $0x15800, s10;
	s10 =	sadd.s32 $0x7800, s7;
	[dreg:$0x8] =	wrdreg s31  }
0xe: {  	s12 =	sadd.s32 $0x8C00, s7;
	[dreg:$0x9] =	wrdreg s10  }
0xf: {  	s13 =	sadd.s32 $0xA000, s7;
	[dreg:$0xa] =	wrdreg s12  }
0x10: {  	s14 =	sadd.s32 $0xB400, s7;
	[dreg:$0xb] =	wrdreg s13  }
0x11: {  	s15 =	sadd.s32 $0xC800, s7;
	[dreg:$0xc] =	wrdreg s14  }
0x12: {  	s16 =	sadd.s32 $0xDC00, s7;
	[dreg:$0xd] =	wrdreg s15  }
0x13: {  	s24 =	smul.u32 $0x27100, s4;
	s17 =	sadd.s32 $0xF000, s7;
	[dreg:$0xe] =	wrdreg s16  }
0x14: {  	s4 =	sadd.s32 $0x29800, s1;
	s18 =	sadd.s32 $0x10400, s7;
	[dreg:$0xf] =	wrdreg s17  }
0x15: {  	p0 =	sgt.u32 s0, $0x9;
	s19 =	sadd.s32 $0x11800, s7;
	[dreg:$0x10] =	wrdreg s18  }
0x16: {  	s9 =	smul.u32 $0x3E80, s0;
	s20 =	sadd.s32 $0x12C00, s7;
	[dreg:$0x11] =	wrdreg s19  }
0x17: {  	s1 =	sadd.s32 s24, s1;
	s21 =	sadd.s32 $0x14000, s7;
	[dreg:$0x12] =	wrdreg s20  }
0x18: {  	s25 =	smax.u32 s11, $0x1;
	s22 =	sadd.s32 $0x15400, s7;
	[dreg:$0x13] =	wrdreg s21  }
0x19: {  	s1 =	sadd.s32 $0x29A800, s1;
	s24 =	sadd.s32 $0x16800, s7;
	[dreg:$0x14] =	wrdreg s22  }
0x1a: {  	s11 =	sadd.s32 $0x1E000, s7;
	s23 =	sadd.s32 @!p0 s9, s1;
	[dreg:$0x15] =	wrdreg s24  }
0x1b: {  	s26 =	sadd.s32 $0x17C00, s7;
	s28 =	sadd.s32 $0x19000, s7;
	s29 =	sadd.s32 $0x1A400, s7  }
.Ltmp0:
0x1c: {  	s30 =	sadd.s32 $0x1B800, s7;
	[dreg:$0x16] =	wrdreg s26;
	(pc) =	sbr.rel .LBB2_1-.Ltmp0, $4  }
0x1d: {  	s31 =	sadd.s32 $0x1CC00, s7;
	s14 =	simm.s32 $0xB000;
	[dreg:$0x17] =	wrdreg s28  }
0x1e: {  	s15 =	simm.s32 $0x4;
	s16 =	simm.s32 $0x3;
	[dreg:$0x18] =	wrdreg s29  }
0x1f: {  	s17 =	simm.s32 $0x1;
	s18 =	simm.s32 $0x50;
	[dreg:$0x19] =	wrdreg s30  }
0x20: {  	v0 =	vimm.f32 $0.0e+00;
	s19 =	simm.s32 $0x6000;
	s20 =	simm.s32 $0x0;
	[dreg:$0x1a] =	wrdreg s31  }
.LBB2_15:
0x21: {  	s1 =	sshll.u32 @!p0 s0, $0x6;
	[bflag:$0x0] =	sbarrier.arrive $0xFFFF;
	s20 =	sadd.s32 $0x1, s20  }
0x22: {  	s9 =	sshrl.u32 @!p0 s7, $0x3;
	s1 =	sor.u32 @!p0 $0x1C04, s1;
	p1 =	sne.s32 s20, s25  }
0x23: {  	[hbm:s23], [sflag:s1] =	dma.local @!p0 [spmem:s9], $0x3E80  }
.Ltmp1:
0x24: {  	_ = 	snop;
	(pc) =	sbr.rel @!p1 .LBB2_16-.Ltmp1, $4  }
0x25: {  	s1 =	simm.s32 @!p0 $0x4  }
0x26: {  	_ =	swait.ge @!p0 [sflag:s1], $0x3E80  }
0x27: {  	[sflag:s1] =	ssyncset.done @!p0 $0x0  }
0x28: {  	[sflag:s1] =	ssyncadd.s32 @!p0 $0xFFFFC180  }
.LBB2_1:
0x29: {  	[tilespmem:s3], [sflag:$0x3] =	stream.linear.gather [hbm4b:s5+s3], $0xC80, $0x38;
	[tilespmem:$0x1FC80] =	vst v63  }
.Ltmp2:
0x2a: {  	_ = 	snop;
	(pc) =	sbr.rel @p0 .LBB2_5-.Ltmp2, $4  }
0x2b: {  	s1 =	simm.s32 $0x2000  }
0x2c: {  	[tilespmem:s1], [sflag:$0x3] =	stream.linear.gather [hbm4b:s6+s3], $0xC80, $0x38;
	[tilespmem:$0x1FC80] =	vst v63  }
0x2d: {  	s31 =	simm.s32 $0x4000  }
0x2e: {  	[tilespmem:s31], [sflag:$0x3] =	stream.linear.gather [hbm4b:s8+s3], $0xC80, $0x38;
	[tilespmem:$0x1FC80] =	vst v63  }
0x2f: {  	s12 =	sshra.s32 s3, $0x2;
	s13 =	sadd.s32 $0x200, s3  }
.LBB2_3:
0x30: {  	p1 =	sne.s32 s13, $0x4E00;
	[tilespmem:s12+$0xB070] =	vst v0  }
0x31: {  	[tilespmem:s12+$0xB000] =	vst v0  }
0x32: {  	[tilespmem:s12+$0xB010] =	vst v0  }
.Ltmp3:
0x33: {  	[tilespmem:s12+$0xB020] =	vst v0;
	(pc) =	sbr.rel @p1 .LBB2_3-.Ltmp3, $4  }
0x34: {  	[tilespmem:s12+$0xB030] =	vst v0  }
0x35: {  	[tilespmem:s12+$0xB040] =	vst v0  }
0x36: {  	[tilespmem:s12+$0xB050] =	vst v0  }
0x37: {  	[tilespmem:s12+$0xB060] =	vst v0;
	s12 =	sshra.s32 s13, $0x2;
	s13 =	sadd.s32 $0x200, s13  }
0x38: {  	[tilespmem:s12+$0xB070] =	vst v0  }
0x39: {  	[tilespmem:s12+$0xB000] =	vst v0  }
0x3a: {  	[tilespmem:s12+$0xB010] =	vst v0  }
0x3b: {  	[tilespmem:s12+$0xB020] =	vst v0  }
0x3c: {  	[tilespmem:s12+$0xB030] =	vst v0  }
0x3d: {  	[tilespmem:s12+$0xB040] =	vst v0  }
0x3e: {  	[tilespmem:s12+$0xB050] =	vst v0  }
0x3f: {  	[tilespmem:s12+$0xB060] =	vst v0  }
0x40: {  	[spmem:s7] =	stream.linear.scatter [tilespmem:s14], [sflag:$0x4], $0x1400, $0x38;
	[tilespmem:$0x1FC80] =	vst v63  }
0x41: {  	_ =	swait.ge [sflag:s15], $0x1400  }
0x42: {  	[sflag:s15] =	ssyncset.done $0x0  }
0x43: {  	s1 =	rddreg [dreg:$0x4];
	[sflag:s15] =	ssyncadd.s32 $0xFFFFEC00  }
0x44: {  	[spmem:s1] =	stream.linear.scatter [tilespmem:s14], [sflag:$0x4], $0x1400, $0x38;
	[tilespmem:$0x1FC80] =	vst v63  }
0x45: {  	_ =	swait.ge [sflag:s15], $0x1400  }
0x46: {  	[sflag:s15] =	ssyncset.done $0x0  }
0x47: {  	s12 =	rddreg [dreg:$0x5];
	[sflag:s15] =	ssyncadd.s32 $0xFFFFEC00  }
0x48: {  	[spmem:s12] =	stream.linear.scatter [tilespmem:s14], [sflag:$0x4], $0x1400, $0x38;
	[tilespmem:$0x1FC80] =	vst v63  }
0x49: {  	_ =	swait.ge [sflag:s15], $0x1400  }
0x4a: {  	[sflag:s15] =	ssyncset.done $0x0  }
0x4b: {  	s13 =	rddreg [dreg:$0x6];
	[sflag:s15] =	ssyncadd.s32 $0xFFFFEC00  }
0x4c: {  	[spmem:s13] =	stream.linear.scatter [tilespmem:s14], [sflag:$0x4], $0x1400, $0x38;
	[tilespmem:$0x1FC80] =	vst v63  }
0x4d: {  	_ =	swait.ge [sflag:s15], $0x1400  }
0x4e: {  	[sflag:s15] =	ssyncset.done $0x0  }
0x4f: {  	s21 =	rddreg [dreg:$0x7];
	[sflag:s15] =	ssyncadd.s32 $0xFFFFEC00  }
0x50: {  	[spmem:s21] =	stream.linear.scatter [tilespmem:s14], [sflag:$0x4], $0x1400, $0x38;
	[tilespmem:$0x1FC80] =	vst v63  }
0x51: {  	_ =	swait.ge [sflag:s15], $0x1400  }
0x52: {  	[sflag:s15] =	ssyncset.done $0x0  }
0x53: {  	s22 =	rddreg [dreg:$0x8];
	[sflag:s15] =	ssyncadd.s32 $0xFFFFEC00  }
0x54: {  	[spmem:s22] =	stream.linear.scatter [tilespmem:s14], [sflag:$0x4], $0x1400, $0x38;
	[tilespmem:$0x1FC80] =	vst v63  }
0x55: {  	_ =	swait.ge [sflag:s15], $0x1400  }
0x56: {  	[sflag:s15] =	ssyncset.done $0x0  }
0x57: {  	s24 =	rddreg [dreg:$0x9];
	[sflag:s15] =	ssyncadd.s32 $0xFFFFEC00  }
0x58: {  	[spmem:s24] =	stream.linear.scatter [tilespmem:s14], [sflag:$0x4], $0x1400, $0x38;
	[tilespmem:$0x1FC80] =	vst v63  }
0x59: {  	_ =	swait.ge [sflag:s15], $0x1400  }
0x5a: {  	[sflag:s15] =	ssyncset.done $0x0  }
0x5b: {  	s26 =	rddreg [dreg:$0xa];
	[sflag:s15] =	ssyncadd.s32 $0xFFFFEC00  }
0x5c: {  	[spmem:s26] =	stream.linear.scatter [tilespmem:s14], [sflag:$0x4], $0x1400, $0x38;
	[tilespmem:$0x1FC80] =	vst v63  }
0x5d: {  	_ =	swait.ge [sflag:s15], $0x1400  }
0x5e: {  	[sflag:s15] =	ssyncset.done $0x0  }
0x5f: {  	s28 =	rddreg [dreg:$0xb];
	[sflag:s15] =	ssyncadd.s32 $0xFFFFEC00  }
0x60: {  	[spmem:s28] =	stream.linear.scatter [tilespmem:s14], [sflag:$0x4], $0x1400, $0x38;
	[tilespmem:$0x1FC80] =	vst v63  }
0x61: {  	_ =	swait.ge [sflag:s15], $0x1400  }
0x62: {  	[sflag:s15] =	ssyncset.done $0x0  }
0x63: {  	s29 =	rddreg [dreg:$0xc];
	[sflag:s15] =	ssyncadd.s32 $0xFFFFEC00  }
0x64: {  	[spmem:s29] =	stream.linear.scatter [tilespmem:s14], [sflag:$0x4], $0x1400, $0x38;
	[tilespmem:$0x1FC80] =	vst v63  }
0x65: {  	_ =	swait.ge [sflag:s15], $0x1400  }
0x66: {  	[sflag:s15] =	ssyncset.done $0x0  }
0x67: {  	s30 =	rddreg [dreg:$0xd];
	[sflag:s15] =	ssyncadd.s32 $0xFFFFEC00  }
0x68: {  	[spmem:s30] =	stream.linear.scatter [tilespmem:s14], [sflag:$0x4], $0x1400, $0x38;
	[tilespmem:$0x1FC80] =	vst v63  }
0x69: {  	_ =	swait.ge [sflag:s15], $0x1400  }
0x6a: {  	[sflag:s15] =	ssyncset.done $0x0  }
0x6b: {  	s31 =	rddreg [dreg:$0xe];
	[sflag:s15] =	ssyncadd.s32 $0xFFFFEC00  }
0x6c: {  	[spmem:s31] =	stream.linear.scatter [tilespmem:s14], [sflag:$0x4], $0x1400, $0x38;
	[tilespmem:$0x1FC80] =	vst v63  }
0x6d: {  	_ =	swait.ge [sflag:s15], $0x1400  }
0x6e: {  	[sflag:s15] =	ssyncset.done $0x0  }
0x6f: {  	s9 =	rddreg [dreg:$0xf];
	[sflag:s15] =	ssyncadd.s32 $0xFFFFEC00  }
0x70: {  	[spmem:s9] =	stream.linear.scatter [tilespmem:s14], [sflag:$0x4], $0x1400, $0x38;
	[tilespmem:$0x1FC80] =	vst v63  }
0x71: {  	_ =	swait.ge [sflag:s15], $0x1400  }
0x72: {  	[sflag:s15] =	ssyncset.done $0x0  }
0x73: {  	s10 =	rddreg [dreg:$0x10];
	[sflag:s15] =	ssyncadd.s32 $0xFFFFEC00  }
0x74: {  	[spmem:s10] =	stream.linear.scatter [tilespmem:s14], [sflag:$0x4], $0x1400, $0x38;
	[tilespmem:$0x1FC80] =	vst v63  }
0x75: {  	_ =	swait.ge [sflag:s15], $0x1400  }
0x76: {  	[sflag:s15] =	ssyncset.done $0x0  }
0x77: {  	s12 =	rddreg [dreg:$0x11];
	[sflag:s15] =	ssyncadd.s32 $0xFFFFEC00  }
0x78: {  	[spmem:s12] =	stream.linear.scatter [tilespmem:s14], [sflag:$0x4], $0x1400, $0x38;
	[tilespmem:$0x1FC80] =	vst v63  }
0x79: {  	_ =	swait.ge [sflag:s15], $0x1400  }
0x7a: {  	[sflag:s15] =	ssyncset.done $0x0  }
0x7b: {  	s13 =	rddreg [dreg:$0x12];
	[sflag:s15] =	ssyncadd.s32 $0xFFFFEC00  }
0x7c: {  	[spmem:s13] =	stream.linear.scatter [tilespmem:s14], [sflag:$0x4], $0x1400, $0x38;
	[tilespmem:$0x1FC80] =	vst v63  }
0x7d: {  	_ =	swait.ge [sflag:s15], $0x1400  }
0x7e: {  	[sflag:s15] =	ssyncset.done $0x0  }
0x7f: {  	s21 =	rddreg [dreg:$0x13];
	[sflag:s15] =	ssyncadd.s32 $0xFFFFEC00  }
0x80: {  	[spmem:s21] =	stream.linear.scatter [tilespmem:s14], [sflag:$0x4], $0x1400, $0x38;
	[tilespmem:$0x1FC80] =	vst v63  }
0x81: {  	_ =	swait.ge [sflag:s15], $0x1400  }
0x82: {  	[sflag:s15] =	ssyncset.done $0x0  }
0x83: {  	s22 =	rddreg [dreg:$0x14];
	[sflag:s15] =	ssyncadd.s32 $0xFFFFEC00  }
0x84: {  	[spmem:s22] =	stream.linear.scatter [tilespmem:s14], [sflag:$0x4], $0x1400, $0x38;
	[tilespmem:$0x1FC80] =	vst v63  }
0x85: {  	_ =	swait.ge [sflag:s15], $0x1400  }
0x86: {  	[sflag:s15] =	ssyncset.done $0x0  }
0x87: {  	s24 =	rddreg [dreg:$0x15];
	[sflag:s15] =	ssyncadd.s32 $0xFFFFEC00  }
0x88: {  	[spmem:s24] =	stream.linear.scatter [tilespmem:s14], [sflag:$0x4], $0x1400, $0x38;
	[tilespmem:$0x1FC80] =	vst v63  }
0x89: {  	_ =	swait.ge [sflag:s15], $0x1400  }
0x8a: {  	[sflag:s15] =	ssyncset.done $0x0  }
0x8b: {  	s26 =	rddreg [dreg:$0x16];
	[sflag:s15] =	ssyncadd.s32 $0xFFFFEC00  }
0x8c: {  	[spmem:s26] =	stream.linear.scatter [tilespmem:s14], [sflag:$0x4], $0x1400, $0x38;
	[tilespmem:$0x1FC80] =	vst v63  }
0x8d: {  	_ =	swait.ge [sflag:s15], $0x1400  }
0x8e: {  	[sflag:s15] =	ssyncset.done $0x0  }
0x8f: {  	s28 =	rddreg [dreg:$0x17];
	[sflag:s15] =	ssyncadd.s32 $0xFFFFEC00  }
0x90: {  	[spmem:s28] =	stream.linear.scatter [tilespmem:s14], [sflag:$0x4], $0x1400, $0x38;
	[tilespmem:$0x1FC80] =	vst v63  }
0x91: {  	_ =	swait.ge [sflag:s15], $0x1400  }
0x92: {  	[sflag:s15] =	ssyncset.done $0x0  }
0x93: {  	s29 =	rddreg [dreg:$0x18];
	[sflag:s15] =	ssyncadd.s32 $0xFFFFEC00  }
0x94: {  	[spmem:s29] =	stream.linear.scatter [tilespmem:s14], [sflag:$0x4], $0x1400, $0x38;
	[tilespmem:$0x1FC80] =	vst v63  }
0x95: {  	_ =	swait.ge [sflag:s15], $0x1400  }
0x96: {  	[sflag:s15] =	ssyncset.done $0x0  }
0x97: {  	s30 =	rddreg [dreg:$0x19];
	[sflag:s15] =	ssyncadd.s32 $0xFFFFEC00  }
0x98: {  	[spmem:s30] =	stream.linear.scatter [tilespmem:s14], [sflag:$0x4], $0x1400, $0x38;
	[tilespmem:$0x1FC80] =	vst v63  }
0x99: {  	_ =	swait.ge [sflag:s15], $0x1400  }
0x9a: {  	[sflag:s15] =	ssyncset.done $0x0  }
0x9b: {  	s31 =	rddreg [dreg:$0x1a];
	[sflag:s15] =	ssyncadd.s32 $0xFFFFEC00  }
0x9c: {  	[spmem:s31] =	stream.linear.scatter [tilespmem:s14], [sflag:$0x4], $0x1400, $0x38;
	[tilespmem:$0x1FC80] =	vst v63  }
0x9d: {  	_ =	swait.ge [sflag:s15], $0x1400  }
0x9e: {  	[sflag:s15] =	ssyncset.done $0x0  }
0x9f: {  	[sflag:s15] =	ssyncadd.s32 $0xFFFFEC00  }
0xa0: {  	[spmem:s11] =	stream.linear.scatter [tilespmem:s14], [sflag:$0x4], $0x1400, $0x38;
	[tilespmem:$0x1FC80] =	vst v63  }
0xa1: {  	_ =	swait.ge [sflag:s15], $0x1400  }
0xa2: {  	[sflag:s15] =	ssyncset.done $0x0  }
0xa3: {  	[sflag:s15] =	ssyncadd.s32 $0xFFFFEC00  }
.LBB2_5:
0xa4: {  	_ =	swait.ge [sflag:s16], $0xC80  }
0xa5: {  	[sflag:s16] =	ssyncset.done $0x0  }
0xa6: {  	[sflag:s16] =	ssyncadd.s32 $0xFFFFF380  }
0xa7: {  	_ =	swait.ge [sflag:s16], $0xC80  }
0xa8: {  	[sflag:s16] =	ssyncset.done $0x0  }
0xa9: {  	[sflag:s16] =	ssyncadd.s32 $0xFFFFF380  }
0xaa: {  	_ =	swait.ge [sflag:s16], $0xC80  }
0xab: {  	[sflag:s16] =	ssyncset.done $0x0  }
0xac: {  	s12 =	simm.s32 $0x0;
	[sflag:s16] =	ssyncadd.s32 $0xFFFFF380  }
0xad: {  	v5 =	vld [tilespmem:s12+$0x2000]  }
0xae: {  	v4 =	vld [tilespmem:s12+$0x2010]  }
0xaf: {  	v3 =	vld [tilespmem:s12+$0x2020]  }
0xb0: {  	v2 =	vld [tilespmem:s12+$0x2030]  }
0xb1: {  	v1 =	vld [tilespmem:s12+$0x2040]  }
0xb2: {  	v7 =	vld [tilespmem:s12+$0x0]  }
0xb3: {  	s13 =	simm.s32 $0x200;
	v6 =	vld [tilespmem:s12+$0x10]  }
.LBB2_6:
0xb4: {  	p1 =	sne.s32 s13, $0x3000;
	v8 =	vld [tilespmem:s12+$0x20]  }
0xb5: {  	v9 =	vmul.u32 $0x2710, v5;
	v10 =	vld [tilespmem:s12+$0x30]  }
0xb6: {  	s21 =	sshra.s32 s13, $0x2;
	v11 =	vmul.u32 $0x2710, v4;
	v12 =	vld [tilespmem:s12+$0x40]  }
0xb7: {  	v5 =	vld [tilespmem:s21+$0x2000];
	v7 =	vadd.s32 v7, v9;
	v9 =	vmul.u32 $0x2710, v3  }
0xb8: {  	v4 =	vld [tilespmem:s21+$0x2010];
	[tilespmem:s12+$0x0] =	vst v7;
	v6 =	vadd.s32 v6, v11;
	v7 =	vmul.u32 $0x2710, v2  }
.Ltmp4:
0xb9: {  	v3 =	vld [tilespmem:s21+$0x2020];
	[tilespmem:s12+$0x10] =	vst v6;
	v6 =	vadd.s32 v8, v9;
	v8 =	vmul.u32 $0x2710, v1;
	(pc) =	sbr.rel @p1 .LBB2_6-.Ltmp4, $4  }
0xba: {  	v2 =	vld [tilespmem:s21+$0x2030];
	[tilespmem:s12+$0x20] =	vst v6;
	v6 =	vadd.s32 v10, v7  }
0xbb: {  	v1 =	vld [tilespmem:s21+$0x2040];
	[tilespmem:s12+$0x30] =	vst v6;
	v6 =	vadd.s32 v12, v8  }
0xbc: {  	v7 =	vld [tilespmem:s21+$0x0];
	[tilespmem:s12+$0x40] =	vst v6;
	s12 =	smov.u32 s21  }
0xbd: {  	s13 =	sadd.s32 $0x200, s13;
	v6 =	vld [tilespmem:s12+$0x10]  }
0xbe: {  	v8 =	vld [tilespmem:s12+$0x20]  }
0xbf: {  	v5 =	vmul.u32 $0x2710, v5;
	v9 =	vld [tilespmem:s12+$0x30]  }
0xc0: {  	v4 =	vmul.u32 $0x2710, v4;
	v10 =	vld [tilespmem:s12+$0x40]  }
0xc1: {  	v3 =	vmul.u32 $0x2710, v3;
	v5 =	vadd.s32 v7, v5  }
0xc2: {  	v2 =	vmul.u32 $0x2710, v2;
	[tilespmem:s12+$0x0] =	vst v5;
	v4 =	vadd.s32 v6, v4  }
0xc3: {  	v1 =	vmul.u32 $0x2710, v1;
	[tilespmem:s12+$0x10] =	vst v4;
	v3 =	vadd.s32 v8, v3  }
0xc4: {  	v2 =	vadd.s32 v9, v2;
	[tilespmem:s12+$0x20] =	vst v3  }
0xc5: {  	v1 =	vadd.s32 v10, v1;
	[tilespmem:s12+$0x30] =	vst v2  }
0xc6: {  	s21 =	simm.s32 $0x0;
	[tilespmem:s12+$0x40] =	vst v1  }
0xc7: {  	p1 =	por $0x0, $0x0;
	p2 =	por $0x1, $0x1;
	[bflag:$0x0] =	sbarrier.arrive $0xFFFF  }
.LBB2_9:
0xc8: {  	s12 =	smov.u32 s21;
	s21 =	sadd.s32 $0x1, s21;
	s9 =	simm.s32 $0x1  }
0xc9: {  	s30 =	simm.s32 $0x3;
	p3 =	seq.s32 s12, $0x4;
	s13 =	sand.u32 $0x1, s21  }
0xca: {  	s12 =	sshll.u32 s12, $0xC;
	s10 =	sand.u32 $0x1, s9;
	s22 =	sshll.u32 @!p3 s21, $0x9  }
0xcb: {  	s13 =	sshll.u32 @!p3 s13, $0xC;
	s26 =	simm.s32 @!p3 $0x0;
	s24 =	sadd.s32 @!p3 s5, s22  }
0xcc: {  	[tilespmem:s13], [sflag:$0x3] =	stream.linear.gather @!p3 [hbm4b:s24+s26], $0xC80, $0x38;
	[tilespmem:$0x1FC80] =	vst v63  }
0xcd: {  	s9 =	smul.u32 $0xA000, s10;
	s28 =	sor.u32 @!p3 $0x2000, s13;
	s29 =	sadd.s32 @!p3 s6, s22  }
0xce: {  	[tilespmem:s28], [sflag:$0x3] =	stream.linear.gather @!p3 [hbm4b:s29+s26], $0xC80, $0x38;
	[tilespmem:$0x1FC80] =	vst v63  }
0xcf: {  	s22 =	sadd.s32 @!p3 s8, s22;
	s24 =	simm.s32 $0x1;
	s28 =	simm.s32 $0x0  }
0xd0: {  	s13 =	sor.u32 @!p3 $0x4000, s13;
	s24 =	simm.s32 @!p2 $0x0;
	s28 =	sand.u32 $0x1, s28  }
0xd1: {  	[tilespmem:s13], [sflag:$0x3] =	stream.linear.gather @!p3 [hbm4b:s22+s26], $0xC80, $0x38;
	[tilespmem:$0x1FC80] =	vst v63  }
0xd2: {  	s22 =	sshll.u32 s24, $0xC;
	s24 =	simm.s32 $0x1;
	s13 =	sand.u32 $0x1000, s12  }
0xd3: {  	s12 =	sshrl.u32 s9, $0x2;
	s29 =	smul.u32 $0xA000, s28;
	s24 =	simm.s32 @!p1 $0x0  }
0xd4: {  	[tilespmem:s19], [sflag:$0x1] =	stream.indirect.gather [hbm4b:s4+s18], $0x80, s13, s18, $0xb8;
	[tilespmem:$0x1FC80] =	vst v63  }
0xd5: {  	s26 =	sadd.s32 $0x1, s10;
	s28 =	sadd.s32 $0x1, s28;
	s24 =	sshll.u32 s24, $0xC  }
0xd6: {  	s12 =	sadd.s32 $0x6000, s12;
	s10 =	sshrl.u32 s29, $0x2;
	s1 =	sor.u32 $0x80, s24  }
0xd7: {  	[tilespmem:s12], [sflag:s26] =	stream.indirect.gather [hbm4b:s4+s18], $0x80, s1, s18, $0xb8;
	[tilespmem:$0x1FC80] =	vst v63  }
0xd8: {  	s29 =	simm.s32 $0x2;
	s24 =	sor.u32 $0x4000, s24;
	_ =	swait.ge [sflag:s28], $0x2800  }
0xd9: {  	s12 =	sor.u32 $0x20, s22;
	s26 =	sadd.s32 $0x6000, s10;
	[sflag:s28] =	ssyncset.done $0x0  }
0xda: {  	s22 =	sor.u32 $0x2040, s22;
	[sflag:s28] =	ssyncadd.s32 $0xFFFFD800;
	s28 =	sand.u32 $0x1, s29  }
0xdb: {  	[spmem:s2] =	stream.indirect.scatter.add.f32 [tilespmem:s26], [sflag:$0x4], $0x80, s24, s18, $0xb8;
	[tilespmem:$0x1FC80] =	vst v63  }
0xdc: {  	s31 =	smul.u32 $0xA000, s28;
	s26 =	sadd.s32 $0x80, s1;
	_ =	swait.ge [sflag:s15], $0x2800  }
.LBB2_10:
0xdd: {  	[sflag:s15] =	ssyncset.done $0x0  }
0xde: {  	s24 =	sadd.s32 $0x80, s24;
	s1 =	smov.u32 s30;
	s9 =	sadd.s32 $0x1, s30  }
0xdf: {  	s29 =	sadd.s32 $0xFFFFFFFF, s29;
	s31 =	sshrl.u32 s31, $0x2;
	[sflag:s15] =	ssyncadd.s32 $0xFFFFD800  }
0xe0: {  	s28 =	sadd.s32 $0x1, s28;
	s29 =	sand.u32 $0x1, s29;
	s31 =	sadd.s32 $0x6000, s31  }
0xe1: {  	p4 =	sne.s32 s30, $0x18;
	s30 =	smul.u32 $0xA000, s29;
	s10 =	sadd.s32 $0x1, s29  }
0xe2: {  	[tilespmem:s31], [sflag:s28] =	stream.indirect.gather [hbm4b:s4+s18], $0x80, s26, s18, $0xb8;
	[tilespmem:$0x1FC80] =	vst v63  }
.Ltmp5:
0xe3: {  	s28 =	sshrl.u32 s30, $0x2;
	_ =	swait.ge [sflag:s10], $0x2800;
	(pc) =	sbr.rel @p4 .LBB2_10-.Ltmp5, $4  }
0xe4: {  	s29 =	smov.u32 s1;
	s30 =	sadd.s32 $0x6000, s28;
	[sflag:s10] =	ssyncset.done $0x0  }
0xe5: {  	s26 =	sadd.s32 $0x80, s26;
	s28 =	sand.u32 $0x1, s29;
	[sflag:s10] =	ssyncadd.s32 $0xFFFFD800  }
0xe6: {  	[spmem:s2] =	stream.indirect.scatter.add.f32 [tilespmem:s30], [sflag:$0x4], $0x80, s24, s18, $0xb8;
	[tilespmem:$0x1FC80] =	vst v63  }
0xe7: {  	s31 =	smul.u32 $0xA000, s28;
	s30 =	smov.u32 s9;
	_ =	swait.ge [sflag:s15], $0x2800  }
0xe8: {  	[sflag:s15] =	ssyncset.done $0x0;
	s1 =	sadd.s32 $0xFFFFFFFF, s29;
	s10 =	sadd.s32 $0x1, s28  }
0xe9: {  	s9 =	sshrl.u32 s31, $0x2;
	[sflag:s15] =	ssyncadd.s32 $0xFFFFD800;
	s1 =	sand.u32 $0x1, s1  }
0xea: {  	s9 =	sadd.s32 $0x6000, s9;
	s31 =	smul.u32 $0xA000, s1;
	s1 =	sadd.s32 $0x1, s1  }
0xeb: {  	[tilespmem:s9], [sflag:s10] =	stream.indirect.gather [hbm4b:s4+s18], $0x80, s26, s18, $0xb8;
	[tilespmem:$0x1FC80] =	vst v63  }
0xec: {  	_ =	swait.ge [sflag:s1], $0x2800  }
0xed: {  	s29 =	sshrl.u32 s31, $0x2;
	[sflag:s1] =	ssyncset.done $0x0  }
0xee: {  	s30 =	sadd.s32 $0x80, s24;
	s9 =	sadd.s32 $0x6000, s29;
	[sflag:s1] =	ssyncadd.s32 $0xFFFFD800  }
0xef: {  	[spmem:s2] =	stream.indirect.scatter.add.f32 [tilespmem:s9], [sflag:$0x4], $0x80, s30, s18, $0xb8;
	[tilespmem:$0x1FC80] =	vst v63  }
0xf0: {  	_ =	swait.ge [sflag:s15], $0x2800  }
0xf1: {  	[sflag:s15] =	ssyncset.done $0x0  }
0xf2: {  	[sflag:s15] =	ssyncadd.s32 $0xFFFFD800  }
0xf3: {  	_ =	swait.ge [sflag:s17], $0x2800  }
0xf4: {  	[sflag:s17] =	ssyncset.done $0x0  }
.Ltmp6:
0xf5: {  	s31 =	sadd.s32 $0x4C00, s13;
	[sflag:s17] =	ssyncadd.s32 $0xFFFFD800;
	(pc) =	sbr.rel @p3 .LBB2_15-.Ltmp6, $4  }
0xf6: {  	[spmem:s2] =	stream.indirect.scatter.add.f32 [tilespmem:s19], [sflag:$0x4], $0x80, s31, s18, $0xb8;
	[tilespmem:$0x1FC80] =	vst v63  }
0xf7: {  	_ =	swait.ge [sflag:s15], $0x2800  }
0xf8: {  	[sflag:s15] =	ssyncset.done $0x0  }
0xf9: {  	[sflag:s15] =	ssyncadd.s32 $0xFFFFD800  }
0xfa: {  	_ =	swait.ge [sflag:s16], $0xC80  }
0xfb: {  	[sflag:s16] =	ssyncset.done $0x0  }
0xfc: {  	[sflag:s16] =	ssyncadd.s32 $0xFFFFF380  }
0xfd: {  	_ =	swait.ge [sflag:s16], $0xC80  }
0xfe: {  	v2 =	vmov s22;
	[sflag:s16] =	ssyncset.done $0x0  }
0xff: {  	[sflag:s16] =	ssyncadd.s32 $0xFFFFF380  }
0x100: {  	v1 =	vmov s12;
	_ =	swait.ge [sflag:s16], $0xC80  }
0x101: {  	[sflag:s16] =	ssyncset.done $0x0  }
0x102: {  	s12 =	simm.s32 $0x0;
	[sflag:s16] =	ssyncadd.s32 $0xFFFFF380  }
0x103: {  	v3 =	vld.idx.msk [tilespmem:v2+s12+$0xFFFFFFC0 ss:$0x1], $0xffff;
	_ =	sdelay $0x1  }
0x104: {  	v4 =	vld.idx.msk [tilespmem:v1+s12+$0xFFFFFFE0 ss:$0x1], $0xffff;
	_ =	sdelay $0x2  }
0x105: {  	v3 =	vmul.u32 $0x2710, v3;
	_ =	sdelay $0x1  }
0x106: {  	v3 =	vadd.s32 v4, v3  }
0x107: {  	[tilespmem:v1+s12+$0xFFFFFFE0 ss:$0x1] =	vst.idx.msk $0xffff, v3  }
0x108: {  	v3 =	vld.idx.msk [tilespmem:v2+s12+$0xFFFFFFD0 ss:$0x1], $0xffff;
	_ =	sdelay $0x1  }
0x109: {  	v4 =	vld.idx.msk [tilespmem:v1+s12+$0xFFFFFFF0 ss:$0x1], $0xffff;
	_ =	sdelay $0x2  }
0x10a: {  	v3 =	vmul.u32 $0x2710, v3;
	_ =	sdelay $0x1  }
0x10b: {  	v3 =	vadd.s32 v4, v3  }
0x10c: {  	[tilespmem:v1+s12+$0xFFFFFFF0 ss:$0x1] =	vst.idx.msk $0xffff, v3  }
0x10d: {  	v3 =	vld.idx.msk [tilespmem:v2+s12+$0xFFFFFFE0 ss:$0x1], $0xffff;
	_ =	sdelay $0x1  }
0x10e: {  	v4 =	vld.idx.msk [tilespmem:v1+s12+$0x0 ss:$0x1], $0xffff;
	_ =	sdelay $0x2  }
0x10f: {  	v3 =	vmul.u32 $0x2710, v3;
	_ =	sdelay $0x1  }
0x110: {  	v3 =	vadd.s32 v4, v3  }
0x111: {  	[tilespmem:v1+s12+$0x0 ss:$0x1] =	vst.idx.msk $0xffff, v3  }
0x112: {  	v3 =	vld.idx.msk [tilespmem:v2+s12+$0xFFFFFFF0 ss:$0x1], $0xffff;
	_ =	sdelay $0x1  }
0x113: {  	v4 =	vld.idx.msk [tilespmem:v1+s12+$0x10 ss:$0x1], $0xffff;
	_ =	sdelay $0x2  }
0x114: {  	v3 =	vmul.u32 $0x2710, v3;
	_ =	sdelay $0x1  }
0x115: {  	v3 =	vadd.s32 v4, v3  }
0x116: {  	[tilespmem:v1+s12+$0x10 ss:$0x1] =	vst.idx.msk $0xffff, v3  }
0x117: {  	v3 =	vld.idx.msk [tilespmem:v2+s12+$0x0 ss:$0x1], $0xffff;
	_ =	sdelay $0x1  }
0x118: {  	v4 =	vld.idx.msk [tilespmem:v1+s12+$0x20 ss:$0x1], $0xffff;
	_ =	sdelay $0x2  }
0x119: {  	v3 =	vmul.u32 $0x2710, v3;
	_ =	sdelay $0x1  }
0x11a: {  	s13 =	simm.s32 $0x200;
	s22 =	simm.s32 $0x400;
	v3 =	vadd.s32 v4, v3  }
.LBB2_13:
0x11b: {  	p3 =	seq.s32 s22, $0x3000  }
0x11c: {  	[tilespmem:v1+s12+$0x20 ss:$0x1] =	vst.idx.msk $0xffff, v3;
	s12 =	sshra.s32 s13, $0x2;
	s13 =	smov.u32 s22;
	s22 =	sadd.s32 $0x200, s22  }
0x11d: {  	v3 =	vld.idx.msk [tilespmem:v2+s12+$0xFFFFFFC0 ss:$0x1], $0xffff;
	_ =	sdelay $0x1  }
0x11e: {  	v4 =	vld.idx.msk [tilespmem:v1+s12+$0xFFFFFFE0 ss:$0x1], $0xffff;
	_ =	sdelay $0x3  }
0x11f: {  	v3 =	vmul.u32 $0x2710, v3;
	_ =	sdelay $0x1  }
0x120: {  	v3 =	vadd.s32 v4, v3  }
0x121: {  	[tilespmem:v1+s12+$0xFFFFFFE0 ss:$0x1] =	vst.idx.msk $0xffff, v3  }
0x122: {  	v3 =	vld.idx.msk [tilespmem:v2+s12+$0xFFFFFFD0 ss:$0x1], $0xffff;
	_ =	sdelay $0x1  }
0x123: {  	v4 =	vld.idx.msk [tilespmem:v1+s12+$0xFFFFFFF0 ss:$0x1], $0xffff;
	_ =	sdelay $0x3  }
0x124: {  	v3 =	vmul.u32 $0x2710, v3;
	_ =	sdelay $0x1  }
0x125: {  	v3 =	vadd.s32 v4, v3  }
0x126: {  	[tilespmem:v1+s12+$0xFFFFFFF0 ss:$0x1] =	vst.idx.msk $0xffff, v3  }
0x127: {  	v3 =	vld.idx.msk [tilespmem:v2+s12+$0xFFFFFFE0 ss:$0x1], $0xffff;
	_ =	sdelay $0x1  }
0x128: {  	v4 =	vld.idx.msk [tilespmem:v1+s12+$0x0 ss:$0x1], $0xffff;
	_ =	sdelay $0x3  }
0x129: {  	v3 =	vmul.u32 $0x2710, v3;
	_ =	sdelay $0x1  }
0x12a: {  	v3 =	vadd.s32 v4, v3  }
0x12b: {  	[tilespmem:v1+s12+$0x0 ss:$0x1] =	vst.idx.msk $0xffff, v3  }
0x12c: {  	v3 =	vld.idx.msk [tilespmem:v2+s12+$0xFFFFFFF0 ss:$0x1], $0xffff  }
0x12d: {  	v4 =	vld.idx.msk [tilespmem:v1+s12+$0x10 ss:$0x1], $0xffff;
	_ =	sdelay $0x4  }
0x12e: {  	v3 =	vmul.u32 $0x2710, v3;
	_ =	sdelay $0x1  }
0x12f: {  	v3 =	vadd.s32 v4, v3  }
0x130: {  	[tilespmem:v1+s12+$0x10 ss:$0x1] =	vst.idx.msk $0xffff, v3  }
0x131: {  	v3 =	vld.idx.msk [tilespmem:v2+s12+$0x0 ss:$0x1], $0xffff  }
0x132: {  	v4 =	vld.idx.msk [tilespmem:v1+s12+$0x20 ss:$0x1], $0xffff;
	_ =	sdelay $0x2  }
.Ltmp7:
0x133: {  	(pc) =	sbr.rel @!p3 .LBB2_13-.Ltmp7, $3  }
0x134: {  	_ = 	snop  }
0x135: {  	v3 =	vmul.u32 $0x2710, v3;
	_ =	sdelay $0x1  }
0x136: {  	v3 =	vadd.s32 v4, v3  }
0x137: {  	_ =	sdelay $0x3  }
0x138: {  	s1 =	sshra.s32 s13, $0x2;
	[tilespmem:v1+s12+$0x20 ss:$0x1] =	vst.idx.msk $0xffff, v3  }
0x139: {  	v3 =	vld.idx.msk [tilespmem:v2+s1+$0xFFFFFFC0 ss:$0x1], $0xffff;
	_ =	sdelay $0x1  }
0x13a: {  	v4 =	vld.idx.msk [tilespmem:v1+s1+$0xFFFFFFE0 ss:$0x1], $0xffff;
	_ =	sdelay $0x2  }
0x13b: {  	v3 =	vmul.u32 $0x2710, v3;
	_ =	sdelay $0x1  }
0x13c: {  	v3 =	vadd.s32 v4, v3  }
0x13d: {  	[tilespmem:v1+s1+$0xFFFFFFE0 ss:$0x1] =	vst.idx.msk $0xffff, v3  }
0x13e: {  	v3 =	vld.idx.msk [tilespmem:v2+s1+$0xFFFFFFD0 ss:$0x1], $0xffff;
	_ =	sdelay $0x1  }
0x13f: {  	v61 =	vld.idx.msk [tilespmem:v1+s1+$0xFFFFFFF0 ss:$0x1], $0xffff;
	_ =	sdelay $0x2  }
0x140: {  	v3 =	vmul.u32 $0x2710, v3;
	_ =	sdelay $0x1  }
0x141: {  	v3 =	vadd.s32 v61, v3  }
0x142: {  	[tilespmem:v1+s1+$0xFFFFFFF0 ss:$0x1] =	vst.idx.msk $0xffff, v3  }
0x143: {  	v3 =	vld.idx.msk [tilespmem:v2+s1+$0xFFFFFFE0 ss:$0x1], $0xffff;
	_ =	sdelay $0x1  }
0x144: {  	v62 =	vld.idx.msk [tilespmem:v1+s1+$0x0 ss:$0x1], $0xffff;
	_ =	sdelay $0x2  }
0x145: {  	v3 =	vmul.u32 $0x2710, v3;
	_ =	sdelay $0x1  }
0x146: {  	v3 =	vadd.s32 v62, v3  }
0x147: {  	[tilespmem:v1+s1+$0x0 ss:$0x1] =	vst.idx.msk $0xffff, v3  }
0x148: {  	v3 =	vld.idx.msk [tilespmem:v2+s1+$0xFFFFFFF0 ss:$0x1], $0xffff;
	_ =	sdelay $0x1  }
0x149: {  	v63 =	vld.idx.msk [tilespmem:v1+s1+$0x10 ss:$0x1], $0xffff;
	_ =	sdelay $0x2  }
0x14a: {  	v3 =	vmul.u32 $0x2710, v3;
	_ =	sdelay $0x1  }
0x14b: {  	v3 =	vadd.s32 v63, v3  }
0x14c: {  	[tilespmem:v1+s1+$0x10 ss:$0x1] =	vst.idx.msk $0xffff, v3  }
0x14d: {  	v2 =	vld.idx.msk [tilespmem:v2+s1+$0x0 ss:$0x1], $0xffff;
	_ =	sdelay $0x1  }
0x14e: {  	v3 =	vld.idx.msk [tilespmem:v1+s1+$0x20 ss:$0x1], $0xffff;
	_ =	sdelay $0x2  }
0x14f: {  	v2 =	vmul.u32 $0x2710, v2;
	_ =	sdelay $0x1  }
0x150: {  	v2 =	vadd.s32 v3, v2  }
0x151: {  	[tilespmem:v1+s1+$0x20 ss:$0x1] =	vst.idx.msk $0xffff, v2  }
.Ltmp8:
0x152: {  	(pc) =	sbr.rel .LBB2_9-.Ltmp8, $2  }
0x153: {  	_ =	sdelay $0x2  }
0x154: {  	p1 =	por !p1, !p1;
	p2 =	por !p2, !p2  }
.LBB2_16:
0x155: {  	_ =	sfence.sel $0x180000  }
0x156: {  	[bflag:$0x0] =	sbarrier.arrive $0xFFFF  }
0x157: {  	_ =	strace $0x90000047  }
0x158: {  	[bflag:$0x2] =	sbarrier.arrive $0xFFFF  }
0x159: {  	p0 =	sne.s32 s0, $0x0;
	s0 =	rddreg [dreg:$0x3]  }
0x15a: {  	s0 =	sadd.s32 @!p0 $0x100000, s0  }
0x15b: {  	[sflag:s0] =	ssyncadd.tile.s32 @!p0 $0x1;
	_ =	shalt  }
.Lfunc_end2:
_tile_overlayer_lowered:
.L_overlay_start_2:
0x15c: {  	(tag) =	ssettag $0x2  }
0x15d: {  	s0 =	rddreg [dreg:$0x0];
	s2 =	stileid.u32  }
0x15e: {  	s1 =	rddreg [dreg:$0x1];
	p0 =	sne.s32 s2, $0x0  }
0x15f: {  	s3 =	rddreg [dreg:$0x2];
	[bflag:$0x3] =	sbarrier.arrive $0xFFFF;
	s2 =	simm.s32 @!p0 $0x1C04  }
0x160: {  	[timem:s3], [sflag:s2] =	dma.local @!p0 [hbm:s0], s1  }
0x161: {  	s0 =	simm.s32 @!p0 $0x4  }
0x162: {  	_ =	swait.ge @!p0 [sflag:s0], s1  }
0x163: {  	s1 =	ssub.s32 @!p0 $0x0, s1;
	[sflag:s0] =	ssyncset.done @!p0 $0x0  }
0x164: {  	[sflag:s0] =	ssyncadd.s32 @!p0 s1  }
0x165: {  	[bflag:$0x3] =	sbarrier.arrive $0xFFFF  }
0x166: {  	_ =	shalt  }

</sc_bundles>
